<compile_context>
chip_gen: v7x
topology: tpu7x:2x2x1
jax: 0.10.2.dev20260603
libtpu: 0.0.44.dev20260713+nightly
codegen_flags: <defaults>
</compile_context>

<pallas_src>
import functools

import jax
import jax.numpy as jnp
from jax import lax
from jax.experimental import pallas as pl
from jax.experimental.pallas import tpu as pltpu
from jax.experimental.pallas import tpu_sc as plsc

_L = 16
_NC = 2
_NS = 16
_NW = _NC * _NS
_E = 64
_K = 8
_B = 128
_EB = 8
_S = 65


@functools.lru_cache(maxsize=None)
def _build_router(n_tokens: int):
  tpw = n_tokens // _NW
  nblk = tpw // _B
  half = nblk // 2
  nblk_tot = n_tokens // _B
  mesh = plsc.VectorSubcoreMesh(core_axis_name="c", subcore_axis_name="s",
                                num_cores=_NC, num_subcores=_NS)

  @functools.partial(
      pl.kernel,
      out_type=(
          jax.ShapeDtypeStruct((nblk_tot, _K, _B), jnp.float32),
          jax.ShapeDtypeStruct((nblk_tot, _K, _B), jnp.int32),
      ),
      mesh=mesh,
      compiler_params=pltpu.CompilerParams(needs_layout_passes=False),
      scratch_types=(
          pltpu.VMEM((2, _E // _EB, half, _EB, _B), jnp.float32),
          pltpu.VMEM((half * _B * _S + _L,), jnp.float32),
          pltpu.VMEM((nblk, _K, _B), jnp.float32),
          pltpu.VMEM((nblk, _K, _B), jnp.int32),
          pltpu.VMEM((_E,), jnp.float32),
          pltpu.SemaphoreType.DMA,
          pltpu.SemaphoreType.DMA,
      ),
  )
  def router(logits_hbm, bias_hbm, scores_hbm, assign_hbm,
             v4db, vt, scores_st, assign_st, bias_v, sem0, sem1):
    wid = lax.axis_index("s") * _NC + lax.axis_index("c")
    sems = (sem0, sem1)
    pltpu.sync_copy(bias_hbm, bias_v)

    lane = lax.iota(jnp.int32, _L)
    lt8 = lane < _K
    idx_g = [lane + g * _L for g in range(4)]
    bias_g = [bias_v[pl.ds(g * _L, _L)] for g in range(4)]
    lane_s = lane * _S

    nrounds = nblk // half
    def start_dma(r):
      blk0 = pl.multiple_of(wid * nblk + r * half, half)
      return pltpu.async_copy(
          logits_hbm.at[:, pl.ds(blk0, half), :, :], v4db.at[r % 2], sems[r % 2])

    dma = start_dma(0)
    for r in range(nrounds):
      dma.wait()
      if r + 1 < nrounds:
        dma = start_dma(r + 1)
      v4 = v4db.at[r % 2]

      @plsc.parallel_loop(0, _E * half * _B // _L, step=1, unroll=16)
      def transpose(q):
        e = q >> 5
        eh = e >> 3
        el = e & (_EB - 1)
        c = q & 31
        b = c >> 3
        j = c & 7
        row = jnp.exp(v4[eh, b, el, pl.ds(j * _L, _L)])
        base = (b * _B + j * _L) * _S + e
        plsc.store_scatter(vt, [lane_s + jnp.broadcast_to(base, (_L,))], row)

      @plsc.parallel_loop(0, half * _B, step=1, unroll=4)
      def body(i):
        b = r * half + i // _B
        tm = i % _B
        bv = jnp.broadcast_to(b, (_L,))
        tv = jnp.broadcast_to(tm, (_L,))
        off = i * _S
        e = [vt[pl.ds(off + g * _L, _L)] for g in range(4)]
        s = plsc.cumsum((e[0] + e[1]) + (e[2] + e[3]))[_L - 1]
        sel = [e[g] / s + bias_g[g] for g in range(4)]
        sk, sv = zip(*(plsc.sort_key_val(sel[g], idx_g[g],
                                         descending=(g % 2 == 0))
                       for g in range(4)))

        def combine(ak, av, bk, bv):
          return jnp.where(lt8, ak, bk), jnp.where(lt8, av, bv)

        k01, v01 = plsc.sort_key_val(*combine(sk[0], sv[0], sk[1], sv[1]),
                                     descending=True)
        k23, v23 = plsc.sort_key_val(*combine(sk[2], sv[2], sk[3], sv[3]),
                                     descending=False)
        fk, fv = plsc.sort_key_val(*combine(k01, v01, k23, v23),
                                   descending=True)

        raw = fk - plsc.load_gather(bias_v, [fv])
        ssum = plsc.cumsum(raw)[_K - 1]
        sc = raw / ssum
        plsc.store_scatter(scores_st, [bv, lane, tv], sc, mask=lt8)
        plsc.store_scatter(assign_st, [bv, lane, tv], fv, mask=lt8)

    out0 = pl.multiple_of(wid * nblk, nblk)
    pltpu.sync_copy(scores_st, scores_hbm.at[pl.ds(out0, nblk)])
    pltpu.sync_copy(assign_st, assign_hbm.at[pl.ds(out0, nblk)])

  return router


def kernel(hidden_states, router_logits, top_k, use_grouped_topk,
           renormalize, e_score_correction_bias):
  del hidden_states, top_k, use_grouped_topk, renormalize
  n_tokens, n_experts = router_logits.shape
  router = _build_router(n_tokens)
  x4 = router_logits.astype(jnp.float32).reshape(
      n_tokens // _B, _B, n_experts // _EB, _EB).transpose(2, 0, 3, 1)
  scores_t, assign_t = router(
      x4, e_score_correction_bias.astype(jnp.float32))
  scores = scores_t.transpose(0, 2, 1).reshape(n_tokens, _K)
  assign = assign_t.transpose(0, 2, 1).reshape(n_tokens, _K)
  return scores, assign

# --- scband reference (transcript-rebuilt; emitter-appended) ---
"""Pipeline reference for scband-mo-erouter-74904229642472 (READ-ONLY COPY).

The authoritative reference and input builder live on the scoring server;
editing this copy changes nothing except your own understanding.
"""

import jax, jax.numpy as jnp
import numpy as np

N_TOKENS = 32768
D_MODEL = 768
NUM_EXPERTS = 64
TOP_K = 8


def setup_inputs(seed: int = 0) -> dict:
    key = jax.random.key(seed)
    k1, k2, k3 = jax.random.split(key, 3)
    hidden_states = jax.random.normal(k1, (N_TOKENS, D_MODEL), dtype=jnp.float32)
    router_logits = jax.random.normal(k2, (N_TOKENS, NUM_EXPERTS), dtype=jnp.float32)
    e_score_correction_bias = jax.random.normal(k3, (NUM_EXPERTS,), dtype=jnp.float32)
    return {
        'hidden_states': hidden_states,
        'router_logits': router_logits,
        'top_k': TOP_K,
        'use_grouped_topk': False,
        'renormalize': True,
        'e_score_correction_bias': e_score_correction_bias,
    }


def reference(hidden_states, router_logits, top_k, use_grouped_topk, renormalize, e_score_correction_bias):
    # top_k_gating kernel semantics (DeepSeek-V3 style bias-corrected routing):
    # softmax over router logits; selection uses probs + correction bias;
    # gating scores use the uncorrected probabilities at the selected experts.
    probs = jax.nn.softmax(router_logits.astype(jnp.float32), axis=-1)
    if e_score_correction_bias is not None:
        selection = probs + e_score_correction_bias[None, :]
    else:
        selection = probs
    _, assignments = jax.lax.top_k(selection, TOP_K)
    assignments = assignments + (top_k - top_k)
    scores = jnp.take_along_axis(probs, assignments, axis=1)
    scores = jnp.where(
        renormalize,
        scores / jnp.sum(scores, axis=-1, keepdims=True),
        scores,
    )
    # expert_counts side-buffer (int32[num_experts]) computed by the kernel
    num_experts = router_logits.shape[1]
    expert_counts = jnp.bincount(assignments.reshape(-1), length=num_experts).astype(jnp.int32)
    del expert_counts  # side effect buffer in original; returned values below match __call__
    return scores, assignments.astype(jnp.int32)

if __name__ == "__main__":
    import jax
    _d = setup_inputs()
    print(jax.jit(kernel)(*tuple(_d.values())))

</pallas_src>

<mosaic_0001>
#map = affine_map<(d0, d1) -> (0, 0, 0, 0)>
#map1 = affine_map<(d0, d1) -> (0)>
#map2 = affine_map<(d0, d1) -> (0, 0, 0)>
module attributes {stable_mosaic.version = 14 : i64} {
  func.func @router(%arg0: i32, %arg1: i32, %arg2: memref<8x256x8x128xf32, #tpu.memory_space<hbm>>, %arg3: memref<64xf32, #tpu.memory_space<hbm>>, %arg4: memref<256x8x128xf32, #tpu.memory_space<hbm>>, %arg5: memref<256x8x128xi32, #tpu.memory_space<hbm>>, %arg6: memref<2x8x4x8x128xf32, #tpu.memory_space<vmem>>, %arg7: memref<33296xf32, #tpu.memory_space<vmem>>, %arg8: memref<8x8x128xf32, #tpu.memory_space<vmem>>, %arg9: memref<8x8x128xi32, #tpu.memory_space<vmem>>, %arg10: memref<64xf32, #tpu.memory_space<vmem>>, %arg11: memref<!tpu.dma_semaphore, #tpu.memory_space<semaphore_mem>>, %arg12: memref<!tpu.dma_semaphore, #tpu.memory_space<semaphore_mem>>) attributes {dimension_semantics = [#tpu.dimension_semantics<core_parallel>, #tpu.dimension_semantics<subcore_parallel>], iteration_bounds = array<i64: 2, 16>, scalar_prefetch = 0 : i64, scratch_operands = 7 : i64, tpu.core_type = #tpu.core_type<sc_vector_subcore>, window_params = [{transform_indices = #map}, {transform_indices = #map1}, {transform_indices = #map2}, {transform_indices = #map2}]} {
    %mul3A = arith.constant 2 : i32
    %mul3A_0 = arith.muli %arg1, %mul3A : i32
    %add3A = arith.addi %mul3A_0, %arg0 : i32
    "tpu.region"() ({
      %run_scoped3A = tpu.sem_alloc : memref<!tpu.dma_semaphore, #tpu.memory_space<semaphore_mem>>
      tpu.enqueue_dma source(%arg3 : memref<64xf32, #tpu.memory_space<hbm>>) target(%arg10 : memref<64xf32, #tpu.memory_space<vmem>>) target_semaphore(%run_scoped3A : memref<!tpu.dma_semaphore, #tpu.memory_space<semaphore_mem>>)
      tpu.wait_dma2 semaphore(%run_scoped3A : memref<!tpu.dma_semaphore, #tpu.memory_space<semaphore_mem>>) src(%arg3 : memref<64xf32, #tpu.memory_space<hbm>>) dst(%arg10 : memref<64xf32, #tpu.memory_space<vmem>>)
      tpu.yield
    }) : () -> ()
    %iota3A = tpu.iota {dimensions = array<i32: 0>} : vector<16xi32>
    %lt3A = arith.constant 8 : i32
    %lt3A_1 = vector.broadcast %lt3A : i32 to vector<16xi32>
    %lt3A_2 = arith.cmpi slt, %iota3A, %lt3A_1 : vector<16xi32>
    %add3A_3 = arith.constant 0 : i32
    %add3A_4 = vector.broadcast %add3A_3 : i32 to vector<16xi32>
    %add3A_5 = arith.addi %iota3A, %add3A_4 : vector<16xi32>
    %add3A_6 = arith.constant 16 : i32
    %add3A_7 = vector.broadcast %add3A_6 : i32 to vector<16xi32>
    %add3A_8 = arith.addi %iota3A, %add3A_7 : vector<16xi32>
    %add3A_9 = arith.constant 32 : i32
    %add3A_10 = vector.broadcast %add3A_9 : i32 to vector<16xi32>
    %add3A_11 = arith.addi %iota3A, %add3A_10 : vector<16xi32>
    %add3A_12 = arith.constant 48 : i32
    %add3A_13 = vector.broadcast %add3A_12 : i32 to vector<16xi32>
    %add3A_14 = arith.addi %iota3A, %add3A_13 : vector<16xi32>
    %get3A = arith.constant 0 : index
    %get3A_15 = tpu.vector_load %arg10[%get3A] {strides = array<i32>} : memref<64xf32, #tpu.memory_space<vmem>>, vector<16xf32>,
    %get3A_16 = arith.constant 16 : index
    %get3A_17 = tpu.vector_load %arg10[%get3A_16] {strides = array<i32>} : memref<64xf32, #tpu.memory_space<vmem>>, vector<16xf32>,
    %get3A_18 = arith.constant 32 : index
    %get3A_19 = tpu.vector_load %arg10[%get3A_18] {strides = array<i32>} : memref<64xf32, #tpu.memory_space<vmem>>, vector<16xf32>,
    %get3A_20 = arith.constant 48 : index
    %get3A_21 = tpu.vector_load %arg10[%get3A_20] {strides = array<i32>} : memref<64xf32, #tpu.memory_space<vmem>>, vector<16xf32>,
    %mul3A_22 = arith.constant 65 : i32
    %mul3A_23 = vector.broadcast %mul3A_22 : i32 to vector<16xi32>
    %mul3A_24 = arith.muli %iota3A, %mul3A_23 : vector<16xi32>
    %mul3A_25 = arith.constant 8 : i32
    %mul3A_26 = arith.muli %add3A, %mul3A_25 : i32
    %add3A_27 = arith.constant 0 : i32
    %add3A_28 = arith.addi %mul3A_26, %add3A_27 : i32
    %multiple_of3A = tpu.assume_multiple %add3A_28, 4 : i32
    %dma_start3A = arith.constant 0 : i32
    %dma_start3A_29 = arith.constant 0 : i32
    %dma_start3A_30 = arith.constant 0 : i32
    %dma_start3A_31 = arith.constant 0 : i32
    %dma_start3A_32 = arith.constant 0 : i32
    %dma_start3A_33 = tpu.memref_slice %arg6[%dma_start3A, %dma_start3A_29, %dma_start3A_30, %dma_start3A_31, %dma_start3A_32] : memref<2x8x4x8x128xf32, #tpu.memory_space<vmem>> -> memref<1x8x4x8x128xf32, #tpu.memory_space<vmem>>
    %dma_start3A_34 = tpu.memref_squeeze %dma_start3A_33 : memref<1x8x4x8x128xf32, #tpu.memory_space<vmem>> -> memref<8x4x8x128xf32, #tpu.memory_space<vmem>>
    %dma_start3A_35 = arith.constant 0 : i32
    %dma_start3A_36 = arith.constant 0 : i32
    %dma_start3A_37 = arith.constant 0 : i32
    %dma_start3A_38 = tpu.memref_slice %arg2[%dma_start3A_35, %multiple_of3A, %dma_start3A_36, %dma_start3A_37] : memref<8x256x8x128xf32, #tpu.memory_space<hbm>> -> memref<8x4x8x128xf32, #tpu.memory_space<hbm>>
    %dma_start3A_39 = arith.constant 0 : i32
    %dma_start3A_40 = arith.constant 0 : i32
    %dma_start3A_41 = arith.constant 0 : i32
    %dma_start3A_42 = arith.constant 0 : i32
    %dma_start3A_43 = tpu.memref_slice %arg6[%dma_start3A, %dma_start3A_39, %dma_start3A_40, %dma_start3A_41, %dma_start3A_42] : memref<2x8x4x8x128xf32, #tpu.memory_space<vmem>> -> memref<1x8x4x8x128xf32, #tpu.memory_space<vmem>>
    %dma_start3A_44 = tpu.memref_squeeze %dma_start3A_43 : memref<1x8x4x8x128xf32, #tpu.memory_space<vmem>> -> memref<8x4x8x128xf32, #tpu.memory_space<vmem>>
    %dma_start3A_45 = arith.constant 0 : i32
    %dma_start3A_46 = arith.constant 0 : i32
    %dma_start3A_47 = arith.constant 0 : i32
    %dma_start3A_48 = tpu.memref_slice %arg2[%dma_start3A_45, %multiple_of3A, %dma_start3A_46, %dma_start3A_47] : memref<8x256x8x128xf32, #tpu.memory_space<hbm>> -> memref<8x4x8x128xf32, #tpu.memory_space<hbm>>
    tpu.enqueue_dma source(%dma_start3A_48 : memref<8x4x8x128xf32, #tpu.memory_space<hbm>>) target(%dma_start3A_44 : memref<8x4x8x128xf32, #tpu.memory_space<vmem>>) target_semaphore(%arg11 : memref<!tpu.dma_semaphore, #tpu.memory_space<semaphore_mem>>)
    %dma_wait3A = arith.constant 0 : i32
    %dma_wait3A_49 = arith.constant 0 : i32
    %dma_wait3A_50 = arith.constant 0 : i32
    %dma_wait3A_51 = arith.constant 0 : i32
    %dma_wait3A_52 = arith.constant 0 : i32
    %dma_wait3A_53 = tpu.memref_slice %arg6[%dma_wait3A, %dma_wait3A_49, %dma_wait3A_50, %dma_wait3A_51, %dma_wait3A_52] : memref<2x8x4x8x128xf32, #tpu.memory_space<vmem>> -> memref<1x8x4x8x128xf32, #tpu.memory_space<vmem>>
    %dma_wait3A_54 = tpu.memref_squeeze %dma_wait3A_53 : memref<1x8x4x8x128xf32, #tpu.memory_space<vmem>> -> memref<8x4x8x128xf32, #tpu.memory_space<vmem>>
    %dma_wait3A_55 = arith.constant 0 : i32
    %dma_wait3A_56 = arith.constant 0 : i32
    %dma_wait3A_57 = arith.constant 0 : i32
    %dma_wait3A_58 = tpu.memref_slice %arg2[%dma_wait3A_55, %multiple_of3A, %dma_wait3A_56, %dma_wait3A_57] : memref<8x256x8x128xf32, #tpu.memory_space<hbm>> -> memref<8x4x8x128xf32, #tpu.memory_space<hbm>>
    %dma_wait3A_59 = arith.constant 0 : i32
    %dma_wait3A_60 = arith.constant 0 : i32
    %dma_wait3A_61 = arith.constant 0 : i32
    %dma_wait3A_62 = arith.constant 0 : i32
    %dma_wait3A_63 = tpu.memref_slice %arg6[%dma_wait3A, %dma_wait3A_59, %dma_wait3A_60, %dma_wait3A_61, %dma_wait3A_62] : memref<2x8x4x8x128xf32, #tpu.memory_space<vmem>> -> memref<1x8x4x8x128xf32, #tpu.memory_space<vmem>>
    %dma_wait3A_64 = tpu.memref_squeeze %dma_wait3A_63 : memref<1x8x4x8x128xf32, #tpu.memory_space<vmem>> -> memref<8x4x8x128xf32, #tpu.memory_space<vmem>>
    %dma_wait3A_65 = arith.constant 0 : i32
    %dma_wait3A_66 = arith.constant 0 : i32
    %dma_wait3A_67 = arith.constant 0 : i32
    %dma_wait3A_68 = tpu.memref_slice %arg2[%dma_wait3A_65, %multiple_of3A, %dma_wait3A_66, %dma_wait3A_67] : memref<8x256x8x128xf32, #tpu.memory_space<hbm>> -> memref<8x4x8x128xf32, #tpu.memory_space<hbm>>
    tpu.wait_dma2 semaphore(%arg11 : memref<!tpu.dma_semaphore, #tpu.memory_space<semaphore_mem>>) src(%dma_wait3A_68 : memref<8x4x8x128xf32, #tpu.memory_space<hbm>>) dst(%dma_wait3A_64 : memref<8x4x8x128xf32, #tpu.memory_space<vmem>>)
    %mul3A_69 = arith.constant 8 : i32
    %mul3A_70 = arith.muli %add3A, %mul3A_69 : i32
    %add3A_71 = arith.constant 4 : i32
    %add3A_72 = arith.addi %mul3A_70, %add3A_71 : i32
    %multiple_of3A_73 = tpu.assume_multiple %add3A_72, 4 : i32
    %dma_start3A_74 = arith.constant 1 : i32
    %dma_start3A_75 = arith.constant 0 : i32
    %dma_start3A_76 = arith.constant 0 : i32
    %dma_start3A_77 = arith.constant 0 : i32
    %dma_start3A_78 = arith.constant 0 : i32
    %dma_start3A_79 = tpu.memref_slice %arg6[%dma_start3A_74, %dma_start3A_75, %dma_start3A_76, %dma_start3A_77, %dma_start3A_78] : memref<2x8x4x8x128xf32, #tpu.memory_space<vmem>> -> memref<1x8x4x8x128xf32, #tpu.memory_space<vmem>>
    %dma_start3A_80 = tpu.memref_squeeze %dma_start3A_79 : memref<1x8x4x8x128xf32, #tpu.memory_space<vmem>> -> memref<8x4x8x128xf32, #tpu.memory_space<vmem>>
    %dma_start3A_81 = arith.constant 0 : i32
    %dma_start3A_82 = arith.constant 0 : i32
    %dma_start3A_83 = arith.constant 0 : i32
    %dma_start3A_84 = tpu.memref_slice %arg2[%dma_start3A_81, %multiple_of3A_73, %dma_start3A_82, %dma_start3A_83] : memref<8x256x8x128xf32, #tpu.memory_space<hbm>> -> memref<8x4x8x128xf32, #tpu.memory_space<hbm>>
    %dma_start3A_85 = arith.constant 0 : i32
    %dma_start3A_86 = arith.constant 0 : i32
    %dma_start3A_87 = arith.constant 0 : i32
    %dma_start3A_88 = arith.constant 0 : i32
    %dma_start3A_89 = tpu.memref_slice %arg6[%dma_start3A_74, %dma_start3A_85, %dma_start3A_86, %dma_start3A_87, %dma_start3A_88] : memref<2x8x4x8x128xf32, #tpu.memory_space<vmem>> -> memref<1x8x4x8x128xf32, #tpu.memory_space<vmem>>
    %dma_start3A_90 = tpu.memref_squeeze %dma_start3A_89 : memref<1x8x4x8x128xf32, #tpu.memory_space<vmem>> -> memref<8x4x8x128xf32, #tpu.memory_space<vmem>>
    %dma_start3A_91 = arith.constant 0 : i32
    %dma_start3A_92 = arith.constant 0 : i32
    %dma_start3A_93 = arith.constant 0 : i32
    %dma_start3A_94 = tpu.memref_slice %arg2[%dma_start3A_91, %multiple_of3A_73, %dma_start3A_92, %dma_start3A_93] : memref<8x256x8x128xf32, #tpu.memory_space<hbm>> -> memref<8x4x8x128xf32, #tpu.memory_space<hbm>>
    tpu.enqueue_dma source(%dma_start3A_94 : memref<8x4x8x128xf32, #tpu.memory_space<hbm>>) target(%dma_start3A_90 : memref<8x4x8x128xf32, #tpu.memory_space<vmem>>) target_semaphore(%arg12 : memref<!tpu.dma_semaphore, #tpu.memory_space<semaphore_mem>>)
    %parallel_loop3A = arith.constant 0 : i32
    %parallel_loop3A_95 = arith.constant 2048 : i32
    %parallel_loop3A_96 = arith.constant 1 : i32
    %parallel_loop3A_97 = arith.constant 0 : i32
    scf.for %parallel_loop3A_132 = %parallel_loop3A to %parallel_loop3A_95 step %parallel_loop3A_96  : i32 {
      %parallel_loop3A_133 = arith.constant 5 : i32
      %parallel_loop3A_134 = arith.shrsi %parallel_loop3A_132, %parallel_loop3A_133 : i32
      %parallel_loop3A_135 = arith.constant 3 : i32
      %parallel_loop3A_136 = arith.shrsi %parallel_loop3A_134, %parallel_loop3A_135 : i32
      %parallel_loop3A_137 = arith.constant 7 : i32
      %parallel_loop3A_138 = arith.andi %parallel_loop3A_134, %parallel_loop3A_137 : i32
      %parallel_loop3A_139 = arith.constant 31 : i32
      %parallel_loop3A_140 = arith.andi %parallel_loop3A_132, %parallel_loop3A_139 : i32
      %parallel_loop3A_141 = arith.constant 3 : i32
      %parallel_loop3A_142 = arith.shrsi %parallel_loop3A_140, %parallel_loop3A_141 : i32
      %parallel_loop3A_143 = arith.constant 7 : i32
      %parallel_loop3A_144 = arith.andi %parallel_loop3A_140, %parallel_loop3A_143 : i32
      %parallel_loop3A_145 = arith.constant 16 : i32
      %parallel_loop3A_146 = arith.muli %parallel_loop3A_144, %parallel_loop3A_145 : i32
      %parallel_loop3A_147 = arith.constant 0 : i32
      %parallel_loop3A_148 = arith.constant 0 : i32
      %parallel_loop3A_149 = arith.constant 0 : i32
      %parallel_loop3A_150 = arith.constant 0 : i32
      %parallel_loop3A_151 = tpu.memref_slice %arg6[%parallel_loop3A_97, %parallel_loop3A_147, %parallel_loop3A_148, %parallel_loop3A_149, %parallel_loop3A_150] : memref<2x8x4x8x128xf32, #tpu.memory_space<vmem>> -> memref<1x8x4x8x128xf32, #tpu.memory_space<vmem>>
      %parallel_loop3A_152 = tpu.memref_squeeze %parallel_loop3A_151 : memref<1x8x4x8x128xf32, #tpu.memory_space<vmem>> -> memref<8x4x8x128xf32, #tpu.memory_space<vmem>>
      %parallel_loop3A_153 = arith.index_cast %parallel_loop3A_136 : i32 to index
      %parallel_loop3A_154 = arith.index_cast %parallel_loop3A_142 : i32 to index
      %parallel_loop3A_155 = arith.index_cast %parallel_loop3A_138 : i32 to index
      %parallel_loop3A_156 = arith.index_cast %parallel_loop3A_146 : i32 to index
      %parallel_loop3A_157 = tpu.vector_load %parallel_loop3A_152[%parallel_loop3A_153, %parallel_loop3A_154, %parallel_loop3A_155, %parallel_loop3A_156] {strides = array<i32>} : memref<8x4x8x128xf32, #tpu.memory_space<vmem>>, vector<16xf32>,
      %parallel_loop3A_158 = math.exp %parallel_loop3A_157 : vector<16xf32>
      %parallel_loop3A_159 = arith.constant 128 : i32
      %parallel_loop3A_160 = arith.muli %parallel_loop3A_142, %parallel_loop3A_159 : i32
      %parallel_loop3A_161 = arith.constant 16 : i32
      %parallel_loop3A_162 = arith.muli %parallel_loop3A_144, %parallel_loop3A_161 : i32
      %parallel_loop3A_163 = arith.addi %parallel_loop3A_160, %parallel_loop3A_162 : i32
      %parallel_loop3A_164 = arith.constant 65 : i32
      %parallel_loop3A_165 = arith.muli %parallel_loop3A_163, %parallel_loop3A_164 : i32
      %parallel_loop3A_166 = arith.addi %parallel_loop3A_165, %parallel_loop3A_134 : i32
      %parallel_loop3A_167 = vector.broadcast %parallel_loop3A_166 : i32 to vector<16xi32>
      %parallel_loop3A_168 = arith.addi %mul3A_24, %parallel_loop3A_167 : vector<16xi32>
      tpu.vector_store_idx %arg7[%parallel_loop3A_168], %parallel_loop3A_158 : memref<33296xf32, #tpu.memory_space<vmem>>[vector<16xi32>], vector<16xf32>,
    } {sc.loop_unroll_factor = 16 : i64, sc.parallel_access}
    %parallel_loop3A_98 = arith.constant 0 : i32
    %parallel_loop3A_99 = arith.constant 512 : i32
    %parallel_loop3A_100 = arith.constant 1 : i32
    scf.for %parallel_loop3A_132 = %parallel_loop3A_98 to %parallel_loop3A_99 step %parallel_loop3A_100  : i32 {
      %parallel_loop3A_133 = arith.constant 128 : i32
      %parallel_loop3A_134 = arith.divsi %parallel_loop3A_132, %parallel_loop3A_133 : i32
      %parallel_loop3A_135 = arith.constant 0 : i32
      %parallel_loop3A_136 = arith.cmpi sgt, %parallel_loop3A_132, %parallel_loop3A_135 : i32
      %parallel_loop3A_137 = arith.extui %parallel_loop3A_136 : i1 to i32
      %parallel_loop3A_138 = arith.constant 0 : i32
      %parallel_loop3A_139 = arith.cmpi slt, %parallel_loop3A_132, %parallel_loop3A_138 : i32
      %parallel_loop3A_140 = arith.extui %parallel_loop3A_139 : i1 to i32
      %parallel_loop3A_141 = arith.subi %parallel_loop3A_137, %parallel_loop3A_140 : i32
      %parallel_loop3A_142 = arith.constant 0 : i32
      %parallel_loop3A_143 = arith.cmpi sgt, %parallel_loop3A_133, %parallel_loop3A_142 : i32
      %parallel_loop3A_144 = arith.extui %parallel_loop3A_143 : i1 to i32
      %parallel_loop3A_145 = arith.constant 0 : i32
      %parallel_loop3A_146 = arith.cmpi slt, %parallel_loop3A_133, %parallel_loop3A_145 : i32
      %parallel_loop3A_147 = arith.extui %parallel_loop3A_146 : i1 to i32
      %parallel_loop3A_148 = arith.subi %parallel_loop3A_144, %parallel_loop3A_147 : i32
      %parallel_loop3A_149 = arith.cmpi ne, %parallel_loop3A_141, %parallel_loop3A_148 : i32
      %parallel_loop3A_150 = arith.remsi %parallel_loop3A_132, %parallel_loop3A_133 : i32
      %parallel_loop3A_151 = arith.constant 0 : i32
      %parallel_loop3A_152 = arith.cmpi ne, %parallel_loop3A_150, %parallel_loop3A_151 : i32
      %parallel_loop3A_153 = arith.andi %parallel_loop3A_149, %parallel_loop3A_152 : i1
      %parallel_loop3A_154 = arith.constant 1 : i32
      %parallel_loop3A_155 = arith.subi %parallel_loop3A_134, %parallel_loop3A_154 : i32
      %parallel_loop3A_156 = arith.select %parallel_loop3A_153, %parallel_loop3A_155, %parallel_loop3A_134 : i32
      %parallel_loop3A_157 = arith.constant 0 : i32
      %parallel_loop3A_158 = arith.addi %parallel_loop3A_157, %parallel_loop3A_156 : i32
      %parallel_loop3A_159 = arith.constant 128 : i32
      %parallel_loop3A_160 = arith.constant 0 : i32
      %parallel_loop3A_161 = arith.cmpi eq, %parallel_loop3A_159, %parallel_loop3A_160 : i32
      %parallel_loop3A_162 = arith.constant 1 : i32
      %parallel_loop3A_163 = arith.select %parallel_loop3A_161, %parallel_loop3A_162, %parallel_loop3A_159 : i32
      %parallel_loop3A_164 = arith.remsi %parallel_loop3A_132, %parallel_loop3A_163 : i32
      %parallel_loop3A_165 = arith.constant 0 : i32
      %parallel_loop3A_166 = arith.cmpi ne, %parallel_loop3A_164, %parallel_loop3A_165 : i32
      %parallel_loop3A_167 = arith.constant 0 : i32
      %parallel_loop3A_168 = arith.cmpi slt, %parallel_loop3A_164, %parallel_loop3A_167 : i32
      %parallel_loop3A_169 = arith.constant 0 : i32
      %parallel_loop3A_170 = arith.cmpi slt, %parallel_loop3A_163, %parallel_loop3A_169 : i32
      %parallel_loop3A_171 = arith.xori %parallel_loop3A_168, %parallel_loop3A_170 : i1
      %parallel_loop3A_172 = arith.andi %parallel_loop3A_171, %parallel_loop3A_166 : i1
      %parallel_loop3A_173 = arith.addi %parallel_loop3A_164, %parallel_loop3A_163 : i32
      %parallel_loop3A_174 = arith.select %parallel_loop3A_172, %parallel_loop3A_173, %parallel_loop3A_164 : i32
      %parallel_loop3A_175 = vector.broadcast %parallel_loop3A_158 : i32 to vector<16xi32>
      %parallel_loop3A_176 = vector.broadcast %parallel_loop3A_174 : i32 to vector<16xi32>
      %parallel_loop3A_177 = arith.constant 65 : i32
      %parallel_loop3A_178 = arith.muli %parallel_loop3A_132, %parallel_loop3A_177 : i32
      %parallel_loop3A_179 = arith.constant 0 : i32
      %parallel_loop3A_180 = arith.addi %parallel_loop3A_178, %parallel_loop3A_179 : i32
      %parallel_loop3A_181 = arith.index_cast %parallel_loop3A_180 : i32 to index
      %parallel_loop3A_182 = tpu.vector_load %arg7[%parallel_loop3A_181] {strides = array<i32>} : memref<33296xf32, #tpu.memory_space<vmem>>, vector<16xf32>,
      %parallel_loop3A_183 = arith.constant 16 : i32
      %parallel_loop3A_184 = arith.addi %parallel_loop3A_178, %parallel_loop3A_183 : i32
      %parallel_loop3A_185 = arith.index_cast %parallel_loop3A_184 : i32 to index
      %parallel_loop3A_186 = tpu.vector_load %arg7[%parallel_loop3A_185] {strides = array<i32>} : memref<33296xf32, #tpu.memory_space<vmem>>, vector<16xf32>,
      %parallel_loop3A_187 = arith.constant 32 : i32
      %parallel_loop3A_188 = arith.addi %parallel_loop3A_178, %parallel_loop3A_187 : i32
      %parallel_loop3A_189 = arith.index_cast %parallel_loop3A_188 : i32 to index
      %parallel_loop3A_190 = tpu.vector_load %arg7[%parallel_loop3A_189] {strides = array<i32>} : memref<33296xf32, #tpu.memory_space<vmem>>, vector<16xf32>,
      %parallel_loop3A_191 = arith.constant 48 : i32
      %parallel_loop3A_192 = arith.addi %parallel_loop3A_178, %parallel_loop3A_191 : i32
      %parallel_loop3A_193 = arith.index_cast %parallel_loop3A_192 : i32 to index
      %parallel_loop3A_194 = tpu.vector_load %arg7[%parallel_loop3A_193] {strides = array<i32>} : memref<33296xf32, #tpu.memory_space<vmem>>, vector<16xf32>,
      %parallel_loop3A_195 = arith.addf %parallel_loop3A_182, %parallel_loop3A_186 : vector<16xf32>
      %parallel_loop3A_196 = arith.addf %parallel_loop3A_190, %parallel_loop3A_194 : vector<16xf32>
      %parallel_loop3A_197 = arith.addf %parallel_loop3A_195, %parallel_loop3A_196 : vector<16xf32>
      %parallel_loop3A_198 = arith.constant true
      %parallel_loop3A_199 = vector.broadcast %parallel_loop3A_198 : i1 to vector<16xi1>
      %parallel_loop3A_200 = tpu.scan <sum>, %parallel_loop3A_197 masked %parallel_loop3A_199 : vector<16xf32>, vector<16xi1> -> vector<16xf32>
      %parallel_loop3A_201 = vector.extract_strided_slice %parallel_loop3A_200 {offsets = [15], sizes = [1], strides = [1]} : vector<16xf32> to vector<1xf32>
      %parallel_loop3A_202 = vector.extract %parallel_loop3A_201[0] : f32 from vector<1xf32>
      %parallel_loop3A_203 = vector.broadcast %parallel_loop3A_202 : f32 to vector<16xf32>
      %parallel_loop3A_204 = arith.divf %parallel_loop3A_182, %parallel_loop3A_203 : vector<16xf32>
      %parallel_loop3A_205 = arith.addf %parallel_loop3A_204, %get3A_15 : vector<16xf32>
      %parallel_loop3A_206 = vector.broadcast %parallel_loop3A_202 : f32 to vector<16xf32>
      %parallel_loop3A_207 = arith.divf %parallel_loop3A_186, %parallel_loop3A_206 : vector<16xf32>
      %parallel_loop3A_208 = arith.addf %parallel_loop3A_207, %get3A_17 : vector<16xf32>
      %parallel_loop3A_209 = vector.broadcast %parallel_loop3A_202 : f32 to vector<16xf32>
      %parallel_loop3A_210 = arith.divf %parallel_loop3A_190, %parallel_loop3A_209 : vector<16xf32>
      %parallel_loop3A_211 = arith.addf %parallel_loop3A_210, %get3A_19 : vector<16xf32>
      %parallel_loop3A_212 = vector.broadcast %parallel_loop3A_202 : f32 to vector<16xf32>
      %parallel_loop3A_213 = arith.divf %parallel_loop3A_194, %parallel_loop3A_212 : vector<16xf32>
      %parallel_loop3A_214 = arith.addf %parallel_loop3A_213, %get3A_21 : vector<16xf32>
      %parallel_loop3A_215 = arith.constant dense<true> : vector<16xi1>
      %parallel_loop3A_216, %parallel_loop3A_217, %parallel_loop3A_218 = tpu.sort %parallel_loop3A_205, %add3A_5 masked %parallel_loop3A_215 {descending = true} : (vector<16xf32>, vector<16xi32>, vector<16xi1>) -> (vector<16xi1>, vector<16xf32>, vector<16xi32>)
      %parallel_loop3A_219 = arith.constant dense<true> : vector<16xi1>
      %parallel_loop3A_220, %parallel_loop3A_221, %parallel_loop3A_222 = tpu.sort %parallel_loop3A_208, %add3A_8 masked %parallel_loop3A_219 : (vector<16xf32>, vector<16xi32>, vector<16xi1>) -> (vector<16xi1>, vector<16xf32>, vector<16xi32>)
      %parallel_loop3A_223 = arith.constant dense<true> : vector<16xi1>
      %parallel_loop3A_224, %parallel_loop3A_225, %parallel_loop3A_226 = tpu.sort %parallel_loop3A_211, %add3A_11 masked %parallel_loop3A_223 {descending = true} : (vector<16xf32>, vector<16xi32>, vector<16xi1>) -> (vector<16xi1>, vector<16xf32>, vector<16xi32>)
      %parallel_loop3A_227 = arith.constant dense<true> : vector<16xi1>
      %parallel_loop3A_228, %parallel_loop3A_229, %parallel_loop3A_230 = tpu.sort %parallel_loop3A_214, %add3A_14 masked %parallel_loop3A_227 : (vector<16xf32>, vector<16xi32>, vector<16xi1>) -> (vector<16xi1>, vector<16xf32>, vector<16xi32>)
      %parallel_loop3A_231 = arith.select %lt3A_2, %parallel_loop3A_217, %parallel_loop3A_221 : vector<16xi1>, vector<16xf32>
      %parallel_loop3A_232 = arith.select %lt3A_2, %parallel_loop3A_218, %parallel_loop3A_222 : vector<16xi1>, vector<16xi32>
      %parallel_loop3A_233 = arith.constant dense<true> : vector<16xi1>
      %parallel_loop3A_234, %parallel_loop3A_235, %parallel_loop3A_236 = tpu.sort %parallel_loop3A_231, %parallel_loop3A_232 masked %parallel_loop3A_233 {descending = true} : (vector<16xf32>, vector<16xi32>, vector<16xi1>) -> (vector<16xi1>, vector<16xf32>, vector<16xi32>)
      %parallel_loop3A_237 = arith.select %lt3A_2, %parallel_loop3A_225, %parallel_loop3A_229 : vector<16xi1>, vector<16xf32>
      %parallel_loop3A_238 = arith.select %lt3A_2, %parallel_loop3A_226, %parallel_loop3A_230 : vector<16xi1>, vector<16xi32>
      %parallel_loop3A_239 = arith.constant dense<true> : vector<16xi1>
      %parallel_loop3A_240, %parallel_loop3A_241, %parallel_loop3A_242 = tpu.sort %parallel_loop3A_237, %parallel_loop3A_238 masked %parallel_loop3A_239 : (vector<16xf32>, vector<16xi32>, vector<16xi1>) -> (vector<16xi1>, vector<16xf32>, vector<16xi32>)
      %parallel_loop3A_243 = arith.select %lt3A_2, %parallel_loop3A_235, %parallel_loop3A_241 : vector<16xi1>, vector<16xf32>
      %parallel_loop3A_244 = arith.select %lt3A_2, %parallel_loop3A_236, %parallel_loop3A_242 : vector<16xi1>, vector<16xi32>
      %parallel_loop3A_245 = arith.constant dense<true> : vector<16xi1>
      %parallel_loop3A_246, %parallel_loop3A_247, %parallel_loop3A_248 = tpu.sort %parallel_loop3A_243, %parallel_loop3A_244 masked %parallel_loop3A_245 {descending = true} : (vector<16xf32>, vector<16xi32>, vector<16xi1>) -> (vector<16xi1>, vector<16xf32>, vector<16xi32>)
      %parallel_loop3A_249 = tpu.vector_load_idx %arg10[%parallel_loop3A_248] : memref<64xf32, #tpu.memory_space<vmem>>[vector<16xi32>], vector<16xf32>,
      %parallel_loop3A_250 = arith.subf %parallel_loop3A_247, %parallel_loop3A_249 : vector<16xf32>
      %parallel_loop3A_251 = arith.constant true
      %parallel_loop3A_252 = vector.broadcast %parallel_loop3A_251 : i1 to vector<16xi1>
      %parallel_loop3A_253 = tpu.scan <sum>, %parallel_loop3A_250 masked %parallel_loop3A_252 : vector<16xf32>, vector<16xi1> -> vector<16xf32>
      %parallel_loop3A_254 = vector.extract_strided_slice %parallel_loop3A_253 {offsets = [7], sizes = [1], strides = [1]} : vector<16xf32> to vector<1xf32>
      %parallel_loop3A_255 = vector.extract %parallel_loop3A_254[0] : f32 from vector<1xf32>
      %parallel_loop3A_256 = vector.broadcast %parallel_loop3A_255 : f32 to vector<16xf32>
      %parallel_loop3A_257 = arith.divf %parallel_loop3A_250, %parallel_loop3A_256 : vector<16xf32>
      tpu.vector_store_idx %arg8[%parallel_loop3A_175, %iota3A, %parallel_loop3A_176], %parallel_loop3A_257 masked %lt3A_2 : memref<8x8x128xf32, #tpu.memory_space<vmem>>[vector<16xi32>, vector<16xi32>, vector<16xi32>], vector<16xf32>, vector<16xi1>
      tpu.vector_store_idx %arg9[%parallel_loop3A_175, %iota3A, %parallel_loop3A_176], %parallel_loop3A_248 masked %lt3A_2 : memref<8x8x128xi32, #tpu.memory_space<vmem>>[vector<16xi32>, vector<16xi32>, vector<16xi32>], vector<16xi32>, vector<16xi1>
    } {sc.loop_unroll_factor = 4 : i64, sc.parallel_access}
    %dma_wait3A_101 = arith.constant 1 : i32
    %dma_wait3A_102 = arith.constant 0 : i32
    %dma_wait3A_103 = arith.constant 0 : i32
    %dma_wait3A_104 = arith.constant 0 : i32
    %dma_wait3A_105 = arith.constant 0 : i32
    %dma_wait3A_106 = tpu.memref_slice %arg6[%dma_wait3A_101, %dma_wait3A_102, %dma_wait3A_103, %dma_wait3A_104, %dma_wait3A_105] : memref<2x8x4x8x128xf32, #tpu.memory_space<vmem>> -> memref<1x8x4x8x128xf32, #tpu.memory_space<vmem>>
    %dma_wait3A_107 = tpu.memref_squeeze %dma_wait3A_106 : memref<1x8x4x8x128xf32, #tpu.memory_space<vmem>> -> memref<8x4x8x128xf32, #tpu.memory_space<vmem>>
    %dma_wait3A_108 = arith.constant 0 : i32
    %dma_wait3A_109 = arith.constant 0 : i32
    %dma_wait3A_110 = arith.constant 0 : i32
    %dma_wait3A_111 = tpu.memref_slice %arg2[%dma_wait3A_108, %multiple_of3A_73, %dma_wait3A_109, %dma_wait3A_110] : memref<8x256x8x128xf32, #tpu.memory_space<hbm>> -> memref<8x4x8x128xf32, #tpu.memory_space<hbm>>
    %dma_wait3A_112 = arith.constant 0 : i32
    %dma_wait3A_113 = arith.constant 0 : i32
    %dma_wait3A_114 = arith.constant 0 : i32
    %dma_wait3A_115 = arith.constant 0 : i32
    %dma_wait3A_116 = tpu.memref_slice %arg6[%dma_wait3A_101, %dma_wait3A_112, %dma_wait3A_113, %dma_wait3A_114, %dma_wait3A_115] : memref<2x8x4x8x128xf32, #tpu.memory_space<vmem>> -> memref<1x8x4x8x128xf32, #tpu.memory_space<vmem>>
    %dma_wait3A_117 = tpu.memref_squeeze %dma_wait3A_116 : memref<1x8x4x8x128xf32, #tpu.memory_space<vmem>> -> memref<8x4x8x128xf32, #tpu.memory_space<vmem>>
    %dma_wait3A_118 = arith.constant 0 : i32
    %dma_wait3A_119 = arith.constant 0 : i32
    %dma_wait3A_120 = arith.constant 0 : i32
    %dma_wait3A_121 = tpu.memref_slice %arg2[%dma_wait3A_118, %multiple_of3A_73, %dma_wait3A_119, %dma_wait3A_120] : memref<8x256x8x128xf32, #tpu.memory_space<hbm>> -> memref<8x4x8x128xf32, #tpu.memory_space<hbm>>
    tpu.wait_dma2 semaphore(%arg12 : memref<!tpu.dma_semaphore, #tpu.memory_space<semaphore_mem>>) src(%dma_wait3A_121 : memref<8x4x8x128xf32, #tpu.memory_space<hbm>>) dst(%dma_wait3A_117 : memref<8x4x8x128xf32, #tpu.memory_space<vmem>>)
    %parallel_loop3A_122 = arith.constant 0 : i32
    %parallel_loop3A_123 = arith.constant 2048 : i32
    %parallel_loop3A_124 = arith.constant 1 : i32
    %parallel_loop3A_125 = arith.constant 1 : i32
    scf.for %parallel_loop3A_132 = %parallel_loop3A_122 to %parallel_loop3A_123 step %parallel_loop3A_124  : i32 {
      %parallel_loop3A_133 = arith.constant 5 : i32
      %parallel_loop3A_134 = arith.shrsi %parallel_loop3A_132, %parallel_loop3A_133 : i32
      %parallel_loop3A_135 = arith.constant 3 : i32
      %parallel_loop3A_136 = arith.shrsi %parallel_loop3A_134, %parallel_loop3A_135 : i32
      %parallel_loop3A_137 = arith.constant 7 : i32
      %parallel_loop3A_138 = arith.andi %parallel_loop3A_134, %parallel_loop3A_137 : i32
      %parallel_loop3A_139 = arith.constant 31 : i32
      %parallel_loop3A_140 = arith.andi %parallel_loop3A_132, %parallel_loop3A_139 : i32
      %parallel_loop3A_141 = arith.constant 3 : i32
      %parallel_loop3A_142 = arith.shrsi %parallel_loop3A_140, %parallel_loop3A_141 : i32
      %parallel_loop3A_143 = arith.constant 7 : i32
      %parallel_loop3A_144 = arith.andi %parallel_loop3A_140, %parallel_loop3A_143 : i32
      %parallel_loop3A_145 = arith.constant 16 : i32
      %parallel_loop3A_146 = arith.muli %parallel_loop3A_144, %parallel_loop3A_145 : i32
      %parallel_loop3A_147 = arith.constant 0 : i32
      %parallel_loop3A_148 = arith.constant 0 : i32
      %parallel_loop3A_149 = arith.constant 0 : i32
      %parallel_loop3A_150 = arith.constant 0 : i32
      %parallel_loop3A_151 = tpu.memref_slice %arg6[%parallel_loop3A_125, %parallel_loop3A_147, %parallel_loop3A_148, %parallel_loop3A_149, %parallel_loop3A_150] : memref<2x8x4x8x128xf32, #tpu.memory_space<vmem>> -> memref<1x8x4x8x128xf32, #tpu.memory_space<vmem>>
      %parallel_loop3A_152 = tpu.memref_squeeze %parallel_loop3A_151 : memref<1x8x4x8x128xf32, #tpu.memory_space<vmem>> -> memref<8x4x8x128xf32, #tpu.memory_space<vmem>>
      %parallel_loop3A_153 = arith.index_cast %parallel_loop3A_136 : i32 to index
      %parallel_loop3A_154 = arith.index_cast %parallel_loop3A_142 : i32 to index
      %parallel_loop3A_155 = arith.index_cast %parallel_loop3A_138 : i32 to index
      %parallel_loop3A_156 = arith.index_cast %parallel_loop3A_146 : i32 to index
      %parallel_loop3A_157 = tpu.vector_load %parallel_loop3A_152[%parallel_loop3A_153, %parallel_loop3A_154, %parallel_loop3A_155, %parallel_loop3A_156] {strides = array<i32>} : memref<8x4x8x128xf32, #tpu.memory_space<vmem>>, vector<16xf32>,
      %parallel_loop3A_158 = math.exp %parallel_loop3A_157 : vector<16xf32>
      %parallel_loop3A_159 = arith.constant 128 : i32
      %parallel_loop3A_160 = arith.muli %parallel_loop3A_142, %parallel_loop3A_159 : i32
      %parallel_loop3A_161 = arith.constant 16 : i32
      %parallel_loop3A_162 = arith.muli %parallel_loop3A_144, %parallel_loop3A_161 : i32
      %parallel_loop3A_163 = arith.addi %parallel_loop3A_160, %parallel_loop3A_162 : i32
      %parallel_loop3A_164 = arith.constant 65 : i32
      %parallel_loop3A_165 = arith.muli %parallel_loop3A_163, %parallel_loop3A_164 : i32
      %parallel_loop3A_166 = arith.addi %parallel_loop3A_165, %parallel_loop3A_134 : i32
      %parallel_loop3A_167 = vector.broadcast %parallel_loop3A_166 : i32 to vector<16xi32>
      %parallel_loop3A_168 = arith.addi %mul3A_24, %parallel_loop3A_167 : vector<16xi32>
      tpu.vector_store_idx %arg7[%parallel_loop3A_168], %parallel_loop3A_158 : memref<33296xf32, #tpu.memory_space<vmem>>[vector<16xi32>], vector<16xf32>,
    } {sc.loop_unroll_factor = 16 : i64, sc.parallel_access}
    %parallel_loop3A_126 = arith.constant 0 : i32
    %parallel_loop3A_127 = arith.constant 512 : i32
    %parallel_loop3A_128 = arith.constant 1 : i32
    scf.for %parallel_loop3A_132 = %parallel_loop3A_126 to %parallel_loop3A_127 step %parallel_loop3A_128  : i32 {
      %parallel_loop3A_133 = arith.constant 128 : i32
      %parallel_loop3A_134 = arith.divsi %parallel_loop3A_132, %parallel_loop3A_133 : i32
      %parallel_loop3A_135 = arith.constant 0 : i32
      %parallel_loop3A_136 = arith.cmpi sgt, %parallel_loop3A_132, %parallel_loop3A_135 : i32
      %parallel_loop3A_137 = arith.extui %parallel_loop3A_136 : i1 to i32
      %parallel_loop3A_138 = arith.constant 0 : i32
      %parallel_loop3A_139 = arith.cmpi slt, %parallel_loop3A_132, %parallel_loop3A_138 : i32
      %parallel_loop3A_140 = arith.extui %parallel_loop3A_139 : i1 to i32
      %parallel_loop3A_141 = arith.subi %parallel_loop3A_137, %parallel_loop3A_140 : i32
      %parallel_loop3A_142 = arith.constant 0 : i32
      %parallel_loop3A_143 = arith.cmpi sgt, %parallel_loop3A_133, %parallel_loop3A_142 : i32
      %parallel_loop3A_144 = arith.extui %parallel_loop3A_143 : i1 to i32
      %parallel_loop3A_145 = arith.constant 0 : i32
      %parallel_loop3A_146 = arith.cmpi slt, %parallel_loop3A_133, %parallel_loop3A_145 : i32
      %parallel_loop3A_147 = arith.extui %parallel_loop3A_146 : i1 to i32
      %parallel_loop3A_148 = arith.subi %parallel_loop3A_144, %parallel_loop3A_147 : i32
      %parallel_loop3A_149 = arith.cmpi ne, %parallel_loop3A_141, %parallel_loop3A_148 : i32
      %parallel_loop3A_150 = arith.remsi %parallel_loop3A_132, %parallel_loop3A_133 : i32
      %parallel_loop3A_151 = arith.constant 0 : i32
      %parallel_loop3A_152 = arith.cmpi ne, %parallel_loop3A_150, %parallel_loop3A_151 : i32
      %parallel_loop3A_153 = arith.andi %parallel_loop3A_149, %parallel_loop3A_152 : i1
      %parallel_loop3A_154 = arith.constant 1 : i32
      %parallel_loop3A_155 = arith.subi %parallel_loop3A_134, %parallel_loop3A_154 : i32
      %parallel_loop3A_156 = arith.select %parallel_loop3A_153, %parallel_loop3A_155, %parallel_loop3A_134 : i32
      %parallel_loop3A_157 = arith.constant 4 : i32
      %parallel_loop3A_158 = arith.addi %parallel_loop3A_157, %parallel_loop3A_156 : i32
      %parallel_loop3A_159 = arith.constant 128 : i32
      %parallel_loop3A_160 = arith.constant 0 : i32
      %parallel_loop3A_161 = arith.cmpi eq, %parallel_loop3A_159, %parallel_loop3A_160 : i32
      %parallel_loop3A_162 = arith.constant 1 : i32
      %parallel_loop3A_163 = arith.select %parallel_loop3A_161, %parallel_loop3A_162, %parallel_loop3A_159 : i32
      %parallel_loop3A_164 = arith.remsi %parallel_loop3A_132, %parallel_loop3A_163 : i32
      %parallel_loop3A_165 = arith.constant 0 : i32
      %parallel_loop3A_166 = arith.cmpi ne, %parallel_loop3A_164, %parallel_loop3A_165 : i32
      %parallel_loop3A_167 = arith.constant 0 : i32
      %parallel_loop3A_168 = arith.cmpi slt, %parallel_loop3A_164, %parallel_loop3A_167 : i32
      %parallel_loop3A_169 = arith.constant 0 : i32
      %parallel_loop3A_170 = arith.cmpi slt, %parallel_loop3A_163, %parallel_loop3A_169 : i32
      %parallel_loop3A_171 = arith.xori %parallel_loop3A_168, %parallel_loop3A_170 : i1
      %parallel_loop3A_172 = arith.andi %parallel_loop3A_171, %parallel_loop3A_166 : i1
      %parallel_loop3A_173 = arith.addi %parallel_loop3A_164, %parallel_loop3A_163 : i32
      %parallel_loop3A_174 = arith.select %parallel_loop3A_172, %parallel_loop3A_173, %parallel_loop3A_164 : i32
      %parallel_loop3A_175 = vector.broadcast %parallel_loop3A_158 : i32 to vector<16xi32>
      %parallel_loop3A_176 = vector.broadcast %parallel_loop3A_174 : i32 to vector<16xi32>
      %parallel_loop3A_177 = arith.constant 65 : i32
      %parallel_loop3A_178 = arith.muli %parallel_loop3A_132, %parallel_loop3A_177 : i32
      %parallel_loop3A_179 = arith.constant 0 : i32
      %parallel_loop3A_180 = arith.addi %parallel_loop3A_178, %parallel_loop3A_179 : i32
      %parallel_loop3A_181 = arith.index_cast %parallel_loop3A_180 : i32 to index
      %parallel_loop3A_182 = tpu.vector_load %arg7[%parallel_loop3A_181] {strides = array<i32>} : memref<33296xf32, #tpu.memory_space<vmem>>, vector<16xf32>,
      %parallel_loop3A_183 = arith.constant 16 : i32
      %parallel_loop3A_184 = arith.addi %parallel_loop3A_178, %parallel_loop3A_183 : i32
      %parallel_loop3A_185 = arith.index_cast %parallel_loop3A_184 : i32 to index
      %parallel_loop3A_186 = tpu.vector_load %arg7[%parallel_loop3A_185] {strides = array<i32>} : memref<33296xf32, #tpu.memory_space<vmem>>, vector<16xf32>,
      %parallel_loop3A_187 = arith.constant 32 : i32
      %parallel_loop3A_188 = arith.addi %parallel_loop3A_178, %parallel_loop3A_187 : i32
      %parallel_loop3A_189 = arith.index_cast %parallel_loop3A_188 : i32 to index
      %parallel_loop3A_190 = tpu.vector_load %arg7[%parallel_loop3A_189] {strides = array<i32>} : memref<33296xf32, #tpu.memory_space<vmem>>, vector<16xf32>,
      %parallel_loop3A_191 = arith.constant 48 : i32
      %parallel_loop3A_192 = arith.addi %parallel_loop3A_178, %parallel_loop3A_191 : i32
      %parallel_loop3A_193 = arith.index_cast %parallel_loop3A_192 : i32 to index
      %parallel_loop3A_194 = tpu.vector_load %arg7[%parallel_loop3A_193] {strides = array<i32>} : memref<33296xf32, #tpu.memory_space<vmem>>, vector<16xf32>,
      %parallel_loop3A_195 = arith.addf %parallel_loop3A_182, %parallel_loop3A_186 : vector<16xf32>
      %parallel_loop3A_196 = arith.addf %parallel_loop3A_190, %parallel_loop3A_194 : vector<16xf32>
      %parallel_loop3A_197 = arith.addf %parallel_loop3A_195, %parallel_loop3A_196 : vector<16xf32>
      %parallel_loop3A_198 = arith.constant true
      %parallel_loop3A_199 = vector.broadcast %parallel_loop3A_198 : i1 to vector<16xi1>
      %parallel_loop3A_200 = tpu.scan <sum>, %parallel_loop3A_197 masked %parallel_loop3A_199 : vector<16xf32>, vector<16xi1> -> vector<16xf32>
      %parallel_loop3A_201 = vector.extract_strided_slice %parallel_loop3A_200 {offsets = [15], sizes = [1], strides = [1]} : vector<16xf32> to vector<1xf32>
      %parallel_loop3A_202 = vector.extract %parallel_loop3A_201[0] : f32 from vector<1xf32>
      %parallel_loop3A_203 = vector.broadcast %parallel_loop3A_202 : f32 to vector<16xf32>
      %parallel_loop3A_204 = arith.divf %parallel_loop3A_182, %parallel_loop3A_203 : vector<16xf32>
      %parallel_loop3A_205 = arith.addf %parallel_loop3A_204, %get3A_15 : vector<16xf32>
      %parallel_loop3A_206 = vector.broadcast %parallel_loop3A_202 : f32 to vector<16xf32>
      %parallel_loop3A_207 = arith.divf %parallel_loop3A_186, %parallel_loop3A_206 : vector<16xf32>
      %parallel_loop3A_208 = arith.addf %parallel_loop3A_207, %get3A_17 : vector<16xf32>
      %parallel_loop3A_209 = vector.broadcast %parallel_loop3A_202 : f32 to vector<16xf32>
      %parallel_loop3A_210 = arith.divf %parallel_loop3A_190, %parallel_loop3A_209 : vector<16xf32>
      %parallel_loop3A_211 = arith.addf %parallel_loop3A_210, %get3A_19 : vector<16xf32>
      %parallel_loop3A_212 = vector.broadcast %parallel_loop3A_202 : f32 to vector<16xf32>
      %parallel_loop3A_213 = arith.divf %parallel_loop3A_194, %parallel_loop3A_212 : vector<16xf32>
      %parallel_loop3A_214 = arith.addf %parallel_loop3A_213, %get3A_21 : vector<16xf32>
      %parallel_loop3A_215 = arith.constant dense<true> : vector<16xi1>
      %parallel_loop3A_216, %parallel_loop3A_217, %parallel_loop3A_218 = tpu.sort %parallel_loop3A_205, %add3A_5 masked %parallel_loop3A_215 {descending = true} : (vector<16xf32>, vector<16xi32>, vector<16xi1>) -> (vector<16xi1>, vector<16xf32>, vector<16xi32>)
      %parallel_loop3A_219 = arith.constant dense<true> : vector<16xi1>
      %parallel_loop3A_220, %parallel_loop3A_221, %parallel_loop3A_222 = tpu.sort %parallel_loop3A_208, %add3A_8 masked %parallel_loop3A_219 : (vector<16xf32>, vector<16xi32>, vector<16xi1>) -> (vector<16xi1>, vector<16xf32>, vector<16xi32>)
      %parallel_loop3A_223 = arith.constant dense<true> : vector<16xi1>
      %parallel_loop3A_224, %parallel_loop3A_225, %parallel_loop3A_226 = tpu.sort %parallel_loop3A_211, %add3A_11 masked %parallel_loop3A_223 {descending = true} : (vector<16xf32>, vector<16xi32>, vector<16xi1>) -> (vector<16xi1>, vector<16xf32>, vector<16xi32>)
      %parallel_loop3A_227 = arith.constant dense<true> : vector<16xi1>
      %parallel_loop3A_228, %parallel_loop3A_229, %parallel_loop3A_230 = tpu.sort %parallel_loop3A_214, %add3A_14 masked %parallel_loop3A_227 : (vector<16xf32>, vector<16xi32>, vector<16xi1>) -> (vector<16xi1>, vector<16xf32>, vector<16xi32>)
      %parallel_loop3A_231 = arith.select %lt3A_2, %parallel_loop3A_217, %parallel_loop3A_221 : vector<16xi1>, vector<16xf32>
      %parallel_loop3A_232 = arith.select %lt3A_2, %parallel_loop3A_218, %parallel_loop3A_222 : vector<16xi1>, vector<16xi32>
      %parallel_loop3A_233 = arith.constant dense<true> : vector<16xi1>
      %parallel_loop3A_234, %parallel_loop3A_235, %parallel_loop3A_236 = tpu.sort %parallel_loop3A_231, %parallel_loop3A_232 masked %parallel_loop3A_233 {descending = true} : (vector<16xf32>, vector<16xi32>, vector<16xi1>) -> (vector<16xi1>, vector<16xf32>, vector<16xi32>)
      %parallel_loop3A_237 = arith.select %lt3A_2, %parallel_loop3A_225, %parallel_loop3A_229 : vector<16xi1>, vector<16xf32>
      %parallel_loop3A_238 = arith.select %lt3A_2, %parallel_loop3A_226, %parallel_loop3A_230 : vector<16xi1>, vector<16xi32>
      %parallel_loop3A_239 = arith.constant dense<true> : vector<16xi1>
      %parallel_loop3A_240, %parallel_loop3A_241, %parallel_loop3A_242 = tpu.sort %parallel_loop3A_237, %parallel_loop3A_238 masked %parallel_loop3A_239 : (vector<16xf32>, vector<16xi32>, vector<16xi1>) -> (vector<16xi1>, vector<16xf32>, vector<16xi32>)
      %parallel_loop3A_243 = arith.select %lt3A_2, %parallel_loop3A_235, %parallel_loop3A_241 : vector<16xi1>, vector<16xf32>
      %parallel_loop3A_244 = arith.select %lt3A_2, %parallel_loop3A_236, %parallel_loop3A_242 : vector<16xi1>, vector<16xi32>
      %parallel_loop3A_245 = arith.constant dense<true> : vector<16xi1>
      %parallel_loop3A_246, %parallel_loop3A_247, %parallel_loop3A_248 = tpu.sort %parallel_loop3A_243, %parallel_loop3A_244 masked %parallel_loop3A_245 {descending = true} : (vector<16xf32>, vector<16xi32>, vector<16xi1>) -> (vector<16xi1>, vector<16xf32>, vector<16xi32>)
      %parallel_loop3A_249 = tpu.vector_load_idx %arg10[%parallel_loop3A_248] : memref<64xf32, #tpu.memory_space<vmem>>[vector<16xi32>], vector<16xf32>,
      %parallel_loop3A_250 = arith.subf %parallel_loop3A_247, %parallel_loop3A_249 : vector<16xf32>
      %parallel_loop3A_251 = arith.constant true
      %parallel_loop3A_252 = vector.broadcast %parallel_loop3A_251 : i1 to vector<16xi1>
      %parallel_loop3A_253 = tpu.scan <sum>, %parallel_loop3A_250 masked %parallel_loop3A_252 : vector<16xf32>, vector<16xi1> -> vector<16xf32>
      %parallel_loop3A_254 = vector.extract_strided_slice %parallel_loop3A_253 {offsets = [7], sizes = [1], strides = [1]} : vector<16xf32> to vector<1xf32>
      %parallel_loop3A_255 = vector.extract %parallel_loop3A_254[0] : f32 from vector<1xf32>
      %parallel_loop3A_256 = vector.broadcast %parallel_loop3A_255 : f32 to vector<16xf32>
      %parallel_loop3A_257 = arith.divf %parallel_loop3A_250, %parallel_loop3A_256 : vector<16xf32>
      tpu.vector_store_idx %arg8[%parallel_loop3A_175, %iota3A, %parallel_loop3A_176], %parallel_loop3A_257 masked %lt3A_2 : memref<8x8x128xf32, #tpu.memory_space<vmem>>[vector<16xi32>, vector<16xi32>, vector<16xi32>], vector<16xf32>, vector<16xi1>
      tpu.vector_store_idx %arg9[%parallel_loop3A_175, %iota3A, %parallel_loop3A_176], %parallel_loop3A_248 masked %lt3A_2 : memref<8x8x128xi32, #tpu.memory_space<vmem>>[vector<16xi32>, vector<16xi32>, vector<16xi32>], vector<16xi32>, vector<16xi1>
    } {sc.loop_unroll_factor = 4 : i64, sc.parallel_access}
    %mul3A_129 = arith.constant 8 : i32
    %mul3A_130 = arith.muli %add3A, %mul3A_129 : i32
    %multiple_of3A_131 = tpu.assume_multiple %mul3A_130, 8 : i32
    "tpu.region"() ({
      %run_scoped3A = tpu.sem_alloc : memref<!tpu.dma_semaphore, #tpu.memory_space<semaphore_mem>>
      %dma_start3A_132 = arith.constant 0 : i32
      %dma_start3A_133 = arith.constant 0 : i32
      %dma_start3A_134 = tpu.memref_slice %arg4[%multiple_of3A_131, %dma_start3A_132, %dma_start3A_133] : memref<256x8x128xf32, #tpu.memory_space<hbm>> -> memref<8x8x128xf32, #tpu.memory_space<hbm>>
      %dma_start3A_135 = arith.constant 0 : i32
      %dma_start3A_136 = arith.constant 0 : i32
      %dma_start3A_137 = tpu.memref_slice %arg4[%multiple_of3A_131, %dma_start3A_135, %dma_start3A_136] : memref<256x8x128xf32, #tpu.memory_space<hbm>> -> memref<8x8x128xf32, #tpu.memory_space<hbm>>
      tpu.enqueue_dma source(%arg8 : memref<8x8x128xf32, #tpu.memory_space<vmem>>) target(%dma_start3A_137 : memref<8x8x128xf32, #tpu.memory_space<hbm>>) target_semaphore(%run_scoped3A : memref<!tpu.dma_semaphore, #tpu.memory_space<semaphore_mem>>)
      %dma_wait3A_138 = arith.constant 0 : i32
      %dma_wait3A_139 = arith.constant 0 : i32
      %dma_wait3A_140 = tpu.memref_slice %arg4[%multiple_of3A_131, %dma_wait3A_138, %dma_wait3A_139] : memref<256x8x128xf32, #tpu.memory_space<hbm>> -> memref<8x8x128xf32, #tpu.memory_space<hbm>>
      %dma_wait3A_141 = arith.constant 0 : i32
      %dma_wait3A_142 = arith.constant 0 : i32
      %dma_wait3A_143 = tpu.memref_slice %arg4[%multiple_of3A_131, %dma_wait3A_141, %dma_wait3A_142] : memref<256x8x128xf32, #tpu.memory_space<hbm>> -> memref<8x8x128xf32, #tpu.memory_space<hbm>>
      tpu.wait_dma2 semaphore(%run_scoped3A : memref<!tpu.dma_semaphore, #tpu.memory_space<semaphore_mem>>) src(%arg8 : memref<8x8x128xf32, #tpu.memory_space<vmem>>) dst(%dma_wait3A_143 : memref<8x8x128xf32, #tpu.memory_space<hbm>>)
      tpu.yield
    }) : () -> ()
    "tpu.region"() ({
      %run_scoped3A = tpu.sem_alloc : memref<!tpu.dma_semaphore, #tpu.memory_space<semaphore_mem>>
      %dma_start3A_132 = arith.constant 0 : i32
      %dma_start3A_133 = arith.constant 0 : i32
      %dma_start3A_134 = tpu.memref_slice %arg5[%multiple_of3A_131, %dma_start3A_132, %dma_start3A_133] : memref<256x8x128xi32, #tpu.memory_space<hbm>> -> memref<8x8x128xi32, #tpu.memory_space<hbm>>
      %dma_start3A_135 = arith.constant 0 : i32
      %dma_start3A_136 = arith.constant 0 : i32
      %dma_start3A_137 = tpu.memref_slice %arg5[%multiple_of3A_131, %dma_start3A_135, %dma_start3A_136] : memref<256x8x128xi32, #tpu.memory_space<hbm>> -> memref<8x8x128xi32, #tpu.memory_space<hbm>>
      tpu.enqueue_dma source(%arg9 : memref<8x8x128xi32, #tpu.memory_space<vmem>>) target(%dma_start3A_137 : memref<8x8x128xi32, #tpu.memory_space<hbm>>) target_semaphore(%run_scoped3A : memref<!tpu.dma_semaphore, #tpu.memory_space<semaphore_mem>>)
      %dma_wait3A_138 = arith.constant 0 : i32
      %dma_wait3A_139 = arith.constant 0 : i32
      %dma_wait3A_140 = tpu.memref_slice %arg5[%multiple_of3A_131, %dma_wait3A_138, %dma_wait3A_139] : memref<256x8x128xi32, #tpu.memory_space<hbm>> -> memref<8x8x128xi32, #tpu.memory_space<hbm>>
      %dma_wait3A_141 = arith.constant 0 : i32
      %dma_wait3A_142 = arith.constant 0 : i32
      %dma_wait3A_143 = tpu.memref_slice %arg5[%multiple_of3A_131, %dma_wait3A_141, %dma_wait3A_142] : memref<256x8x128xi32, #tpu.memory_space<hbm>> -> memref<8x8x128xi32, #tpu.memory_space<hbm>>
      tpu.wait_dma2 semaphore(%run_scoped3A : memref<!tpu.dma_semaphore, #tpu.memory_space<semaphore_mem>>) src(%arg9 : memref<8x8x128xi32, #tpu.memory_space<vmem>>) dst(%dma_wait3A_143 : memref<8x8x128xi32, #tpu.memory_space<hbm>>)
      tpu.yield
    }) : () -> ()
    return
  }
}

</mosaic_0001>

<sc_bundles>
// kernel: kernel.3.cloned.1.call-start
scs
__scs_entry_jumppad:
0x0: {  	(pc) =	sbr.rel $0x88, $3  }
0x1: {  	(tag) =	ssettag $0x0;
	lr =	simm.s32 $0x1  }
0x2: {  	[smem:$0x3F9F] =	sst lr;
	_ =	strace $0xD0000000  }
0x3: {  	_ = 	snop  }
0x4: {  	_ = 	snop  }
0x5: {  	_ = 	snop  }
0x6: {  	_ = 	snop  }
0x7: {  	_ = 	snop  }
__scs_overlays_trampoline_lowered:
0x8: {  	[smem:$0x3FAE] =	sst s0  }
0x9: {  	[smem:$0x3FAF] =	sst s1  }
0xa: {  	[smem:$0x3FB0] =	sst s2  }
0xb: {  	[smem:$0x3FB1] =	sst s3  }
0xc: {  	[smem:$0x3FB2] =	sst s4  }
0xd: {  	[smem:$0x3FB3] =	sst s5  }
0xe: {  	[smem:$0x3FB4] =	sst s6  }
0xf: {  	[smem:$0x3FB5] =	sst s7  }
0x10: {  	[smem:$0x3FB6] =	sst s8  }
0x11: {  	[smem:$0x3FB7] =	sst s9;
	s0 =	simm.s32 @!p0 $0x0  }
0x12: {  	s1 =	sld [smem:$0x3F9D];
	s0 =	simm.s32 @p0 $0x1  }
0x13: {  	[smem:$0x3FB8] =	sst s0;
	s0 =	simm.s32 @!p1 $0x0  }
0x14: {  	s2 =	sld [smem:$0x3F9C];
	s0 =	simm.s32 @p1 $0x1  }
0x15: {  	[smem:$0x3FB9] =	sst s0;
	s0 =	simm.s32 @!p2 $0x0  }
0x16: {  	s3 =	sld [smem:$0x3FDB];
	s0 =	simm.s32 @p2 $0x1  }
0x17: {  	s4 =	simm.s32 $0x1BF5;
	[smem:$0x3FBB] =	sst s0  }
0x18: {  	s0 =	sld [smem:$0x3F9E];
	_ =	swait.ge [sflag:s4], $0x0  }
0x19: {  	s7 =	sld [smem:$0x3F9F]  }
0x1a: {  	s8 =	sadd.s32 $0xFFFFE003, lr  }
0x1b: {  	s9 =	sadd.s32 $0xFFFFFEF7, lr;
	s5 =	simm.s32 $0xFFFFFFFF;
	p2 =	slt.u32 s8, $0xFFFFF086  }
0x1c: {  	p1 =	slt.u32 s9, $0xF7A;
	s5 =	simm.s32 @!p2 $0x0  }
0x1d: {  	s5 =	simm.s32 @p1 $0x1;
	p0 =	seq.s32 s7, s2  }
0x1e: {  	s7 =	smul.u32 @!p0 $0xF7A, s2;
	p2 =	seq.s32 @!p0 s5, $0x0  }
0x1f: {  	s9 =	smul.u32 $0xF7A, s1;
	s8 =	simm.s32 @!p0 $0x1BF5;
	p2 =	por !p2, p0  }
0x20: {  	[sflag:s8] =	ssyncset.s32 @!p0 $0xFFFFF086;
	s6 =	sadd.s32 @!p0 s3, s7;
	s7 =	simm.s32 @!p0 $0x108  }
0x21: {  	s3 =	sadd.s32 s3, s9;
	s6 =	sadd.s32 @!p0 $0x88, s6;
	s7 =	simm.s32 @p2 $0x1082  }
0x22: {  	[simem:s7], [sflag:s8] =	dma.local @!p0 [hbm:s6], $0xF7A  }
0x23: {  	s9 =	sor.u32 $0xD0000000, s2;
	s6 =	simm.s32 $0x108;
	_ =	swait.ge @!p0 [sflag:s8], $0x0  }
0x24: {  	s3 =	sadd.s32 $0x88, s3;
	s6 =	simm.s32 @!p1 $0x1082;
	[sflag:s4] =	ssyncset.s32 $0xFFFFF086  }
0x25: {  	[simem:s6], [sflag:s4] =	dma.local [hbm:s3], $0xF7A  }
0x26: {  	[smem:$0x3F9F] =	sst s1;
	(tag) =	ssettag s2;
	_ =	strace s9  }
0x27: {  	s1 =	sld [smem:$0x3FAF]  }
0x28: {  	s2 =	sld [smem:$0x3FB0]  }
0x29: {  	s4 =	sld [smem:$0x3FB2]  }
0x2a: {  	p0 =	seq.s32 s5, $0x0;
	s5 =	sld [smem:$0x3FB3]  }
0x2b: {  	s6 =	sld [smem:$0x3FB4]  }
0x2c: {  	s7 =	sld [smem:$0x3FB5]  }
0x2d: {  	s3 =	simm.s32 $0x108;
	s8 =	sld [smem:$0x3FB6]  }
0x2e: {  	s3 =	simm.s32 @!p0 $0x1082;
	s9 =	sld [smem:$0x3FB7]  }
0x2f: {  	lr =	sadd.s32 s0, s3;
	s0 =	sld [smem:$0x3FAE]  }
0x30: {  	s3 =	sld [smem:$0x3FB1]  }
0x31: {  	[smem:$0x3FBA] =	sst s10  }
0x32: {  	s10 =	sld [smem:$0x3FB8];
	_ =	sdelay $0x3  }
0x33: {  	p0 =	seq.s32 s10, $0x1;
	s10 =	sld [smem:$0x3FBA];
	_ =	sdelay $0x3  }
0x34: {  	[smem:$0x3FBA] =	sst s10  }
0x35: {  	s10 =	sld [smem:$0x3FB9];
	_ =	sdelay $0x3  }
0x36: {  	p1 =	seq.s32 s10, $0x1;
	s10 =	sld [smem:$0x3FBA];
	_ =	sdelay $0x3  }
0x37: {  	[smem:$0x3FBA] =	sst s10  }
0x38: {  	s10 =	sld [smem:$0x3FBB]  }
0x39: {  	_ = 	snop;
	(pc) =	sbr.ind lr, $3  }
0x3a: {  	_ = 	snop  }
0x3b: {  	_ = 	snop  }
0x3c: {  	p2 =	seq.s32 s10, $0x1;
	s10 =	sld [smem:$0x3FBA]  }
0x3d: {  	_ =	shalt  }
0x3e: {  	_ =	shalt  }
0x3f: {  	_ =	shalt  }
0x40: {  	_ =	shalt  }
0x41: {  	_ =	shalt  }
0x42: {  	_ =	shalt  }
0x43: {  	_ =	shalt  }
0x44: {  	_ =	shalt  }
0x45: {  	_ =	shalt  }
0x46: {  	_ =	shalt  }
0x47: {  	_ =	shalt  }
0x48: {  	_ =	shalt  }
0x49: {  	_ =	shalt  }
0x4a: {  	_ =	shalt  }
0x4b: {  	_ =	shalt  }
0x4c: {  	_ =	shalt  }
0x4d: {  	_ =	shalt  }
0x4e: {  	_ =	shalt  }
0x4f: {  	_ =	shalt  }
0x50: {  	_ =	shalt  }
0x51: {  	_ =	shalt  }
0x52: {  	_ =	shalt  }
0x53: {  	_ =	shalt  }
0x54: {  	_ =	shalt  }
0x55: {  	_ =	shalt  }
0x56: {  	_ =	shalt  }
0x57: {  	_ =	shalt  }
0x58: {  	_ =	shalt  }
0x59: {  	_ =	shalt  }
0x5a: {  	_ =	shalt  }
0x5b: {  	_ =	shalt  }
0x5c: {  	_ =	shalt  }
0x5d: {  	_ =	shalt  }
0x5e: {  	_ =	shalt  }
0x5f: {  	_ =	shalt  }
0x60: {  	_ =	shalt  }
0x61: {  	_ =	shalt  }
0x62: {  	_ =	shalt  }
0x63: {  	_ =	shalt  }
0x64: {  	_ =	shalt  }
0x65: {  	_ =	shalt  }
0x66: {  	_ =	shalt  }
0x67: {  	_ =	shalt  }
0x68: {  	_ =	shalt  }
0x69: {  	_ =	shalt  }
0x6a: {  	_ =	shalt  }
0x6b: {  	_ =	shalt  }
0x6c: {  	_ =	shalt  }
0x6d: {  	_ =	shalt  }
0x6e: {  	_ =	shalt  }
0x6f: {  	_ =	shalt  }
0x70: {  	_ =	shalt  }
0x71: {  	_ =	shalt  }
0x72: {  	_ =	shalt  }
0x73: {  	_ =	shalt  }
0x74: {  	_ =	shalt  }
0x75: {  	_ =	shalt  }
0x76: {  	_ =	shalt  }
0x77: {  	_ =	shalt  }
0x78: {  	_ =	shalt  }
0x79: {  	_ =	shalt  }
0x7a: {  	_ =	shalt  }
0x7b: {  	_ =	shalt  }
0x7c: {  	_ =	shalt  }
0x7d: {  	_ =	shalt  }
0x7e: {  	_ =	shalt  }
0x7f: {  	_ =	shalt  }
0x80: {  	_ =	shalt  }
0x81: {  	_ =	shalt  }
0x82: {  	_ =	shalt  }
0x83: {  	_ =	shalt  }
0x84: {  	_ =	shalt  }
0x85: {  	_ =	shalt  }
0x86: {  	_ =	shalt  }
0x87: {  	_ =	shalt  }
.Lfunc_end0:
.L_simem_size_0:
called_computation_lowered:
.L_overlay_start_0:
0x88: {  	s2 =	sld [smem:$0x3FD9]  }
0x89: {  	s3 =	sld [smem:$0x3FFE];
	_ =	sdelay $0x1  }
0x8a: {  	s1 =	srdreg.scid  }
0x8b: {  	s0 =	sand.u32 $0x1, s1  }
0x8c: {  	s15 =	sshll.u32 s0, $0xA;
	s2 =	sadd.s32 s3, s2  }
0x8d: {  	s2 =	sadd.s32 s2, s15  }
0x8e: {  	[smem:$0x3FC6] =	sst s2  }
0x8f: {  	_ = 	snop  }
0x90: {  	s2 =	sld [smem:$0x3FD0];
	_ =	sdelay $0x1  }
0x91: {  	s16 =	sld [smem:$0x3FC9]  }
0x92: {  	s5 =	simm.s32 $0xA;
	s6 =	simm.s32 $0x10;
	s4 =	sld [smem:$0x3FC8]  }
0x93: {  	[smem:s6], [sflag:s5] =	dma.local [hbm:s2], $0x1  }
0x94: {  	_ =	swait.eq [sflag:s5], $0x1  }
0x95: {  	[sflag:s5] =	ssyncset.done $0x0  }
0x96: {  	s17 =	sld [smem:$0x10];
	[sflag:s5] =	ssyncadd.s32 $0xFFFFFFFF  }
0x97: {  	s18 =	sld [smem:$0x11];
	(tm) =	ssettm $0x1  }
0x98: {  	s19 =	sld [smem:$0x3FFB];
	_ =	sdelay $0x3  }
0x99: {  	_ =	strace s19  }
0x9a: {  	s6 =	sld [smem:$0x3FFC];
	_ =	sdelay $0x3  }
0x9b: {  	_ =	strace s6  }
0x9c: {  	s6 =	sld [smem:$0x3FFD];
	_ =	sdelay $0x3  }
0x9d: {  	_ =	strace s6  }
0x9e: {  	_ =	strace $0x8FFFFFFF  }
0x9f: {  	s20 =	sld [smem:$0x3FDB];
	_ =	sdelay $0x1  }
0xa0: {  	s7 =	simm.s32 $_scs_section_size  }
0xa1: {  	s8 =	simm.s32 $_size__tile_overlayer_lowered;
	s9 =	simm.s32 $_tile_overlayer_lowered  }
0xa2: {  	s23 =	simm.s32 $0x1BFF;
	s22 =	sshll.u32 s9, $0x1;
	s6 =	sadd.s32 s7, s20  }
0xa3: {  	s10 =	simm.s32 $0x0;
	s21 =	sshll.u32 s8, $0x1;
	s8 =	sadd.s32 s22, s6  }
0xa4: {  	[timem:s10], [sflag:s23] =	dma.local [hbm:s8], s21  }
0xa5: {  	_ =	swait.ge [sflag:s23], s21  }
0xa6: {  	s7 =	ssub.s32 $0x0, s21;
	[sflag:s23] =	ssyncset.done $0x0  }
0xa7: {  	[sflag:s23] =	ssyncadd.s32 s7;
	_ =	sdelay $0x1  }
0xa8: {  	s24 =	simm.s32 $0x1B8B  }
0xa9: {  	_ =	swait.ge [sflag:s24], $0x1  }
0xaa: {  	[sflag:s24] =	ssyncset.done $0x0  }
0xab: {  	s25 =	simm.s32 $0x1B8E;
	[sflag:s24] =	ssyncadd.s32 $0xFFFFFFFF  }
0xac: {  	s26 =	simm.s32 $execute0_lowered;
	[smem:$0x3FD2] =	sst s25  }
0xad: {  	s7 =	sshll.u32 s26, $0x1;
	_ =	strace $0x80000046;
	[dreg:$0x1] =	wrdreg $0xFFFFFFFF  }
0xae: {  	s28 =	simm.s32 $_size_execute0_lowered;
	s6 =	sadd.s32 s6, s7;
	[dreg:$0x0] =	wrdreg $0x0  }
0xaf: {  	s7 =	sshll.u32 s28, $0x1;
	[dreg:$0x2] =	wrdreg s6  }
0xb0: {  	[dreg:$0x3] =	wrdreg s7  }
0xb1: {  	[dreg:$0x4] =	wrdreg $0xC0  }
0xb2: {  	_ =	task [dreg:s10], $0x5FFFF  }
0xb3: {  	[dreg:$0x1] =	wrdreg $0xFFFFFFFF  }
0xb4: {  	[dreg:$0x0] =	wrdreg $0x60  }
0xb5: {  	[dreg:$0x2] =	wrdreg s16  }
0xb6: {  	[dreg:$0x3] =	wrdreg s4  }
0xb7: {  	[dreg:$0x4] =	wrdreg s17  }
0xb8: {  	[dreg:$0x5] =	wrdreg s18  }
0xb9: {  	[dreg:$0x6] =	wrdreg $0x9  }
0xba: {  	_ =	task.clear_ibuf [dreg:s10], $0x7FFFF;
	_ =	strace $0x90000046  }
0xbb: {  	s29 =	simm.s32 $0x9;
	_ =	strace $0x80000048  }
0xbc: {  	_ =	swait.ge [sflag:s29], $0x1  }
0xbd: {  	[sflag:s29] =	ssyncadd.s32 $0xFFFFFFFF  }
0xbe: {  	_ =	strace $0x90000048  }
0xbf: {  	_ =	sfence  }
0xc0: {  	s30 =	sld [smem:$0x0];
	_ =	sdelay $0x2  }
0xc1: {  	s31 =	sshll.u32 s1, $0xD;
	s1 =	sshrl.u32 s1, $0x2  }
0xc2: {  	s3 =	sand.u32 $0x4000, s31;
	s1 =	sadd.s32 s1, s30  }
0xc3: {  	s0 =	sor.u32 s3, s0;
	s1 =	sshll.u32 s1, $0x11  }
0xc4: {  	s0 =	sor.u32 s1, s0  }
0xc5: {  	s0 =	sadd.s32 $0x8F2B, s0  }
0xc6: {  	[sflag:s0] =	ssyncadd.remote.s32 $0x1  }
0xc7: {  	_ =	sfence.sel $0xFFFF  }
0xc8: {  	[dreg:$0x0] =	wrdreg $0xFFFFFFFF;
	(pc) =	sbr.abs _section_cstart, $3  }
0xc9: {  	[dreg:$0x1] =	wrdreg $0xFFFFFFFF  }
0xca: {  	_ =	task.clear_ibuf [dreg:s10], $0x2FFFF;
	_ =	strace $0x9FFFFFFF  }
0xcb: {  	(tm) =	ssettm $0x7FFFFFFF  }
tec
execute0_lowered:
.L_overlay_start_1:
0x0: {  	(tag) =	ssettag $0x1  }
0x1: {  	s0 =	rddreg [dreg:$0x0]  }
0x2: {  	s1 =	rddreg [dreg:$0x2]  }
0x3: {  	s2 =	rddreg [dreg:$0x3];
	s3 =	srdreg.scid  }
0x4: {  	s7 =	simm.s32 $0x0;
	s5 =	stileid.u32;
	s3 =	sand.u32 $0x1, s3  }
0x5: {  	s5 =	sshll.u32 s5, $0xB;
	s4 =	ssub.s32 $0x2, s3;
	s3 =	sshll.u32 s3, $0xA  }
0x6: {  	s9 =	simm.s32 $0x1C280;
	s15 =	simm.s32 $0x10000;
	s3 =	sor.u32 s3, s5  }
0x7: {  	s16 =	simm.s32 $0x18280;
	[smem:$0x7FF] =	sst s7;
	s0 =	sadd.s32 s0, s3  }
0x8: {  	_ =	strace $0x80000047;
	s29 =	sadd.s32 s1, s3;
	[dreg:$0x5] =	wrdreg s0  }
0x9: {  	v58 =	vlaneseq.u32;
	s6 =	sshrl.u32 s4, $0x1;
	s30 =	sadd.s32 s2, s3;
	[dreg:$0x7] =	wrdreg s29  }
0xa: {  	v60 =	vmul.u32 $0x80, v58;
	s4 =	ssub.s32 s4, s6;
	s0 =	sadd.s32 $0x200, s0;
	[dreg:$0x8] =	wrdreg s30  }
0xb: {  	vm0 =	vmmov $0xff;
	s17 =	simm.s32 $0x1A280;
	v1 =	vmul.u32 $0x41, v58;
	s31 =	smax.u32 s4, $0x1;
	[dreg:$0x6] =	wrdreg s0  }
0xc: {  	s25 =	simm.s32 $0x0;
	v2 =	vor.u32 $0x10, v58;
	v3 =	vor.u32 $0x20, v58;
	v4 =	vor.u32 $0x30, v58;
	[tilespmem:$0x1FFF0] =	vst v60;
	s1 =	simm.s32 $0x3;
	[dreg:$0x9] =	wrdreg s31  }
.LBB2_1:
0xd: {  	s0 =	rddreg [dreg:$0x1]  }
0xe: {  	[tilespmem:s9], [sflag:$0x3] =	stream.linear.gather [hbm4b:s0+s7], $0x80, $0x38;
	[tilespmem:$0x1C300] =	vst v63  }
0xf: {  	_ =	swait.ge [sflag:s1], $0x80  }
0x10: {  	[sflag:s1] =	ssyncset.done $0x0  }
0x11: {  	[sflag:s1] =	ssyncadd.s32 $0xFFFFFF80  }
0x12: {  	v8 =	vld [tilespmem:$0x1C280]  }
0x13: {  	s8 =	simm.s32 $0x1000;
	s2 =	simm.s32 $0x40000;
	v7 =	vld [tilespmem:$0x1C290]  }
0x14: {  	s10 =	simm.s32 $0x1;
	s3 =	simm.s32 $0x8000;
	s6 =	rddreg [dreg:$0x5];
	v5 =	vld [tilespmem:$0x1C2A0]  }
0x15: {  	v6 =	vld [tilespmem:$0x1C2B0];
	[tilespmem:s7], [sflag:$0x1] =	stream.strided.gather [hbm4b:s6+s8], $0x8000, s2, s8, $0x38  }
0x16: {  	s12 =	sand.u32 $0x2, s7;
	s14 =	sand.u32 $0x7000, s7;
	_ =	swait.ge [sflag:s10], $0x8000  }
0x17: {  	s18 =	simm.s32 $0x0;
	s13 =	sor.u32 $0x1, s12;
	[sflag:s10] =	ssyncset.done $0x0  }
0x18: {  	s4 =	sshll.u32 s13, $0xA;
	s11 =	rddreg [dreg:$0x6];
	[sflag:s10] =	ssyncadd.s32 $0xFFFF8000  }
0x19: {  	[tilespmem:s3], [sflag:$0x2] =	stream.strided.gather [hbm4b:s11+s8], $0x8000, s2, s8, $0x38;
	[tilespmem:$0x1C300] =	vst v63  }
0x1a: {  	s4 =	sor.u32 s4, s14;
	s2 =	sand.u32 $0x380, s18  }
0x1b: {  	s4 =	sor.u32 s2, s4  }
0x1c: {  	v10 =	vld [tilespmem:s4+$0x70]  }
0x1d: {  	v11 =	vld [tilespmem:s4+$0x0]  }
0x1e: {  	v12 =	vld [tilespmem:s4+$0x10]  }
0x1f: {  	v13 =	vld [tilespmem:s4+$0x20]  }
0x20: {  	v14 =	vld [tilespmem:s4+$0x30]  }
0x21: {  	s5 =	sshll.u32 s12, $0xA;
	v15 =	vld [tilespmem:s4+$0x40]  }
0x22: {  	s1 =	sor.u32 s5, s14;
	v16 =	vld [tilespmem:s4+$0x50];
	v10 =	vmul.f32 $1.442695020e+00, v10  }
0x23: {  	s5 =	sor.u32 s2, s1;
	v17 =	vld [tilespmem:s4+$0x60];
	v11 =	vmul.f32 $1.442695020e+00, v11;
	v12 =	vmul.f32 $1.442695020e+00, v12  }
0x24: {  	v13 =	vmul.f32 $1.442695020e+00, v13;
	(erf) = vpow2.f32 v10;
	v10 =	vld [tilespmem:s5+$0x0]  }
0x25: {  	v14 =	vmul.f32 $1.442695020e+00, v14;
	(erf) = vpow2.f32 v11;
	v11 =	vld [tilespmem:s5+$0x10]  }
0x26: {  	s19 =	simm.s32 $0x2;
	v15 =	vmul.f32 $1.442695020e+00, v15;
	(erf) = vpow2.f32 v12;
	v12 =	vld [tilespmem:s5+$0x20]  }
0x27: {  	s0 =	sand.u32 $0x2, s19;
	v16 =	vmul.f32 $1.442695020e+00, v16;
	(erf) = vpow2.f32 v13;
	v13 =	vld [tilespmem:s5+$0x30]  }
0x28: {  	s20 =	simm.s32 $0x100;
	s2 =	smul.u32 $0x2080, s13;
	s1 =	sor.u32 $0x1, s0;
	v17 =	vmul.f32 $1.442695020e+00, v17;
	(erf) = vpow2.f32 v14;
	v14 =	vld [tilespmem:s5+$0x40]  }
0x29: {  	s22 =	simm.s32 $0x40;
	s21 =	sand.u32 $0x7000, s20;
	s8 =	sshll.u32 s1, $0xA;
	(erf) = vpow2.f32 v15;
	v10 =	vmul.f32 $1.442695020e+00, v10;
	v15 =	vld [tilespmem:s5+$0x50]  }
0x2a: {  	s11 =	sand.u32 $0x380, s22;
	s6 =	sadd.s32 $0x0, s2;
	s23 =	sor.u32 s8, s21;
	(erf) = vpow2.f32 v16;
	v11 =	vmul.f32 $1.442695020e+00, v11;
	v16 =	vld [tilespmem:s5+$0x60]  }
0x2b: {  	v18 =	vld [tilespmem:s5+$0x70];
	s10 =	sadd.s32 $0x1C70, s6;
	s26 =	sor.u32 s11, s23;
	(erf) = vpow2.f32 v17;
	v12 =	vmul.f32 $1.442695020e+00, v12  }
0x2c: {  	s24 =	sadd.s32 $0x410, s6;
	v19 =	vld [tilespmem:s26+$0x70];
	v17 =	vadd.s32 s10, v1;
	(erf) = vpow2.f32 v10;
	v20 =	vmul.f32 $1.442695020e+00, v13  }
0x2d: {  	s28 =	sadd.s32 $0x820, s6;
	v21 =	vld [tilespmem:s26+$0x0];
	v10 =	vadd.s32 s24, v1;
	(erf) = vpow2.f32 v11;
	v14 =	vmul.f32 $1.442695020e+00, v14  }
0x2e: {  	s29 =	sadd.s32 $0xC30, s6;
	v22 =	vadd.s32 s28, v1;
	v24 =	vld [tilespmem:s26+$0x20];
	v11 =	vpop (erf);
	(erf) = vpow2.f32 v12;
	v15 =	vmul.f32 $1.442695020e+00, v15  }
0x2f: {  	s30 =	sadd.s32 $0x1040, s6;
	v23 =	vadd.s32 s29, v1;
	v12 =	vld [tilespmem:s26+$0x10];
	v13 =	vpop (erf);
	(erf) = vpow2.f32 v20;
	v16 =	vmul.f32 $1.442695020e+00, v16  }
0x30: {  	s4 =	smul.u32 $0x2080, s12;
	v25 =	vadd.s32 s30, v1;
	v26 =	vld [tilespmem:s26+$0x30];
	v18 =	vmul.f32 $1.442695020e+00, v18;
	v20 =	vpop (erf);
	(erf) = vpow2.f32 v14  }
0x31: {  	s31 =	sadd.s32 $0x1450, s6;
	[tilespmem:v17+s15+$0x0] =	vst.idx.msk $0xffff, v11;
	v11 =	vld [tilespmem:s26+$0x40];
	v14 =	vpop (erf);
	(erf) = vpow2.f32 v15  }
0x32: {  	s8 =	sshll.u32 s0, $0xA;
	s12 =	sadd.s32 $0x0, s4;
	s6 =	sadd.s32 $0x1860, s6;
	v27 =	vadd.s32 s31, v1;
	v17 =	vmul.f32 $1.442695020e+00, v19;
	[tilespmem:v10+s15+$0x0] =	vst.idx.msk $0xffff, v20;
	v20 =	vld [tilespmem:s26+$0x50];
	v15 =	vpop (erf);
	(erf) = vpow2.f32 v16  }
0x33: {  	s14 =	sor.u32 s8, s21;
	s13 =	sadd.s32 $0x410, s12;
	v19 =	vadd.s32 s6, v1;
	v10 =	vmul.f32 $1.442695020e+00, v21;
	[tilespmem:v22+s15+$0x0] =	vst.idx.msk $0xffff, v14;
	v14 =	vld [tilespmem:s26+$0x60];
	v16 =	vpop (erf);
	(erf) = vpow2.f32 v18  }
0x34: {  	s18 =	sadd.s32 $0x820, s12;
	s19 =	sor.u32 s11, s14;
	v21 =	vadd.s32 s13, v1;
	v12 =	vmul.f32 $1.442695020e+00, v12;
	[tilespmem:v23+s15+$0x0] =	vst.idx.msk $0xffff, v15;
	v18 =	vpop (erf);
	(erf) = vpow2.f32 v17  }
0x35: {  	s20 =	sadd.s32 $0xC30, s12;
	v23 =	vmul.f32 $1.442695020e+00, v24;
	v17 =	vadd.s32 s18, v1;
	[tilespmem:v25+s15+$0x0] =	vst.idx.msk $0xffff, v16;
	v16 =	vld [tilespmem:s19+$0x10];
	v22 =	vpop (erf);
	(erf) = vpow2.f32 v10  }
0x36: {  	s3 =	smul.u32 $0x2080, s1;
	s21 =	sadd.s32 $0x1040, s12;
	v15 =	vld [tilespmem:s19+$0x0];
	v24 =	vadd.s32 s20, v1;
	v10 =	vmul.f32 $1.442695020e+00, v26;
	v11 =	vmul.f32 $1.442695020e+00, v11;
	v28 =	vpop (erf)  }
0x37: {  	s23 =	simm.s32 $0x4;
	[tilespmem:v27+s15+$0x0] =	vst.idx.msk $0xffff, v18;
	v18 =	vld [tilespmem:s19+$0x20];
	(erf) = vpow2.f32 v12;
	v12 =	vadd.s32 s21, v1;
	v20 =	vmul.f32 $1.442695020e+00, v20;
	v25 =	vpop (erf)  }
0x38: {  	s31 =	sadd.s32 $0x1450, s12;
	s7 =	sand.u32 $0x2, s23;
	s10 =	sadd.s32 $0x0, s3;
	[tilespmem:v19+s15+$0x0] =	vst.idx.msk $0xffff, v22;
	v19 =	vld [tilespmem:s19+$0x30];
	(erf) = vpow2.f32 v23;
	v14 =	vmul.f32 $1.442695020e+00, v14;
	v26 =	vpop (erf)  }
0x39: {  	s5 =	sor.u32 $0x1, s7;
	s24 =	sadd.s32 $0x1C70, s10;
	v23 =	vadd.s32 s31, v1;
	(erf) = vpow2.f32 v10;
	[tilespmem:v21+s15+$0x0] =	vst.idx.msk $0xffff, v25;
	v21 =	vld [tilespmem:s19+$0x40];
	v27 =	vpop (erf)  }
0x3a: {  	s1 =	simm.s32 $0x200;
	s28 =	sshll.u32 s5, $0xA;
	s6 =	sadd.s32 $0x1860, s12;
	v25 =	vadd.s32 s24, v1;
	(erf) = vpow2.f32 v11;
	[tilespmem:v17+s15+$0x0] =	vst.idx.msk $0xffff, v26;
	v26 =	vld [tilespmem:s19+$0x50];
	v16 =	vmul.f32 $1.442695020e+00, v16;
	v11 =	vpop (erf)  }
0x3b: {  	s14 =	simm.s32 $0x80;
	s13 =	sadd.s32 $0x410, s10;
	s26 =	sand.u32 $0x7000, s1;
	v22 =	vadd.s32 s6, v1;
	v15 =	vmul.f32 $1.442695020e+00, v15;
	(erf) = vpow2.f32 v20;
	[tilespmem:v24+s15+$0x0] =	vst.idx.msk $0xffff, v27;
	v24 =	vld [tilespmem:s19+$0x60];
	v20 =	vpop (erf)  }
0x3c: {  	s22 =	simm.s32 $0x0;
	s30 =	sand.u32 $0x380, s14;
	v17 =	vadd.s32 s13, v1;
	s13 =	sor.u32 s28, s26;
	(erf) = vpow2.f32 v14;
	[tilespmem:v12+s15+$0x0] =	vst.idx.msk $0xffff, v11;
	v12 =	vmul.f32 $1.442695020e+00, v18;
	v14 =	vpop (erf)  }
0x3d: {  	s29 =	sor.u32 s22, s2;
	s31 =	sor.u32 s30, s13;
	v18 =	vld [tilespmem:s19+$0x70];
	v19 =	vmul.f32 $1.442695020e+00, v19;
	(erf) = vpow2.f32 v15;
	v11 =	vpop (erf)  }
0x3e: {  	s11 =	sor.u32 s22, s4;
	v15 =	vadd.s32 s29, v1;
	[tilespmem:v23+s15+$0x0] =	vst.idx.msk $0xffff, v20;
	v20 =	vld [tilespmem:s31+$0x70];
	(erf) = vpow2.f32 v16;
	v16 =	vpop (erf)  }
0x3f: {  	s13 =	sadd.s32 $0x820, s10;
	v27 =	vld [tilespmem:s31+$0x20];
	v23 =	vadd.s32 s11, v1;
	v21 =	vmul.f32 $1.442695020e+00, v21;
	[tilespmem:v25+s15+$0x0] =	vst.idx.msk $0xffff, v16;
	v25 =	vmul.f32 $1.442695020e+00, v26  }
0x40: {  	s14 =	sadd.s32 $0xC30, s10;
	[tilespmem:v22+s15+$0x0] =	vst.idx.msk $0xffff, v14;
	v14 =	vld [tilespmem:s31+$0x0];
	v22 =	vadd.s32 s13, v1;
	(erf) = vpow2.f32 v12;
	v12 =	vpop (erf);
	v24 =	vmul.f32 $1.442695020e+00, v24  }
0x41: {  	s18 =	smul.u32 $0x2080, s0;
	s19 =	sadd.s32 $0x1040, s10;
	v16 =	vld [tilespmem:s31+$0x10];
	v26 =	vadd.s32 s14, v1;
	(erf) = vpow2.f32 v19;
	v19 =	vpop (erf)  }
0x42: {  	s23 =	sshll.u32 s7, $0xA;
	s4 =	smul.u32 $0x2080, s5;
	s21 =	sadd.s32 $0x1450, s10;
	v29 =	vld [tilespmem:s31+$0x30];
	(erf) = vpow2.f32 v21;
	v30 =	vmul.f32 $1.442695020e+00, v18;
	[tilespmem:v17+s15+$0x0] =	vst.idx.msk $0xffff, v19;
	v17 =	vadd.s32 s19, v1;
	v19 =	vpop (erf)  }
0x43: {  	s5 =	simm.s32 $0x1;
	s22 =	sadd.s32 $0x0, s18;
	v31 =	vadd.s32 s21, v1;
	s24 =	sadd.s32 $0x1860, s10;
	v32 =	vld [tilespmem:s31+$0x40];
	(erf) = vpow2.f32 v25;
	[tilespmem:v15+s15+$0x0] =	vst.idx.msk $0xffff, v13;
	v13 =	vmul.f32 $1.442695020e+00, v20;
	v25 =	vpop (erf)  }
0x44: {  	s12 =	sadd.s32 $0x1C70, s12;
	v33 =	vadd.s32 s24, v1;
	s10 =	sor.u32 s23, s26;
	s26 =	sadd.s32 $0x410, s22;
	[tilespmem:v23+s15+$0x0] =	vst.idx.msk $0xffff, v28;
	v28 =	vmul.f32 $1.442695020e+00, v27;
	(erf) = vpow2.f32 v24;
	v24 =	vpop (erf)  }
0x45: {  	s20 =	simm.s32 $0x0;
	s0 =	smul.u32 $0x2080, s7;
	s6 =	simm.s32 $0x20;
	v18 =	vld [tilespmem:s31+$0x50];
	v21 =	vadd.s32 s26, v1;
	v20 =	vmul.f32 $1.442695020e+00, v14;
	[tilespmem:v22+s15+$0x0] =	vst.idx.msk $0xffff, v19;
	(erf) = vpow2.f32 v30;
	v23 =	vpop (erf)  }
0x46: {  	s7 =	sor.u32 s20, s18;
	v10 =	vadd.s32 s12, v1;
	s28 =	sadd.s32 $0x820, s22;
	s2 =	sor.u32 s30, s10;
	v15 =	vld [tilespmem:s31+$0x60];
	v22 =	vmul.f32 $1.442695020e+00, v16;
	(erf) = vpow2.f32 v13;
	[tilespmem:v26+s15+$0x0] =	vst.idx.msk $0xffff, v25;
	v26 =	vpop (erf)  }
0x47: {  	s8 =	sadd.s32 $0x1C70, s22;
	s10 =	sor.u32 s20, s3;
	s29 =	sadd.s32 $0xC30, s22;
	v19 =	vadd.s32 s28, v1;
	v14 =	vld [tilespmem:s2+$0x0];
	v25 =	vmul.f32 $1.442695020e+00, v29;
	(erf) = vpow2.f32 v20;
	[tilespmem:v17+s15+$0x0] =	vst.idx.msk $0xffff, v24;
	v13 =	vpop (erf)  }
0x48: {  	s30 =	sadd.s32 $0x1040, s22;
	s3 =	sadd.s32 $0x1, s0;
	s31 =	sadd.s32 $0x1450, s22;
	v16 =	vld [tilespmem:s2+$0x10];
	v20 =	vadd.s32 s29, v1;
	[tilespmem:v31+s15+$0x0] =	vst.idx.msk $0xffff, v23;
	v24 =	vmul.f32 $1.442695020e+00, v32;
	(erf) = vpow2.f32 v22;
	v27 =	vpop (erf)  }
0x49: {  	s11 =	simm.s32 $0x6;
	s13 =	sadd.s32 $0x1, s4;
	s14 =	sadd.s32 $0x1860, s22;
	v17 =	vld [tilespmem:s2+$0x20];
	v23 =	vadd.s32 s31, v1;
	v22 =	vadd.s32 s30, v1;
	[tilespmem:v33+s15+$0x0] =	vst.idx.msk $0xffff, v26;
	(erf) = vpow2.f32 v28;
	v26 =	vpop (erf)  }
.LBB2_2:
0x4a: {  	v0 =	vmul.f32 $1.442695020e+00, v18;
	(erf) = vpow2.f32 v25;
	[tilespmem:v21+s15+$0x0] =	vst.idx.msk $0xffff, v27;
	v21 =	vadd.s32 s14, v1  }
0x4b: {  	s18 =	sand.u32 $0x2, s11;
	v28 =	vld [tilespmem:s2+$0x30];
	s19 =	sadd.s32 $0x410, s13;
	s20 =	sadd.s32 $0x1C70, s13;
	v25 =	vpop (erf);
	v27 =	vmov v10;
	v29 =	vmov v11;
	v30 =	vmov v12  }
0x4c: {  	s6 =	sadd.s32 $0x10, s6;
	s1 =	sadd.s32 $0x100, s1;
	s12 =	sor.u32 $0x1, s18;
	v12 =	vld [tilespmem:s2+$0x40];
	v10 =	vmul.f32 $1.442695020e+00, v15;
	v15 =	vadd.s32 s20, v1;
	(erf) = vpow2.f32 v24;
	[tilespmem:v19+s15+$0x0] =	vst.idx.msk $0xffff, v26;
	v11 =	vpop (erf)  }
0x4d: {  	s14 =	sand.u32 $0x7000, s1;
	s20 =	sshll.u32 s6, $0x2;
	v24 =	vadd.s32 s19, v1;
	s21 =	sshll.u32 s12, $0xA;
	v14 =	vmul.f32 $1.442695020e+00, v14;
	v19 =	vld [tilespmem:s2+$0x50];
	(erf) = vpow2.f32 v0;
	[tilespmem:v20+s15+$0x0] =	vst.idx.msk $0xffff, v25;
	v18 =	vpop (erf)  }
0x4e: {  	s19 =	sand.u32 $0x380, s20;
	s20 =	sshll.u32 s18, $0xA;
	s21 =	sor.u32 s21, s14;
	v0 =	vmul.f32 $1.442695020e+00, v16;
	v20 =	vld [tilespmem:s2+$0x60];
	(erf) = vpow2.f32 v10;
	[tilespmem:v22+s15+$0x0] =	vst.idx.msk $0xffff, v11;
	v10 =	vadd.s32 s8, v1;
	v22 =	vpop (erf)  }
0x4f: {  	s8 =	sor.u32 s20, s14;
	s20 =	smul.u32 $0x2080, s18;
	s18 =	sor.u32 s19, s21;
	v17 =	vmul.f32 $1.442695020e+00, v17;
	v25 =	vld [tilespmem:s2+$0x70];
	(erf) = vpow2.f32 v14;
	[tilespmem:v23+s15+$0x0] =	vst.idx.msk $0xffff, v18;
	v14 =	vadd.s32 s10, v1;
	v11 =	vpop (erf)  }
0x50: {  	v26 =	vadd.s32 s7, v1;
	s14 =	sadd.s32 $0xC30, s13;
	s2 =	sor.u32 s19, s8;
	s8 =	sadd.s32 $0x820, s13;
	v18 =	vld [tilespmem:s18+$0x70];
	v23 =	vmul.f32 $1.442695020e+00, v28;
	(erf) = vpow2.f32 v0;
	v16 =	vpop (erf);
	[tilespmem:v21+s15+$0x0] =	vst.idx.msk $0xffff, v22  }
0x51: {  	s19 =	sadd.s32 $0x1450, s13;
	v28 =	vadd.s32 s8, v1;
	s8 =	sadd.s32 $0x1040, s13;
	s13 =	sadd.s32 $0x1860, s13;
	v21 =	vld [tilespmem:s18+$0x0];
	v22 =	vmul.f32 $1.442695020e+00, v12;
	[tilespmem:v15+s15+$0x0] =	vst.idx.msk $0xffff, v16;
	(erf) = vpow2.f32 v17;
	v12 =	vpop (erf)  }
0x52: {  	s22 =	sadd.s32 $0x820, s3;
	s21 =	sadd.s32 $0x410, s3;
	s10 =	sor.u32 s5, s4;
	v17 =	vadd.s32 s14, v1;
	v15 =	vld [tilespmem:s18+$0x10];
	v0 =	vmul.f32 $1.442695020e+00, v19;
	(erf) = vpow2.f32 v23;
	v19 =	vpop (erf);
	[tilespmem:v27+s15+$0x0] =	vst.idx.msk $0xffff, v29  }
0x53: {  	s23 =	sadd.s32 $0x1040, s3;
	s7 =	sor.u32 s5, s0;
	s5 =	sadd.s32 $0xC30, s3;
	v23 =	vld [tilespmem:s18+$0x20];
	v20 =	vmul.f32 $1.442695020e+00, v20;
	[tilespmem:v24+s15+$0x0] =	vst.idx.msk $0xffff, v19;
	v24 =	vadd.s32 s8, v1;
	(erf) = vpow2.f32 v22;
	v19 =	vpop (erf)  }
0x54: {  	s24 =	sadd.s32 $0x1450, s3;
	s0 =	smov.u32 s20;
	s14 =	sadd.s32 $0x1860, s3;
	v27 =	vadd.s32 s19, v1;
	v22 =	vld [tilespmem:s18+$0x30];
	v25 =	vmul.f32 $1.442695020e+00, v25;
	(erf) = vpow2.f32 v0;
	v16 =	vpop (erf);
	[tilespmem:v14+s15+$0x0] =	vst.idx.msk $0xffff, v30  }
0x55: {  	p0 =	slt.u32 s6, $0x7F0;
	s8 =	sadd.s32 $0x1C70, s3;
	v30 =	vadd.s32 s13, v1;
	v29 =	vld [tilespmem:s18+$0x40];
	v14 =	vmul.f32 $1.442695020e+00, v18;
	(erf) = vpow2.f32 v20;
	v31 =	vpop (erf);
	[tilespmem:v26+s15+$0x0] =	vst.idx.msk $0xffff, v13  }
.Ltmp0:
0x56: {  	v0 =	vmul.f32 $1.442695020e+00, v21;
	v18 =	vld [tilespmem:s18+$0x50];
	v21 =	vadd.s32 s21, v1;
	[tilespmem:v28+s15+$0x0] =	vst.idx.msk $0xffff, v19;
	(erf) = vpow2.f32 v25;
	v26 =	vpop (erf);
	(pc) =	sbr.rel @p0 .LBB2_2-.Ltmp0, $4  }
0x57: {  	v19 =	vadd.s32 s22, v1;
	v28 =	vmul.f32 $1.442695020e+00, v15;
	v15 =	vld [tilespmem:s18+$0x60];
	(erf) = vpow2.f32 v14;
	[tilespmem:v17+s15+$0x0] =	vst.idx.msk $0xffff, v16;
	v32 =	vpop (erf)  }
0x58: {  	s4 =	smul.u32 $0x2080, s12;
	v20 =	vadd.s32 s5, v1;
	v14 =	vld [tilespmem:s2+$0x0];
	v23 =	vmul.f32 $1.442695020e+00, v23;
	(erf) = vpow2.f32 v0;
	[tilespmem:v24+s15+$0x0] =	vst.idx.msk $0xffff, v31;
	v13 =	vpop (erf)  }
0x59: {  	s12 =	simm.s32 $0x10082;
	s5 =	sshrl.u32 s6, $0x5;
	v16 =	vld [tilespmem:s2+$0x10];
	v25 =	vmul.f32 $1.442695020e+00, v22;
	(erf) = vpow2.f32 v28;
	v22 =	vadd.s32 s23, v1;
	[tilespmem:v27+s15+$0x0] =	vst.idx.msk $0xffff, v26;
	v27 =	vpop (erf)  }
0x5a: {  	s11 =	sadd.s32 $0x2, s11;
	s3 =	sadd.s32 s5, s0;
	s13 =	sadd.s32 s5, s4;
	v17 =	vld [tilespmem:s2+$0x20];
	v24 =	vmul.f32 $1.442695020e+00, v29;
	(erf) = vpow2.f32 v23;
	v23 =	vadd.s32 s24, v1;
	[tilespmem:v30+s15+$0x0] =	vst.idx.msk $0xffff, v32;
	v26 =	vpop (erf)  }
0x5b: {  	_ =	sdelay $0x3  }
0x5c: {  	[tilespmem:v21+s15+$0x0] =	vst.idx.msk $0xffff, v27;
	v28 =	vld [tilespmem:s2+$0x30];
	v18 =	vmul.f32 $1.442695020e+00, v18  }
0x5d: {  	v21 =	vadd.s32 s14, v1;
	v27 =	vpop (erf);
	(erf) = vpow2.f32 v25;
	[tilespmem:v19+s15+$0x0] =	vst.idx.msk $0xffff, v26;
	v26 =	vld [tilespmem:s2+$0x40]  }
0x5e: {  	s1 =	sadd.s32 $0x1C70, s13;
	v19 =	vpop (erf);
	v15 =	vmul.f32 $1.442695020e+00, v15;
	(erf) = vpow2.f32 v24;
	v24 =	vld [tilespmem:s2+$0x50]  }
0x5f: {  	v25 =	vadd.s32 s1, v1;
	[tilespmem:v20+s15+$0x0] =	vst.idx.msk $0xffff, v27;
	v20 =	vpop (erf);
	v14 =	vmul.f32 $1.442695020e+00, v14;
	(erf) = vpow2.f32 v18  }
0x60: {  	s30 =	sadd.s32 $0x410, s13;
	[tilespmem:v22+s15+$0x0] =	vst.idx.msk $0xffff, v19;
	v22 =	vadd.s32 s7, v1;
	v16 =	vmul.f32 $1.442695020e+00, v16;
	v18 =	vpop (erf);
	(erf) = vpow2.f32 v15  }
0x61: {  	v27 =	vadd.s32 s30, v1;
	[tilespmem:v23+s15+$0x0] =	vst.idx.msk $0xffff, v20;
	v17 =	vmul.f32 $1.442695020e+00, v17;
	v20 =	vpop (erf);
	(erf) = vpow2.f32 v14  }
0x62: {  	s31 =	sadd.s32 $0x820, s13;
	v19 =	vld [tilespmem:s2+$0x60];
	v15 =	vadd.s32 s10, v1;
	[tilespmem:v21+s15+$0x0] =	vst.idx.msk $0xffff, v18;
	v18 =	vmul.f32 $1.442695020e+00, v28;
	v21 =	vmul.f32 $1.442695020e+00, v26  }
0x63: {  	s6 =	sadd.s32 $0xC30, s13;
	[tilespmem:v10+s15+$0x0] =	vst.idx.msk $0xffff, v11;
	v10 =	vld [tilespmem:s2+$0x70];
	v14 =	vpop (erf);
	(erf) = vpow2.f32 v16;
	v16 =	vadd.s32 s31, v1;
	v11 =	vmul.f32 $1.442695020e+00, v24  }
0x64: {  	s7 =	sadd.s32 $0x1040, s13;
	[tilespmem:v25+s15+$0x0] =	vst.idx.msk $0xffff, v14;
	v14 =	vpop (erf);
	(erf) = vpow2.f32 v17;
	v17 =	vadd.s32 s6, v1  }
0x65: {  	s10 =	sadd.s32 $0x1450, s13;
	[tilespmem:v22+s15+$0x0] =	vst.idx.msk $0xffff, v13;
	v23 =	vpop (erf);
	(erf) = vpow2.f32 v18;
	v18 =	vadd.s32 s7, v1  }
0x66: {  	s11 =	sadd.s32 $0x1860, s13;
	[tilespmem:v27+s15+$0x0] =	vst.idx.msk $0xffff, v23;
	(erf) = vpow2.f32 v21;
	v21 =	vpop (erf);
	v23 =	vadd.s32 s10, v1  }
0x67: {  	s13 =	sadd.s32 $0x410, s3;
	v19 =	vmul.f32 $1.442695020e+00, v19;
	[tilespmem:v15+s15+$0x0] =	vst.idx.msk $0xffff, v12;
	v12 =	vadd.s32 s11, v1;
	(erf) = vpow2.f32 v11;
	v11 =	vpop (erf)  }
0x68: {  	s14 =	sadd.s32 $0x820, s3;
	v10 =	vmul.f32 $1.442695020e+00, v10;
	v15 =	vadd.s32 s13, v1;
	v13 =	vpop (erf);
	[tilespmem:v16+s15+$0x0] =	vst.idx.msk $0xffff, v21  }
0x69: {  	s18 =	sadd.s32 $0xC30, s3;
	(erf) = vpow2.f32 v19;
	v19 =	vadd.s32 s14, v1;
	v16 =	vpop (erf);
	[tilespmem:v17+s15+$0x0] =	vst.idx.msk $0xffff, v11  }
0x6a: {  	s19 =	sadd.s32 $0x1040, s3;
	v17 =	vadd.s32 s18, v1;
	v11 =	vpop (erf);
	[tilespmem:v18+s15+$0x0] =	vst.idx.msk $0xffff, v13  }
0x6b: {  	v18 =	vadd.s32 s19, v1;
	v13 =	vpop (erf);
	[tilespmem:v23+s15+$0x0] =	vst.idx.msk $0xffff, v16  }
0x6c: {  	s20 =	sadd.s32 $0x1450, s3;
	(erf) = vpow2.f32 v10;
	[tilespmem:v12+s15+$0x0] =	vst.idx.msk $0xffff, v11;
	v12 =	vadd.s32 s8, v1;
	v10 =	vpop (erf)  }
0x6d: {  	s21 =	sadd.s32 $0x1860, s3;
	v16 =	vadd.s32 s20, v1;
	v11 =	vpop (erf);
	[tilespmem:v15+s15+$0x0] =	vst.idx.msk $0xffff, v10  }
0x6e: {  	s22 =	sor.u32 s5, s4;
	v10 =	vadd.s32 s21, v1;
	v15 =	vpop (erf);
	[tilespmem:v19+s15+$0x0] =	vst.idx.msk $0xffff, v11  }
0x6f: {  	s0 =	sor.u32 s5, s0;
	v11 =	vpop (erf);
	[tilespmem:v17+s15+$0x0] =	vst.idx.msk $0xffff, v15;
	v15 =	vadd.s32 s22, v1  }
0x70: {  	s23 =	sadd.s32 $0x1C70, s3;
	[tilespmem:v18+s15+$0x0] =	vst.idx.msk $0xffff, v11;
	v11 =	vadd.s32 s0, v1  }
0x71: {  	v17 =	vpop (erf);
	v18 =	vadd.s32 s23, v1;
	[tilespmem:v12+s15+$0x0] =	vst.idx.msk $0xffff, v20  }
0x72: {  	v19 =	vpop (erf);
	[tilespmem:v16+s15+$0x0] =	vst.idx.msk $0xffff, v17  }
0x73: {  	[tilespmem:v10+s15+$0x0] =	vst.idx.msk $0xffff, v19  }
0x74: {  	[tilespmem:v15+s15+$0x0] =	vst.idx.msk $0xffff, v14  }
0x75: {  	v10 =	vpop (erf);
	[tilespmem:v11+s15+$0x0] =	vst.idx.msk $0xffff, v13  }
0x76: {  	[tilespmem:v18+s15+$0x0] =	vst.idx.msk $0xffff, v10  }
0x77: {  	v12 =	vld [tilespmem:s12+$0x20]  }
0x78: {  	v15 =	vld [tilespmem:s12+$0x30]  }
0x79: {  	v18 =	vld [tilespmem:s12+$0x10]  }
0x7a: {  	v17 =	vld [tilespmem:s12+$0x0]  }
0x7b: {  	v16 =	vld [tilespmem:s12+$0xFFFFFFEF]  }
0x7c: {  	v33 =	vld [tilespmem:s12+$0xFFFFFFDF]  }
0x7d: {  	v32 =	vld [tilespmem:s12+$0xFFFFFFCF]  }
0x7e: {  	v24 =	vld [tilespmem:s12+$0xFFFFFFBF];
	_ =	sdelay $0x1  }
0x7f: {  	v10 =	vadd.f32 v15, v12;
	v11 =	vadd.f32 v18, v17;
	_ =	sdelay $0x1  }
0x80: {  	v10 =	vadd.f32 v10, v11  }
0x81: {  	v14 =	vld [tilespmem:s12+$0x71];
	v13 =	vadd.f32 v32, v24;
	v11 =	vadd.f32 v16, v33  }
0x82: {  	v46 =	vld [tilespmem:s12+$0x61];
	(xrf2) =	vadd.scan.msk.f32 $0xffff, v10  }
0x83: {  	v36 =	vld [tilespmem:s12+$0xFFFFFF8E];
	v13 =	vadd.f32 v11, v13  }
0x84: {  	v59 =	vld [tilespmem:s12+$0xFFFFFFAE]  }
0x85: {  	v11 =	vld [tilespmem:s12+$0xFFFFFF9E];
	(xrf2) =	vadd.scan.msk.f32 $0xffff, v13  }
0x86: {  	v13 =	vld [tilespmem:s12+$0xFFFFFF7E]  }
0x87: {  	v21 =	vld [tilespmem:s12+$0x51]  }
0x88: {  	v25 =	vld [tilespmem:s12+$0x41];
	_ =	sdelay $0x1  }
0x89: {  	s24 =	simm.s32 $0x0;
	s26 =	simm.s32 $0x2;
	p3 =	por $0x1, $0x1  }
.Ltmp1:
0x8a: {  	s28 =	simm.s32 $0x0;
	s29 =	simm.s32 $0x3;
	v19 =	vadd.f32 v59, v11;
	v20 =	vadd.f32 v36, v13;
	(pc) =	sbr.rel @!p3 .LBB2_4-.Ltmp1, $4  }
0x8b: {  	p0 =	por $0x0, $0x0;
	p1 =	por $0x0, $0x0;
	p2 =	por $0x0, $0x0;
	v22 =	vadd.f32 v14, v46;
	v23, _, _ =	vpop (xrf2)  }
0x8c: {  	s1 =	sand.u32 $0x7E, s26;
	s30 =	sand.u32 $0x7C, s24;
	s0 =	sand.u32 $0xFFFFFC00, s28;
	v19 =	vadd.f32 v19, v20;
	v20 =	vadd.f32 v21, v25;
	v23 =	vbroadcast v23, $0xF  }
0x8d: {  	s31 =	sand.u32 $0x7F, s29;
	s20 =	simm.s32 $0x1;
	s4 =	sor.u32 s30, s0  }
0x8e: {  	s18 =	sor.u32 s0, s1;
	s10 =	sor.u32 s0, s31;
	[dreg:$0xa] =	wrdreg s25;
	v37 =	vadd.f32 v22, v20;
	(xrf2) =	vadd.scan.msk.f32 $0xffff, v19;
	v40, _, _ =	vpop (xrf2);
	(erf) = vrcp.f32 v23  }
0x8f: {  	_ =	sdelay $0x8  }
0x90: {  	v19, _, _ =	vpop (xrf2)  }
0x91: {  	v19 =	vbroadcast v19, $0xF;
	_ =	sdelay $0x1  }
0x92: {  	s1 =	simm.s32 $0x10186;
	v20 =	vpop (erf);
	(erf) = vrcp.f32 v19  }
0x93: {  	v29 =	vld [tilespmem:s1+$0xFFFFFFDF]  }
0x94: {  	v30 =	vld [tilespmem:s1+$0xFFFFFFCF];
	(xrf2) =	vadd.scan.msk.f32 $0xffff, v37;
	v19 =	vmul.f32 v20, v15  }
0x95: {  	v22 =	vmul.f32 v20, v12;
	v12 =	vld [tilespmem:s1+$0x20];
	v23 =	vmul.f32 v20, v18  }
0x96: {  	v26 =	vbroadcast v40, $0xF;
	v18 =	vld [tilespmem:s1+$0x10];
	v20 =	vmul.f32 v20, v17;
	v19 =	vadd.f32 v19, v6  }
0x97: {  	v27 =	vadd.f32 v23, v7;
	v15 =	vld [tilespmem:s1+$0x30]  }
0x98: {  	v17 =	vld [tilespmem:s1+$0x0];
	(erf) = vrcp.f32 v26;
	v20 =	vadd.f32 v20, v8;
	(xrf1) =	vsort.ascd.msk.f32 $0xffff, v19, v4  }
0x99: {  	v23 =	vld [tilespmem:s1+$0xFFFFFFEF];
	v19 =	vadd.f32 v22, v5;
	(xrf1) =	vsort.ascd.msk.f32 $0xffff, v27, v2  }
0x9a: {  	v27 =	vld [tilespmem:s1+$0xFFFFFFBF];
	(xrf1) =	vsort.dscd.msk.f32 $0xffff, v20, v58  }
0x9b: {  	(xrf1) =	vsort.dscd.msk.f32 $0xffff, v19, v3;
	v26 =	vpop (erf)  }
0x9c: {  	v13 =	vmul.f32 v26, v13  }
0x9d: {  	v31 =	vld [tilespmem:s1+$0xFFFFFF8E];
	v22 =	vadd.f32 v18, v17;
	v20 =	vadd.f32 v15, v12  }
0x9e: {  	v34 =	vadd.f32 v23, v29;
	v19 =	vld [tilespmem:s1+$0x71];
	v37, _, _ =	vpop (xrf2);
	v13 =	vadd.f32 v13, v8  }
0x9f: {  	v28 =	vadd.f32 v20, v22;
	v20 =	vld [tilespmem:s1+$0x61];
	v52 =	vbroadcast v37, $0xF;
	v35 =	vadd.f32 v30, v27  }
0xa0: {  	v22 =	vld [tilespmem:s1+$0x51];
	(xrf1) =	vsort.dscd.msk.f32 $0xffff, v13, v58  }
0xa1: {  	(xrf2) =	vadd.scan.msk.f32 $0xffff, v28;
	v28 =	vld [tilespmem:s1+$0x41];
	v39 =	vpop (erf);
	(erf) = vrcp.f32 v52;
	v13 =	vadd.f32 v34, v35  }
0xa2: {  	v38 =	vmul.f32 v26, v59;
	v59 =	vld [tilespmem:s1+$0xFFFFFFAE];
	v33 =	vmul.f32 v39, v33  }
0xa3: {  	v53 =	vmul.f32 v26, v11;
	v11 =	vld [tilespmem:s1+$0xFFFFFF9E];
	(xrf2) =	vadd.scan.msk.f32 $0xffff, v13  }
0xa4: {  	v26 =	vmul.f32 v26, v36;
	v32 =	vmul.f32 v39, v32;
	v33 =	vadd.f32 v33, v5;
	v13 =	vld [tilespmem:s1+$0xFFFFFF7E]  }
0xa5: {  	v24 =	vmul.f32 v39, v24;
	v16 =	vmul.f32 v39, v16;
	v62 =	vadd.f32 v38, v6  }
0xa6: {  	v55 =	vadd.f32 v53, v5;
	v32 =	vadd.f32 v32, v7;
	v63, v48, _ =	vpop (xrf1);
	(xrf1) =	vsort.dscd.msk.f32 $0xffff, v33, v3  }
0xa7: {  	v26 =	vadd.f32 v26, v7;
	v54 =	vadd.f32 v19, v20;
	v49, v50, _ =	vpop (xrf1);
	(xrf1) =	vsort.ascd.msk.f32 $0xffff, v62, v4  }
0xa8: {  	v24 =	vadd.f32 v24, v8;
	v56 =	vadd.f32 v22, v28;
	v57, v41, _ =	vpop (xrf1);
	(xrf1) =	vsort.ascd.msk.f32 $0xffff, v32, v2  }
0xa9: {  	p3 =	por $0x1, $0x1;
	v42 =	vadd.f32 v59, v11;
	v61, v44, _ =	vpop (xrf1);
	v43 =	vadd.f32 v31, v13;
	(xrf1) =	vsort.dscd.msk.f32 $0xffff, v55, v3  }
.Ltmp2:
0xaa: {  	s28 =	simm.s32 $0x4;
	v16 =	vadd.f32 v16, v6;
	v53 =	vpop (erf);
	(xrf1) =	vsort.ascd.msk.f32 $0xffff, v26, v2;
	(pc) =	sbr.rel @!p3 .LBB2_6-.Ltmp2, $4  }
0xab: {  	s2 =	simm.s32 $0x6;
	s30 =	simm.s32 $0x5;
	s3 =	simm.s32 $0x20;
	v37 =	vadd.f32 v54, v56;
	v62, _, _ =	vpop (xrf2);
	v26 =	vadd.f32 v42, v43;
	(xrf1) =	vsort.dscd.msk.f32 $0xffff, v24, v58  }
0xac: {  	s29 =	simm.s32 $0x7;
	p0 =	por $0x1, $0x1;
	s2 =	sand.u32 $0x7E, s2;
	v54 =	vmul.f32 v53, v25;
	v43 =	vsel vm0, v61, v63;
	v63 =	vbroadcast v62, $0xF;
	(xrf1) =	vsort.ascd.msk.f32 $0xffff, v16, v4  }
0xad: {  	s21 =	sand.u32 $0xFFFFFC00, s3;
	s31 =	sand.u32 $0x7F, s29;
	s1 =	sand.u32 $0x7C, s28;
	v51 =	vmul.f32 v53, v21;
	v24 =	vsel vm0, v57, v49;
	v16 =	vsel vm0, v41, v50;
	v40, _, _ =	vpop (xrf2);
	(xrf2) =	vadd.scan.msk.f32 $0xffff, v26  }
0xae: {  	s12 =	sor.u32 s21, s2;
	s6 =	sor.u32 s21, s31;
	s14 =	sor.u32 s1, s21;
	v56 =	vmul.f32 v53, v14;
	v44 =	vsel vm0, v44, v48;
	(erf) = vrcp.f32 v63;
	v49, v48, _ =	vpop (xrf1);
	(xrf1) =	vsort.dscd.msk.f32 $0xffff, v24, v16  }
0xaf: {  	_ =	sdelay $0x3  }
0xb0: {  	v16 =	vadd.f32 v56, v6  }
0xb1: {  	v14 =	vmul.f32 v53, v46;
	v21, v24, _ =	vpop (xrf1)  }
0xb2: {  	v25, v26, _ =	vpop (xrf1)  }
0xb3: {  	v14 =	vadd.f32 v14, v5;
	(xrf1) =	vsort.ascd.msk.f32 $0xffff, v43, v44;
	v33, v34, _ =	vpop (xrf1)  }
0xb4: {  	(xrf1) =	vsort.ascd.msk.f32 $0xffff, v16, v4;
	v16, v35, _ =	vpop (xrf1)  }
0xb5: {  	v32 =	vadd.f32 v54, v8;
	(xrf1) =	vsort.dscd.msk.f32 $0xffff, v14, v3;
	v52, v53, _ =	vpop (xrf1)  }
0xb6: {  	v14 =	vsel vm0, v16, v25;
	v16 =	vsel vm0, v35, v26;
	v26 =	vsel vm0, v48, v53  }
0xb7: {  	v25 =	vsel vm0, v49, v52  }
0xb8: {  	(xrf1) =	vsort.dscd.msk.f32 $0xffff, v32, v58  }
0xb9: {  	(xrf1) =	vsort.ascd.msk.f32 $0xffff, v14, v16  }
0xba: {  	(xrf1) =	vsort.dscd.msk.f32 $0xffff, v25, v26;
	v25, v26, _ =	vpop (xrf1)  }
0xbb: {  	v56, v55, _ =	vpop (xrf1)  }
0xbc: {  	v14 =	vadd.f32 v51, v7;
	v16 =	vpop (erf);
	v21 =	vsel vm0, v21, v56  }
0xbd: {  	v18 =	vmul.f32 v16, v18;
	v15 =	vmul.f32 v16, v15  }
0xbe: {  	(xrf1) =	vsort.ascd.msk.f32 $0xffff, v14, v2;
	v14 =	vsel vm0, v25, v33;
	v54 =	vsel vm0, v26, v34  }
0xbf: {  	v57, _, _ =	vpop (xrf2);
	v18 =	vadd.f32 v18, v7;
	v24 =	vsel vm0, v24, v55;
	(xrf1) =	vsort.dscd.msk.f32 $0xffff, v14, v54  }
0xc0: {  	v15 =	vadd.f32 v15, v6;
	v14 =	vmul.f32 v16, v17;
	(xrf1) =	vsort.ascd.msk.f32 $0xffff, v21, v24;
	v17, v21, _ =	vpop (xrf1)  }
0xc1: {  	v16 =	vmul.f32 v16, v12;
	v63, v62, _ =	vpop (xrf1)  }
0xc2: {  	v61 =	vbroadcast v57, $0xF;
	v14 =	vadd.f32 v14, v8;
	(xrf1) =	vsort.ascd.msk.f32 $0xffff, v15, v4;
	v41, v42, _ =	vpop (xrf1)  }
0xc3: {  	s1 =	simm.s32 $0x1028A;
	v44 =	vbroadcast v40, $0xF;
	v16 =	vadd.f32 v16, v5;
	(xrf1) =	vsort.ascd.msk.f32 $0xffff, v18, v2;
	v18, v43, _ =	vpop (xrf1)  }
0xc4: {  	v50 =	vld [tilespmem:s1+$0xFFFFFFEF];
	(erf) = vrcp.f32 v61;
	(xrf1) =	vsort.dscd.msk.f32 $0xffff, v14, v58;
	v24 =	vsel vm0, v43, v42  }
0xc5: {  	v32 =	vld [tilespmem:s1+$0xFFFFFFCF];
	(erf) = vrcp.f32 v44;
	(xrf1) =	vsort.dscd.msk.f32 $0xffff, v16, v3;
	v16 =	vsel vm0, v18, v41  }
0xc6: {  	(xrf2) =	vadd.scan.msk.f32 $0xffff, v37;
	v52 =	vld [tilespmem:s1+$0xFFFFFFBF];
	v14, v45, _ =	vpop (xrf1)  }
0xc7: {  	v12 =	vld [tilespmem:s1+$0x20];
	v46, v47, _ =	vpop (xrf1)  }
0xc8: {  	v15 =	vld [tilespmem:s1+$0x30];
	v25 =	vsel vm0, v17, v63;
	v21 =	vsel vm0, v21, v62;
	(xrf1) =	vsort.ascd.msk.f32 $0xffff, v16, v24;
	v16, v24, _ =	vpop (xrf1)  }
0xc9: {  	v17 =	vld [tilespmem:s1+$0x0];
	(xrf1) =	vsort.dscd.msk.f32 $0xffff, v25, v21;
	v16 =	vsel vm0, v16, v46;
	v21 =	vsel vm0, v24, v47  }
0xca: {  	v18 =	vld [tilespmem:s1+$0x10];
	(xrf1) =	vsort.dscd.msk.f32 $0xffff, v16, v21  }
0xcb: {  	v33 =	vld [tilespmem:s1+$0xFFFFFFDF]  }
0xcc: {  	v49, v48, _ =	vpop (xrf1)  }
0xcd: {  	v51 =	vpop (erf);
	v25 =	vsel vm0, v45, v48  }
0xce: {  	v62 =	vpop (erf);
	v14 =	vsel vm0, v14, v49  }
0xcf: {  	v57 =	vadd.f32 v18, v17;
	v21 =	vadd.f32 v15, v12;
	v61, v35, _ =	vpop (xrf1)  }
0xd0: {  	v53 =	vadd.f32 v32, v52;
	v13 =	vmul.f32 v51, v13;
	v63 =	vadd.f32 v50, v33;
	v16, _, _ =	vpop (xrf2)  }
0xd1: {  	v38 =	vld [tilespmem:s1+$0x71];
	v26 =	vmul.f32 v51, v11;
	(xrf1) =	vsort.dscd.msk.f32 $0xffff, v14, v25;
	v21 =	vadd.f32 v21, v57;
	v14, v25, _ =	vpop (xrf1)  }
0xd2: {  	v36 =	vld [tilespmem:s1+$0x61];
	v29 =	vmul.f32 v62, v29;
	v40 =	vadd.f32 v63, v53;
	v41, v42, _ =	vpop (xrf1)  }
0xd3: {  	v55 =	vld [tilespmem:s1+$0xFFFFFF8E];
	v13 =	vadd.f32 v13, v8;
	(xrf2) =	vadd.scan.msk.f32 $0xffff, v21;
	v21 =	vmul.f32 v51, v31;
	v31, v46, _ =	vpop (xrf1)  }
0xd4: {  	v39 =	vmul.f32 v51, v59;
	v59 =	vld [tilespmem:s1+$0xFFFFFFAE];
	v29 =	vadd.f32 v29, v5;
	v25 =	vsel vm0, v35, v25;
	v48, v49, _ =	vpop (xrf1)  }
0xd5: {  	v11 =	vld [tilespmem:s1+$0xFFFFFF9E];
	v54 =	vadd.f32 v26, v5;
	v14 =	vsel vm0, v61, v14;
	(xrf1) =	vsort.dscd.msk.f32 $0xffff, v13, v58;
	v26, v61, _ =	vpop (xrf1)  }
0xd6: {  	v30 =	vmul.f32 v62, v30;
	v47 =	vld [tilespmem:s1+$0x41];
	v16 =	vbroadcast v16, $0xF;
	(xrf2) =	vadd.scan.msk.f32 $0xffff, v40;
	v40, v51, _ =	vpop (xrf1)  }
0xd7: {  	v39 =	vadd.f32 v39, v6;
	v45 =	vld [tilespmem:s1+$0x51];
	(xrf1) =	vsort.dscd.msk.f32 $0xffff, v14, v25;
	v25, v9, _ =	vpop (xrf1)  }
0xd8: {  	v30 =	vadd.f32 v30, v7;
	(erf) = vrcp.f32 v16;
	v13 =	vld [tilespmem:s1+$0xFFFFFF7E];
	(xrf1) =	vsort.dscd.msk.f32 $0xffff, v29, v3;
	v29, v57, _ =	vpop (xrf1)  }
0xd9: {  	v23 =	vmul.f32 v62, v23;
	(xrf1) =	vsort.ascd.msk.f32 $0xffff, v39, v4  }
0xda: {  	v27 =	vmul.f32 v62, v27;
	v21 =	vadd.f32 v21, v7;
	(xrf1) =	vsort.ascd.msk.f32 $0xffff, v30, v2  }
0xdb: {  	v34 =	vadd.f32 v38, v36;
	v23 =	vadd.f32 v23, v6;
	(xrf1) =	vsort.dscd.msk.f32 $0xffff, v54, v3;
	v24 =	vld.idx.msk [tilespmem:v9+s9+$0x0], $0xffff  }
0xdc: {  	v27 =	vadd.f32 v27, v8;
	v62 =	vadd.f32 v45, v47;
	(xrf1) =	vsort.ascd.msk.f32 $0xffff, v21, v2;
	v21 =	vld.idx.msk [tilespmem:v57+s9+$0x0], $0xffff  }
0xdd: {  	v63 =	vadd.f32 v59, v11;
	v53 =	vadd.f32 v55, v13  }
0xde: {  	p3 =	por $0x1, $0x1;
	v37 =	vadd.f32 v34, v62;
	v43 =	vsel vm0, v26, v41;
	v44 =	vsel vm0, v61, v42  }
.Ltmp3:
0xdf: {  	s22 =	simm.s32 $0x8;
	v30 =	vadd.f32 v63, v53;
	(xrf1) =	vsort.dscd.msk.f32 $0xffff, v27, v58;
	v63 =	vsel vm0, v49, v46;
	v54, _, _ =	vpop (xrf2);
	(pc) =	sbr.rel @!p3 .LBB2_8-.Ltmp3, $4  }
0xe0: {  	s2 =	simm.s32 $0xA;
	s31 =	simm.s32 $0x9;
	s3 =	simm.s32 $0x40;
	v56, v61, _ =	vpop (xrf1);
	v34 =	vbroadcast v54, $0xF;
	(xrf1) =	vsort.ascd.msk.f32 $0xffff, v23, v4;
	v23 =	vsel vm0, v48, v31;
	v14 =	vsub.f32 v25, v24  }
0xe1: {  	s23 =	simm.s32 $0xB;
	p1 =	por $0x1, $0x1;
	s2 =	sand.u32 $0x7E, s2;
	v53 =	vpop (erf);
	(xrf2) =	vadd.scan.msk.f32 $0xffff, v30;
	v26 =	vsel vm0, v56, v40;
	v62 =	vsel vm0, v61, v51;
	v16 =	vsub.f32 v29, v21  }
0xe2: {  	s26 =	sand.u32 $0xFFFFFC00, s3;
	s24 =	sand.u32 $0x7F, s23;
	s1 =	sand.u32 $0x7C, s22;
	v40, _, _ =	vpop (xrf2);
	v54 =	vmul.f32 v53, v28;
	v51 =	vmul.f32 v53, v22;
	(xrf1) =	vsort.dscd.msk.f32 $0xffff, v26, v62;
	[tilespmem:$0x1FFD0] =	vst v14  }
0xe3: {  	s28 =	sor.u32 s26, s2;
	s29 =	sor.u32 s26, s24;
	s25 =	sor.u32 s1, s26;
	v56 =	vmul.f32 v53, v19;
	(erf) = vrcp.f32 v34;
	(xrf1) =	vsort.dscd.msk.f32 $0xffff, v23, v63;
	v49, v48, _ =	vpop (xrf1);
	[tilespmem:$0x1FFE0] =	vst v16  }
0xe4: {  	v19 =	vmul.f32 v53, v20;
	_ =	sdelay $0x1  }
0xe5: {  	v22, v10, _ =	vpop (xrf1);
	v19 =	vadd.f32 v19, v5  }
0xe6: {  	v20 =	vadd.f32 v56, v6;
	v23, v26, _ =	vpop (xrf1)  }
0xe7: {  	(xrf1) =	vsort.ascd.msk.f32 $0xffff, v43, v44;
	v27, v28, _ =	vpop (xrf1)  }
0xe8: {  	(xrf1) =	vsort.ascd.msk.f32 $0xffff, v20, v4;
	v29, v30, _ =	vpop (xrf1)  }
0xe9: {  	v20 =	vadd.f32 v54, v8;
	(xrf1) =	vsort.dscd.msk.f32 $0xffff, v19, v3;
	v19, v31, _ =	vpop (xrf1)  }
0xea: {  	(xrf2) =	vadd.scan.msk.f32 $0xffff, v14;
	v19 =	vsel vm0, v19, v27;
	v27 =	vsel vm0, v31, v28;
	v28, v31, _ =	vpop (xrf1)  }
0xeb: {  	(xrf1) =	vsort.dscd.msk.f32 $0xffff, v20, v58;
	v20 =	vsel vm0, v49, v28  }
0xec: {  	(xrf2) =	vadd.scan.msk.f32 $0xffff, v16;
	v28 =	vsel vm0, v48, v31  }
0xed: {  	(xrf1) =	vsort.ascd.msk.f32 $0xffff, v19, v27  }
0xee: {  	(xrf1) =	vsort.dscd.msk.f32 $0xffff, v20, v28;
	v20, v27, _ =	vpop (xrf1)  }
0xef: {  	v19 =	vadd.f32 v51, v7;
	v28 =	vpop (erf)  }
0xf0: {  	v20 =	vsel vm0, v20, v29;
	v27 =	vsel vm0, v27, v30;
	v29, v30, _ =	vpop (xrf1)  }
0xf1: {  	v15 =	vmul.f32 v28, v15;
	v26 =	vsel vm0, v26, v30;
	_ =	sdelay $0x1  }
0xf2: {  	(xrf1) =	vsort.ascd.msk.f32 $0xffff, v19, v2;
	v19, _, _ =	vpop (xrf2);
	v15 =	vadd.f32 v15, v6  }
0xf3: {  	v17 =	vmul.f32 v28, v17;
	v23 =	vsel vm0, v23, v29;
	(xrf1) =	vsort.dscd.msk.f32 $0xffff, v20, v27;
	v31, _, _ =	vpop (xrf2)  }
0xf4: {  	v18 =	vmul.f32 v28, v18;
	(xrf1) =	vsort.ascd.msk.f32 $0xffff, v23, v26;
	v23 =	vld.idx.msk [tilespmem:v10+s9+$0x0], $0xffff;
	v27, v26, _ =	vpop (xrf1)  }
0xf5: {  	(xrf2) =	vadd.scan.msk.f32 $0xffff, v37;
	v19 =	vbroadcast v19, $0xF;
	v20 =	vmul.f32 v28, v12;
	v17 =	vadd.f32 v17, v8;
	v28, v29, _ =	vpop (xrf1)  }
0xf6: {  	v18 =	vadd.f32 v18, v7;
	(xrf1) =	vsort.ascd.msk.f32 $0xffff, v15, v4;
	v15, _, _ =	vpop (xrf2)  }
0xf7: {  	s11 =	simm.s32 $0x1038E;
	(erf) = vrcp.f32 v19;
	v30, v35, _ =	vpop (xrf1)  }
0xf8: {  	v12 =	vld [tilespmem:s11+$0x20];
	v61 =	vadd.f32 v20, v5;
	(xrf1) =	vsort.ascd.msk.f32 $0xffff, v18, v2;
	v15 =	vbroadcast v15, $0x7;
	v39, v62, _ =	vpop (xrf1)  }
0xf9: {  	v19 =	vld [tilespmem:s11+$0x71];
	v18 =	vbroadcast v40, $0xF;
	v34 =	vsub.f32 v22, v23;
	(xrf1) =	vsort.dscd.msk.f32 $0xffff, v17, v58;
	v17, v22, _ =	vpop (xrf1)  }
0xfa: {  	v20 =	vld [tilespmem:s11+$0x61];
	(erf) = vrcp.f32 v15;
	(xrf1) =	vsort.dscd.msk.f32 $0xffff, v61, v3;
	v17 =	vsel vm0, v17, v39;
	v22 =	vsel vm0, v22, v62;
	v39, v63, _ =	vpop (xrf1)  }
0xfb: {  	v41 =	vld.idx.msk [tilespmem:v26+s9+$0x0], $0xffff;
	(xrf1) =	vsort.ascd.msk.f32 $0xffff, v17, v22;
	v22 =	vsel vm0, v28, v30;
	v30, v53, _ =	vpop (xrf1)  }
0xfc: {  	v15 =	vld [tilespmem:s11+$0x30];
	(xrf2) =	vadd.scan.msk.f32 $0xffff, v34;
	(erf) = vrcp.f32 v18;
	v28 =	vsel vm0, v29, v35;
	v42, v54, _ =	vpop (xrf1)  }
0xfd: {  	v18 =	vld [tilespmem:s11+$0x10];
	(xrf1) =	vsort.dscd.msk.f32 $0xffff, v22, v28;
	v22 =	vsel vm0, v42, v30  }
0xfe: {  	v17 =	vld [tilespmem:s11+$0x0]  }
0xff: {  	v37, _, _ =	vpop (xrf2);
	v23 =	vld [tilespmem:s11+$0xFFFFFFEF]  }
0x100: {  	v24 =	vmov v57;
	v56 =	vsel vm0, v54, v53;
	v30 =	vld [tilespmem:s11+$0xFFFFFFCF];
	v28 =	vpop (erf)  }
0x101: {  	v57 =	vadd.s32 s4, v60;
	v42 =	vadd.f32 v19, v20;
	v35 =	vsub.f32 v27, v41;
	(xrf1) =	vsort.dscd.msk.f32 $0xffff, v22, v56;
	v27 =	vld [tilespmem:s11+$0xFFFFFFBF];
	v41, v22, _ =	vpop (xrf1)  }
0x102: {  	v29 =	vld [tilespmem:s11+$0xFFFFFFDF];
	v58 =	vadd.f32 v15, v12;
	v61 =	vmul.f32 v28, v55;
	v13 =	vmul.f32 v28, v13;
	v46, v48, _ =	vpop (xrf1)  }
0x103: {  	v11 =	vmul.f32 v28, v11;
	v62 =	vadd.f32 v18, v17;
	v0 =	vsel vm0, v39, v41;
	v39 =	vpop (erf)  }
0x104: {  	v54 =	vmul.f32 v28, v59;
	v28 =	vld [tilespmem:s11+$0x41];
	v43 =	vadd.f32 v13, v8;
	v40 =	vsel vm0, v63, v22;
	v63, v53, _ =	vpop (xrf1)  }
0x105: {  	(xrf2) =	vadd.scan.msk.f32 $0xffff, v35;
	v22 =	vld [tilespmem:s11+$0x51];
	v41 =	vbroadcast v31, $0x7;
	v31 =	vadd.f32 v58, v62;
	v58 =	vadd.f32 v61, v7;
	v49 =	vpop (erf)  }
0x106: {  	v21 =	vmov v14;
	(xrf1) =	vsort.dscd.msk.f32 $0xffff, v0, v40;
	v44 =	vadd.f32 v30, v27;
	v61, _, _ =	vpop (xrf2);
	v50 =	vmul.f32 v49, v50  }
0x107: {  	v40 =	vsel vm0, v46, v63;
	v46 =	vadd.f32 v23, v29;
	v55, v56, _ =	vpop (xrf1);
	v33 =	vmul.f32 v49, v33  }
0x108: {  	v25 =	vld [tilespmem:s11+$0xFFFFFFAE];
	v51 =	vadd.f32 v11, v5;
	v0 =	vlaneseq.u32;
	v39 =	vmul.f32 v39, v16;
	v59, v60, _ =	vpop (xrf1)  }
0x109: {  	v11 =	vld [tilespmem:s11+$0xFFFFFF9E];
	v52 =	vmul.f32 v49, v52;
	(erf) = vrcp.f32 v41;
	v62, v63, _ =	vpop (xrf1);
	v44 =	vadd.f32 v46, v44  }
0x10a: {  	v13 =	vld [tilespmem:s11+$0xFFFFFF7E];
	(xrf1) =	vsort.dscd.msk.f32 $0xffff, v43, v0;
	v41 =	vbroadcast v61, $0x7;
	v46 =	vadd.f32 v50, v6;
	v43 =	vadd.f32 v22, v28;
	v50, v61, _ =	vpop (xrf1)  }
0x10b: {  	(xrf2) =	vadd.scan.msk.f32 $0xffff, v31;
	v31 =	vld [tilespmem:s11+$0xFFFFFF8E];
	v48 =	vsel vm0, v48, v53;
	v32 =	vmul.f32 v49, v32;
	[tilespmem:v57+s16+$0x0] =	vst.idx.msk $0xff, v39;
	v53, v14, _ =	vpop (xrf1)  }
0x10c: {  	(xrf2) =	vadd.scan.msk.f32 $0xffff, v44;
	v44 =	vbroadcast v37, $0xF;
	v37 =	vadd.f32 v42, v43;
	v43 =	vadd.f32 v33, v5;
	v49, v33, _ =	vpop (xrf1)  }
0x10d: {  	v54 =	vadd.f32 v54, v6;
	v0 =	vld [tilespmem:$0x1FFF0];
	(xrf1) =	vsort.dscd.msk.f32 $0xffff, v40, v48  }
0x10e: {  	(erf) = vrcp.f32 v41;
	v48 =	vadd.f32 v32, v7;
	(xrf1) =	vsort.dscd.msk.f32 $0xffff, v43, v3  }
0x10f: {  	v41 =	vadd.f32 v25, v11;
	v42, _, _ =	vpop (xrf2);
	(erf) = vrcp.f32 v44;
	(xrf1) =	vsort.ascd.msk.f32 $0xffff, v54, v4  }
0x110: {  	v44 =	vadd.f32 v31, v13;
	v42 =	vbroadcast v42, $0x7;
	v16, v32, _ =	vpop (xrf1);
	(xrf1) =	vsort.ascd.msk.f32 $0xffff, v48, v2;
	v48 =	vld.idx.msk [tilespmem:v33+s9+$0x0], $0xffff;
	[tilespmem:$0x1FFB0] =	vst v24  }
0x111: {  	[tilespmem:v57+s17+$0x0] =	vst.idx.msk $0xff, v24  }
0x112: {  	(erf) = vrcp.f32 v42;
	v42 =	vadd.f32 v41, v44;
	v41 =	vadd.s32 s18, v0;
	v0 =	vld [tilespmem:$0x1FFF0];
	_ =	sdelay $0x1  }
0x113: {  	v52 =	vadd.f32 v52, v8;
	(xrf1) =	vsort.dscd.msk.f32 $0xffff, v51, v3  }
0x114: {  	s1 =	sand.u32 $0x7D, s20;
	v43 =	vsel vm0, v50, v55;
	v50 =	vsel vm0, v62, v59;
	v51 =	vpop (erf);
	(xrf1) =	vsort.ascd.msk.f32 $0xffff, v58, v2  }
0x115: {  	s1 =	sor.u32 s0, s1;
	v55 =	vsel vm0, v63, v60;
	v40, _, _ =	vpop (xrf2);
	v58 =	vlaneseq.u32;
	v51 =	vmul.f32 v51, v21;
	v60 =	vld [tilespmem:$0x1FFF0]  }
0x116: {  	p3 =	por $0x1, $0x1;
	v44 =	vsel vm0, v61, v56;
	v57 =	vld.idx.msk [tilespmem:v32+s9+$0x0], $0xffff;
	(xrf1) =	vsort.dscd.msk.f32 $0xffff, v52, v58;
	v62, v63, _ =	vpop (xrf1);
	v39 =	vadd.s32 s1, v0  }
.Ltmp4:
0x117: {  	s2 =	simm.s32 $0xE;
	v61 =	vpop (erf);
	(xrf1) =	vsort.ascd.msk.f32 $0xffff, v46, v4;
	v54 =	vsel vm0, v62, v53;
	v62 =	vbroadcast v40, $0xF;
	[tilespmem:v41+s16+$0x0] =	vst.idx.msk $0xff, v51;
	(pc) =	sbr.rel @!p3 .LBB2_10-.Ltmp4, $4  }
0x118: {  	s5 =	simm.s32 $0xD;
	s3 =	simm.s32 $0x60;
	s23 =	simm.s32 $0xF;
	v14 =	vsel vm0, v63, v14;
	v40, _, _ =	vpop (xrf2);
	v63 =	vmul.f32 v61, v34;
	(xrf2) =	vadd.scan.msk.f32 $0xffff, v42;
	[tilespmem:$0x1FFC0] =	vst v9  }
0x119: {  	p2 =	por $0x1, $0x1;
	s7 =	sand.u32 $0x7E, s2;
	v53 =	vpop (erf);
	v34 =	vsub.f32 v49, v48;
	(xrf1) =	vsort.dscd.msk.f32 $0xffff, v54, v14;
	[tilespmem:v41+s17+$0x0] =	vst.idx.msk $0xff, v9;
	(erf) = vrcp.f32 v62;
	s1 =	simm.s32 $0xC  }
0x11a: {  	s2 =	sand.u32 $0xFFFFFC00, s3;
	s3 =	sand.u32 $0x7F, s23;
	v49, v48, _ =	vpop (xrf1);
	v9 =	vmov v25;
	v54 =	vmul.f32 v53, v47;
	(xrf1) =	vsort.dscd.msk.f32 $0xffff, v50, v55;
	v51 =	vmul.f32 v53, v45;
	s8 =	sand.u32 $0x7C, s1  }
0x11b: {  	s23 =	sor.u32 s2, s7;
	s22 =	sor.u32 s2, s3;
	v56 =	vmul.f32 v53, v38;
	v41 =	vadd.s32 s10, v60;
	v38 =	vsub.f32 v16, v57;
	v42 =	vpop (erf);
	s24 =	sor.u32 s8, s2;
	[tilespmem:v39+s16+$0x0] =	vst.idx.msk $0xff, v63  }
.LBB2_11:
0x11c: {  	v16 =	vmul.f32 v53, v36;
	v47, v50, _ =	vpop (xrf1)  }
0x11d: {  	v0 =	vmul.f32 v42, v35;
	v45 =	vmov v22;
	v46 =	vmov v28;
	(xrf2) =	vadd.scan.msk.f32 $0xffff, v34;
	v22, v28, _ =	vpop (xrf1)  }
0x11e: {  	v14 =	vadd.f32 v54, v8;
	v21 =	vadd.f32 v56, v6;
	v55, v54, _ =	vpop (xrf1);
	(xrf1) =	vsort.ascd.msk.f32 $0xffff, v43, v44  }
0x11f: {  	v16 =	vadd.f32 v16, v5;
	(xrf2) =	vadd.scan.msk.f32 $0xffff, v38  }
0x120: {  	[tilespmem:v41+s16+$0x0] =	vst.idx.msk $0xff, v0;
	v56, v57, _ =	vpop (xrf1);
	(xrf1) =	vsort.ascd.msk.f32 $0xffff, v21, v4  }
0x121: {  	v36 =	vmov v20;
	[tilespmem:v41+s17+$0x0] =	vst.idx.msk $0xff, v26;
	v20, v26, _ =	vpop (xrf1);
	(xrf1) =	vsort.dscd.msk.f32 $0xffff, v16, v3  }
0x122: {  	v61, v59, _ =	vpop (xrf1);
	(xrf1) =	vsort.dscd.msk.f32 $0xffff, v14, v58  }
0x123: {  	[tilespmem:v39+s17+$0x0] =	vst.idx.msk $0xff, v10;
	v20 =	vsel vm0, v20, v55;
	v0 =	vsel vm0, v26, v54  }
0x124: {  	v16 =	vbroadcast v40, $0xF;
	v39 =	vsel vm0, v49, v61;
	v40 =	vsel vm0, v48, v59;
	(xrf1) =	vsort.ascd.msk.f32 $0xffff, v20, v0;
	v63, _, _ =	vpop (xrf2)  }
0x125: {  	v42 =	vmov v19;
	v19 =	vadd.f32 v51, v7;
	v10 =	vmov v50;
	v62 =	vld.idx.msk [tilespmem:v50+s9+$0x0], $0xffff;
	(xrf1) =	vsort.dscd.msk.f32 $0xffff, v39, v40;
	v50 =	vpop (erf)  }
0x126: {  	v14 =	vbroadcast v63, $0xF;
	v17 =	vmul.f32 v50, v17;
	v20, v26, _ =	vpop (xrf1)  }
0x127: {  	v18 =	vmul.f32 v50, v18;
	v15 =	vmul.f32 v50, v15;
	v52, v51, _ =	vpop (xrf1);
	(xrf1) =	vsort.ascd.msk.f32 $0xffff, v19, v2  }
0x128: {  	v20 =	vsel vm0, v20, v56;
	v0 =	vsel vm0, v26, v57;
	(erf) = vrcp.f32 v14  }
0x129: {  	s11 =	sadd.s32 $0x104, s11;
	v12 =	vmul.f32 v50, v12;
	v17 =	vadd.f32 v17, v8;
	v19, _, _ =	vpop (xrf2);
	(xrf1) =	vsort.dscd.msk.f32 $0xffff, v20, v0  }
0x12a: {  	v49 =	vld [tilespmem:s11+$0xFFFFFFBF];
	(xrf2) =	vadd.scan.msk.f32 $0xffff, v37;
	v22 =	vsel vm0, v22, v52;
	v21 =	vsel vm0, v28, v51;
	v15 =	vadd.f32 v15, v6;
	v14, _, _ =	vpop (xrf2)  }
0x12b: {  	v53 =	vadd.f32 v12, v5;
	v12 =	vld [tilespmem:s11+$0x20];
	v18 =	vadd.f32 v18, v7;
	v35, v26, _ =	vpop (xrf1);
	(xrf1) =	vsort.ascd.msk.f32 $0xffff, v22, v21;
	v0 =	vbroadcast v14, $0x7  }
0x12c: {  	v20 =	vld [tilespmem:s11+$0x61];
	v28, v54, _ =	vpop (xrf1);
	(xrf1) =	vsort.ascd.msk.f32 $0xffff, v15, v4  }
0x12d: {  	v37 =	vbroadcast v19, $0x7;
	v19 =	vld [tilespmem:s11+$0x71];
	(xrf1) =	vsort.ascd.msk.f32 $0xffff, v18, v2;
	(erf) = vrcp.f32 v0;
	v55, v56, _ =	vpop (xrf1)  }
0x12e: {  	v15 =	vld [tilespmem:s11+$0x30];
	(xrf1) =	vsort.dscd.msk.f32 $0xffff, v17, v58;
	v17, v57, _ =	vpop (xrf1)  }
0x12f: {  	v18 =	vld [tilespmem:s11+$0x10];
	(erf) = vrcp.f32 v16;
	v59, v58, _ =	vpop (xrf1)  }
0x130: {  	v41 =	vsub.f32 v47, v62;
	v16 =	vsel vm0, v59, v17;
	v17 =	vld [tilespmem:s11+$0x0];
	v48, v63, _ =	vpop (xrf1)  }
0x131: {  	v61 =	vld.idx.msk [tilespmem:v26+s9+$0x0], $0xffff;
	(xrf1) =	vsort.dscd.msk.f32 $0xffff, v53, v3;
	v40 =	vsel vm0, v54, v56;
	v62 =	vsel vm0, v58, v57;
	v54 =	vpop (erf)  }
0x132: {  	v24 =	vsel vm0, v28, v55;
	v57, v58, _ =	vpop (xrf1);
	(xrf1) =	vsort.ascd.msk.f32 $0xffff, v16, v62;
	v16 =	vld [tilespmem:s11+$0xFFFFFFEF]  }
0x133: {  	v47 =	vadd.f32 v19, v20;
	v53 =	vadd.f32 v15, v12;
	v59, v52, _ =	vpop (xrf1);
	(xrf1) =	vsort.dscd.msk.f32 $0xffff, v24, v40;
	v40 =	vld [tilespmem:s11+$0xFFFFFFDF]  }
0x134: {  	v51 =	vld [tilespmem:s11+$0xFFFFFF8E];
	v14, _, _ =	vpop (xrf2);
	(xrf2) =	vadd.scan.msk.f32 $0xffff, v41;
	v31 =	vmul.f32 v54, v31;
	v21 =	vsel vm0, v59, v57;
	v0 =	vsel vm0, v52, v58  }
0x135: {  	v13 =	vmul.f32 v54, v13;
	v52 =	vld [tilespmem:s11+$0xFFFFFFCF];
	(xrf1) =	vsort.dscd.msk.f32 $0xffff, v21, v0;
	v39, v28, _ =	vpop (xrf1);
	v43 =	vadd.f32 v18, v17  }
0x136: {  	v22 =	vld [tilespmem:s11+$0x51];
	v35 =	vsub.f32 v35, v61;
	v21 =	vlaneseq.u32;
	v57 =	vpop (erf);
	v61 =	vsel vm0, v63, v28  }
0x137: {  	v62, v55, _ =	vpop (xrf1);
	v28 =	vld [tilespmem:s11+$0x41];
	v63 =	vmul.f32 v54, v11;
	v54 =	vmul.f32 v54, v9;
	v43 =	vadd.f32 v53, v43  }
0x138: {  	(xrf2) =	vadd.scan.msk.f32 $0xffff, v35;
	v39 =	vsel vm0, v48, v39;
	v59 =	vpop (erf);
	v53 =	vadd.f32 v13, v8;
	v58 =	vadd.f32 v16, v40;
	v13 =	vld [tilespmem:s11+$0xFFFFFF7E]  }
0x139: {  	v9 =	vld [tilespmem:s11+$0xFFFFFFAE];
	v11, v48, _ =	vpop (xrf1);
	(xrf1) =	vsort.dscd.msk.f32 $0xffff, v39, v61;
	v39 =	vadd.s32 s14, v60;
	v60 =	vadd.f32 v31, v7;
	v23 =	vmul.f32 v59, v23  }
0x13a: {  	v27 =	vmul.f32 v59, v27;
	v50 =	vsel vm0, v62, v11;
	v11 =	vld [tilespmem:s11+$0xFFFFFF9E];
	v31 =	vadd.f32 v52, v49  }
0x13b: {  	v29 =	vmul.f32 v59, v29;
	v56 =	vadd.f32 v63, v5;
	v24 =	vadd.f32 v23, v6;
	v44, v61, _ =	vpop (xrf1)  }
0x13c: {  	v48 =	vsel vm0, v55, v48;
	(xrf2) =	vadd.scan.msk.f32 $0xffff, v43;
	v23 =	vadd.f32 v58, v31;
	v62, v63, _ =	vpop (xrf1);
	v43 =	vadd.f32 v22, v28  }
0x13d: {  	(erf) = vrcp.f32 v37;
	v25, v0, _ =	vpop (xrf1);
	(xrf1) =	vsort.dscd.msk.f32 $0xffff, v53, v21;
	v21 =	vmul.f32 v57, v38;
	v38 =	vadd.f32 v51, v13  }
0x13e: {  	v30 =	vmul.f32 v59, v30;
	v54 =	vadd.f32 v54, v6;
	v29 =	vadd.f32 v29, v5;
	v31, _, _ =	vpop (xrf2)  }
0x13f: {  	(xrf2) =	vadd.scan.msk.f32 $0xffff, v23;
	v53, v55, _ =	vpop (xrf1);
	v58 =	vadd.f32 v9, v11;
	v37 =	vadd.f32 v47, v43;
	v47 =	vbroadcast v31, $0x7  }
0x140: {  	v30 =	vadd.f32 v30, v7;
	[tilespmem:v39+s16+$0x0] =	vst.idx.msk $0xff, v21;
	v21 =	vbroadcast v14, $0xF;
	v57, v59, _ =	vpop (xrf1);
	(xrf1) =	vsort.dscd.msk.f32 $0xffff, v50, v48  }
0x141: {  	v23 =	vmov v16;
	v16 =	vadd.f32 v58, v38;
	(erf) = vrcp.f32 v47;
	v38, v48, _ =	vpop (xrf1);
	(xrf1) =	vsort.dscd.msk.f32 $0xffff, v29, v3  }
0x142: {  	v31 =	vmov v51;
	v51 =	vadd.f32 v27, v8;
	v27, _, _ =	vpop (xrf2);
	(erf) = vrcp.f32 v21;
	v21 =	vld [tilespmem:$0x1FFF0];
	(xrf1) =	vsort.ascd.msk.f32 $0xffff, v54, v4  }
0x143: {  	s3 =	sadd.s32 $0x5, s1;
	[tilespmem:v39+s17+$0x0] =	vst.idx.msk $0xff, v32;
	v14, v32, _ =	vpop (xrf1);
	(xrf1) =	vsort.ascd.msk.f32 $0xffff, v30, v2  }
0x144: {  	s7 =	sadd.s32 $0x6, s1;
	s13 =	smov.u32 s1;
	s1 =	sadd.s32 $0x4, s1;
	v43 =	vsel vm0, v53, v44;
	v44 =	vsel vm0, v55, v61;
	v61 =	vbroadcast v27, $0x7;
	(xrf1) =	vsort.dscd.msk.f32 $0xffff, v56, v3  }
0x145: {  	s8 =	sshll.u32 s1, $0x3;
	(xrf1) =	vsort.ascd.msk.f32 $0xffff, v60, v2;
	v60 =	vld [tilespmem:$0x1FFF0]  }
0x146: {  	s7 =	sand.u32 $0x7E, s7;
	s20 =	sadd.s32 $0x7, s13;
	s8 =	sand.u32 $0xFFFFFC00, s8;
	(erf) = vrcp.f32 v61  }
0x147: {  	s20 =	sand.u32 $0x7F, s20;
	s13 =	sor.u32 s8, s7;
	v25 =	vsel vm0, v25, v62;
	v62 =	vpop (erf);
	v47 =	vadd.s32 s12, v21  }
0x148: {  	s7 =	sor.u32 s8, s20;
	s20 =	sand.u32 $0x7D, s30;
	v0 =	vsel vm0, v0, v63;
	v29 =	vmov v40;
	v40, _, _ =	vpop (xrf2);
	v50 =	vld.idx.msk [tilespmem:v48+s9+$0x0], $0xffff;
	s12 =	smov.u32 s28  }
0x149: {  	v58 =	vlaneseq.u32;
	v34 =	vmul.f32 v62, v34;
	v30 =	vmov v52;
	s28 =	smov.u32 s23;
	s23 =	smov.u32 s13;
	v63, v52, _ =	vpop (xrf1);
	s13 =	sor.u32 s21, s20  }
0x14a: {  	p3 =	slt.u32 s1, $0x1FC;
	s19 =	sand.u32 $0x7C, s1;
	(xrf1) =	vsort.dscd.msk.f32 $0xffff, v51, v58;
	v61 =	vld.idx.msk [tilespmem:v32+s9+$0x0], $0xffff;
	v62 =	vsel vm0, v63, v57;
	v63 =	vbroadcast v40, $0xF;
	v40, _, _ =	vpop (xrf2);
	v39 =	vadd.s32 s13, v60  }
.Ltmp5:
0x14b: {  	s19 =	sor.u32 s19, s8;
	v52 =	vsel vm0, v52, v59;
	(xrf1) =	vsort.ascd.msk.f32 $0xffff, v24, v4;
	v24 =	vpop (erf);
	(pc) =	sbr.rel @p3 .LBB2_11-.Ltmp5, $4  }
0x14c: {  	s30 =	smov.u32 s31;
	s31 =	smov.u32 s5;
	s5 =	smov.u32 s3;
	(xrf2) =	vadd.scan.msk.f32 $0xffff, v16;
	v16 =	vmul.f32 v24, v41;
	v53 =	vpop (erf);
	v41 =	vadd.s32 s6, v60;
	[tilespmem:v47+s16+$0x0] =	vst.idx.msk $0xff, v34  }
0x14d: {  	s14 =	smov.u32 s25;
	s25 =	smov.u32 s24;
	s24 =	smov.u32 s19;
	v27 =	vmovc v49;
	v34 =	vsub.f32 v38, v50;
	v54 =	vmul.f32 v53, v46;
	v51 =	vmul.f32 v53, v45  }
0x14e: {  	s21 =	smov.u32 s26;
	s26 =	smov.u32 s2;
	s2 =	smov.u32 s8;
	v56 =	vmul.f32 v53, v42;
	[tilespmem:v47+s17+$0x0] =	vst.idx.msk $0xff, v33;
	v33 =	vmov v48;
	v49, v48, _ =	vpop (xrf1);
	(xrf1) =	vsort.dscd.msk.f32 $0xffff, v62, v52  }
0x14f: {  	s6 =	smov.u32 s29;
	s29 =	smov.u32 s22;
	s22 =	smov.u32 s7;
	(erf) = vrcp.f32 v63;
	v42 =	vpop (erf);
	v38 =	vsub.f32 v14, v61;
	(xrf1) =	vsort.dscd.msk.f32 $0xffff, v25, v0;
	[tilespmem:v39+s16+$0x0] =	vst.idx.msk $0xff, v16  }
0x150: {  	s8 =	smov.u32 s14;
	s13 =	smov.u32 s12;
	s19 =	smov.u32 s30  }
0x151: {  	s3 =	smov.u32 s21;
	s7 =	smov.u32 s6;
	s11 =	smov.u32 s25  }
0x152: {  	s14 =	smov.u32 s24;
	s1 =	smov.u32 s28;
	s12 =	smov.u32 s23  }
0x153: {  	v59 =	vmov v9;
	s30 =	smov.u32 s5;
	s5 =	smov.u32 s26;
	s21 =	smov.u32 s2;
	v9 =	vld [tilespmem:$0x1FFC0]  }
0x154: {  	v46 =	vmov v36;
	s2 =	smov.u32 s29;
	s6 =	smov.u32 s22;
	s20 =	simm.s32 $0x1;
	v57 =	vld [tilespmem:$0x1FFB0];
	v21 =	vmov v10  }
.LBB2_13:
0x155: {  	v0 =	vmul.f32 @p0 v53, v46  }
0x156: {  	v14, v36, _ =	vpop @p1 (xrf1);
	v16 =	vadd.f32 @p0 v56, v6  }
0x157: {  	v24, v25, _ =	vpop @p0 (xrf1);
	(xrf1) =	vsort.ascd.msk.f32 @p0 $0xffff, v43, v44;
	v0 =	vadd.f32 @p0 v0, v5  }
0x158: {  	v43, v44, _ =	vpop @p0 (xrf1);
	(xrf1) =	vsort.ascd.msk.f32 @p0 $0xffff, v16, v4;
	v16 =	vadd.f32 @p0 v54, v8  }
0x159: {  	(xrf2) =	vadd.scan.msk.f32 @p1 $0xffff, v34  }
0x15a: {  	(xrf2) =	vadd.scan.msk.f32 @p1 $0xffff, v38;
	v45, v46, _ =	vpop @p0 (xrf1)  }
0x15b: {  	(xrf1) =	vsort.dscd.msk.f32 @p0 $0xffff, v0, v3;
	v0, v47, _ =	vpop @p0 (xrf1)  }
0x15c: {  	(xrf1) =	vsort.dscd.msk.f32 @p0 $0xffff, v16, v58;
	v0 =	vsel @p0 vm0, v0, v43;
	v43 =	vsel @p0 vm0, v47, v44;
	v16, v44, _ =	vpop @p0 (xrf1)  }
0x15d: {  	v16 =	vsel @p0 vm0, v49, v16;
	_ =	sdelay $0x1  }
0x15e: {  	v44 =	vsel @p0 vm0, v48, v44;
	(xrf1) =	vsort.ascd.msk.f32 @p0 $0xffff, v0, v43;
	v0 =	vadd.f32 @p0 v51, v7  }
0x15f: {  	(xrf1) =	vsort.dscd.msk.f32 @p0 $0xffff, v16, v44;
	v16, v43, _ =	vpop @p0 (xrf1)  }
0x160: {  	v61, _, _ =	vpop (xrf2);
	(xrf1) =	vsort.ascd.msk.f32 @p0 $0xffff, v0, v2;
	v16 =	vsel @p0 vm0, v16, v45;
	v43 =	vsel @p0 vm0, v43, v46  }
0x161: {  	(xrf1) =	vsort.dscd.msk.f32 @p0 $0xffff, v16, v43;
	v16 =	vbroadcast v61, $0xF  }
0x162: {  	v0 =	vpop (erf)  }
0x163: {  	v46, _, _ =	vpop @p1 (xrf2)  }
0x164: {  	v62 =	vmul.f32 v0, v15;
	v43, v44, _ =	vpop @p0 (xrf1)  }
0x165: {  	v18 =	vmul.f32 v0, v18;
	(erf) = vrcp.f32 v16;
	v16, _, _ =	vpop @p1 (xrf2)  }
0x166: {  	v45 =	vld.idx.msk @p1 [tilespmem:v36+s9+$0x0], $0xffff;
	v24 =	vsel @p0 vm0, v24, v43;
	v25 =	vsel @p0 vm0, v25, v44;
	v16 =	vbroadcast @p1 v16, $0x7  }
0x167: {  	(xrf1) =	vsort.ascd.msk.f32 @p0 $0xffff, v24, v25;
	v24 =	vbroadcast v40, $0xF  }
0x168: {  	v17 =	vmul.f32 v0, v17;
	v18 =	vadd.f32 v18, v7;
	v43, v15, _ =	vpop @p1 (xrf1);
	v44 =	vadd.f32 v62, v6  }
0x169: {  	(xrf2) =	vadd.scan.msk.f32 $0xffff, v37;
	v0 =	vmul.f32 v0, v12;
	v25, v40, _ =	vpop @p0 (xrf1)  }
0x16a: {  	v17 =	vadd.f32 v17, v8;
	v37, v47, _ =	vpop @p0 (xrf1);
	(erf) = vrcp.f32 @p1 v16;
	(xrf1) =	vsort.ascd.msk.f32 $0xffff, v44, v4  }
0x16b: {  	v0 =	vadd.f32 v0, v5;
	v12 =	vsub.f32 @p1 v14, v45;
	(erf) = vrcp.f32 v24;
	v14, v16, _ =	vpop @p0 (xrf1);
	(xrf1) =	vsort.ascd.msk.f32 $0xffff, v18, v2  }
0x16c: {  	v18, v24, _ =	vpop @p0 (xrf1);
	(xrf1) =	vsort.dscd.msk.f32 $0xffff, v17, v58  }
0x16d: {  	v44, v45, _ =	vpop @p0 (xrf1);
	(xrf1) =	vsort.dscd.msk.f32 $0xffff, v0, v3;
	v0 =	vsel @p0 vm0, v18, v14  }
0x16e: {  	(xrf2) =	vadd.scan.msk.f32 @p1 $0xffff, v12;
	v14 =	vsel @p0 vm0, v24, v16;
	v17, v48, _ =	vpop @p0 (xrf1)  }
0x16f: {  	v24 =	vsel @p0 vm0, v25, v37;
	v25 =	vsel @p0 vm0, v40, v47;
	(xrf1) =	vsort.ascd.msk.f32 @p0 $0xffff, v0, v14;
	v16, v18, _ =	vpop @p0 (xrf1)  }
0x170: {  	(xrf1) =	vsort.dscd.msk.f32 @p0 $0xffff, v24, v25;
	v25 =	vbroadcast @p1 v46, $0x7;
	v0 =	vpop (erf)  }
0x171: {  	v14 =	vsel @p0 vm0, v16, v17;
	v16 =	vsel @p0 vm0, v18, v48;
	v17, v18, _ =	vpop @p0 (xrf1)  }
0x172: {  	v13 =	vmul.f32 v0, v13;
	v24 =	vsel @p0 vm0, v44, v17;
	(erf) = vrcp.f32 @p1 v25  }
0x173: {  	v18 =	vsel @p0 vm0, v45, v18;
	v17 =	vpop @p1 (erf)  }
0x174: {  	(xrf1) =	vsort.dscd.msk.f32 @p0 $0xffff, v14, v16;
	v63 =	vpop (erf);
	v13 =	vadd.f32 v13, v8  }
0x175: {  	(xrf1) =	vsort.dscd.msk.f32 @p0 $0xffff, v24, v18;
	v29 =	vmul.f32 v63, v29;
	v14, v16, _ =	vpop @p0 (xrf1)  }
0x176: {  	v11 =	vmul.f32 v0, v11;
	v18, v24, _ =	vpop @p0 (xrf1)  }
0x177: {  	v48, _, _ =	vpop (xrf2);
	v10 =	vmul.f32 v0, v59;
	v16 =	vsel @p0 vm0, v16, v24;
	v24 =	vadd.f32 v29, v5  }
0x178: {  	(xrf1) =	vsort.dscd.msk.f32 $0xffff, v13, v58;
	v14 =	vsel @p0 vm0, v14, v18;
	v18 =	vmul.f32 v63, v30;
	v13, _, _ =	vpop @p1 (xrf2)  }
0x179: {  	(xrf1) =	vsort.dscd.msk.f32 @p0 $0xffff, v14, v16;
	v16 =	vbroadcast v48, $0xF;
	v13 =	vbroadcast @p1 v13, $0x7  }
0x17a: {  	v0 =	vmul.f32 v0, v31;
	v10 =	vadd.f32 v10, v6;
	v14 =	vadd.f32 v18, v7  }
0x17b: {  	v11 =	vadd.f32 v11, v5;
	v51 =	vmul.f32 v63, v27;
	(erf) = vrcp.f32 @p1 v13;
	v27 =	vpop @p1 (erf)  }
0x17c: {  	v0 =	vadd.f32 v0, v7;
	(xrf1) =	vsort.dscd.msk.f32 $0xffff, v24, v3;
	v18, v24, _ =	vpop (xrf1);
	(erf) = vrcp.f32 v16  }
0x17d: {  	(xrf1) =	vsort.ascd.msk.f32 $0xffff, v10, v4;
	v25, v49, _ =	vpop (xrf1)  }
0x17e: {  	(xrf1) =	vsort.ascd.msk.f32 $0xffff, v14, v2;
	v14, v16, _ =	vpop (xrf1)  }
0x17f: {  	(xrf1) =	vsort.dscd.msk.f32 $0xffff, v11, v3;
	v11, v50, _ =	vpop (xrf1)  }
0x180: {  	v23 =	vmul.f32 v63, v23;
	(xrf1) =	vsort.ascd.msk.f32 $0xffff, v0, v2;
	v0, v31, _ =	vpop @p0 (xrf1)  }
0x181: {  	v40, v10, _ =	vpop @p0 (xrf1)  }
0x182: {  	v45, v13, _ =	vpop @p0 (xrf1)  }
0x183: {  	v44, v46, _ =	vpop @p0 (xrf1)  }
0x184: {  	v53 =	vadd.f32 v23, v6;
	v23 =	vpop @p1 (erf)  }
0x185: {  	v52 =	vadd.f32 v51, v8;
	v14 =	vsel vm0, v14, v25;
	v25 =	vpop (erf)  }
0x186: {  	v18 =	vsel vm0, v11, v18;
	v11 =	vsel @p0 vm0, v46, v31;
	v19 =	vmul.f32 v25, v19  }
0x187: {  	v16 =	vsel vm0, v16, v49;
	(xrf1) =	vsort.dscd.msk.f32 $0xffff, v52, v58  }
0x188: {  	v24 =	vsel vm0, v50, v24;
	(xrf1) =	vsort.ascd.msk.f32 $0xffff, v53, v4;
	v0 =	vsel @p0 vm0, v44, v0  }
0x189: {  	v54, v55, _ =	vpop (xrf1);
	(xrf1) =	vsort.dscd.msk.f32 @p0 $0xffff, v0, v11;
	v0 =	vmul.f32 v25, v20;
	v20 =	vmul.f32 v25, v28  }
0x18a: {  	v22 =	vmul.f32 v25, v22;
	v29, v11, _ =	vpop @p0 (xrf1)  }
0x18b: {  	(xrf1) =	vsort.dscd.msk.f32 $0xffff, v14, v16;
	v14 =	vadd.f32 v19, v6;
	v16, v19, _ =	vpop (xrf1)  }
0x18c: {  	v0 =	vadd.f32 v0, v5;
	v25, v28, _ =	vpop (xrf1);
	(xrf1) =	vsort.ascd.msk.f32 $0xffff, v18, v24  }
0x18d: {  	v18 =	vadd.f32 v20, v8;
	v20, v24, _ =	vpop (xrf1);
	(xrf1) =	vsort.ascd.msk.f32 $0xffff, v14, v4  }
0x18e: {  	v14 =	vadd.f32 v22, v7;
	v22, v56, _ =	vpop (xrf1);
	(xrf1) =	vsort.dscd.msk.f32 $0xffff, v0, v3;
	_ =	sdelay $0x2  }
0x18f: {  	v0 =	vsel vm0, v22, v25;
	v22 =	vsel vm0, v56, v28;
	v25, v59, _ =	vpop (xrf1);
	(xrf1) =	vsort.dscd.msk.f32 $0xffff, v18, v58  }
0x190: {  	v18 =	vsel vm0, v54, v25;
	v25 =	vsel vm0, v55, v59;
	(xrf1) =	vsort.ascd.msk.f32 $0xffff, v0, v22  }
0x191: {  	(xrf1) =	vsort.dscd.msk.f32 $0xffff, v18, v25  }
0x192: {  	(xrf1) =	vsort.ascd.msk.f32 $0xffff, v14, v2;
	_ =	sdelay $0x1  }
0x193: {  	v0, v14, _ =	vpop (xrf1)  }
0x194: {  	v22, v25, _ =	vpop (xrf1)  }
0x195: {  	v28, v18, _ =	vpop @p0 (xrf1)  }
0x196: {  	v61, v62, _ =	vpop (xrf1)  }
0x197: {  	v48, v63, _ =	vpop (xrf1)  }
0x198: {  	v0 =	vsel vm0, v0, v20;
	v14 =	vsel vm0, v14, v24;
	v49, v50, _ =	vpop (xrf1)  }
0x199: {  	v16 =	vsel vm0, v16, v22;
	v19 =	vsel vm0, v19, v25;
	(xrf1) =	vsort.dscd.msk.f32 $0xffff, v0, v14;
	v20, v24, _ =	vpop (xrf1)  }
0x19a: {  	(xrf1) =	vsort.ascd.msk.f32 $0xffff, v16, v19;
	v19 =	vsel vm0, v24, v50  }
0x19b: {  	v16 =	vsel vm0, v20, v49  }
0x19c: {  	v0, v14, _ =	vpop (xrf1)  }
0x19d: {  	v20, v22, _ =	vpop (xrf1)  }
0x19e: {  	v25 =	vsel vm0, v62, v63;
	v24 =	vsel vm0, v61, v48;
	(xrf1) =	vsort.ascd.msk.f32 $0xffff, v16, v19;
	v16, v19, _ =	vpop (xrf1)  }
0x19f: {  	(xrf1) =	vsort.dscd.msk.f32 $0xffff, v24, v25;
	v16 =	vsel vm0, v16, v20;
	v19 =	vsel vm0, v19, v22;
	v20, v22, _ =	vpop (xrf1)  }
0x1a0: {  	(xrf1) =	vsort.dscd.msk.f32 $0xffff, v16, v19;
	v14 =	vsel vm0, v14, v22;
	v0 =	vsel vm0, v0, v20  }
0x1a1: {  	(xrf1) =	vsort.dscd.msk.f32 $0xffff, v0, v14;
	_ =	sdelay $0x7  }
0x1a2: {  	v0, v14, _ =	vpop (xrf1)  }
0x1a3: {  	v16, v20, _ =	vpop (xrf1)  }
0x1a4: {  	v14 =	vsel vm0, v14, v20  }
0x1a5: {  	v0 =	vsel vm0, v0, v16;
	v22, v24, _ =	vpop (xrf1)  }
0x1a6: {  	v25, v19, _ =	vpop (xrf1)  }
0x1a7: {  	v16, v20, _ =	vpop (xrf1)  }
0x1a8: {  	(xrf1) =	vsort.dscd.msk.f32 $0xffff, v0, v14;
	v0, v14, _ =	vpop (xrf1)  }
0x1a9: {  	v30 =	vld.idx.msk @p1 [tilespmem:v15+s9+$0x0], $0xffff;
	v0 =	vsel vm0, v0, v22;
	v14 =	vsel vm0, v14, v24  }
0x1aa: {  	(xrf1) =	vsort.dscd.msk.f32 $0xffff, v0, v14;
	v0 =	vld.idx.msk @p0 [tilespmem:v10+s9+$0x0], $0xffff;
	_ =	sdelay $0x1  }
0x1ab: {  	v22 =	vld [tilespmem:$0x1FFD0];
	_ =	sdelay $0x2  }
0x1ac: {  	v30 =	vsub.f32 @p1 v43, v30;
	v14 =	vld.idx.msk @p0 [tilespmem:v13+s9+$0x0], $0xffff;
	v0 =	vsub.f32 @p0 v40, v0;
	_ =	sdelay $0x1  }
0x1ad: {  	(xrf2) =	vadd.scan.msk.f32 @p1 $0xffff, v30;
	v0 =	vpsel p0, v0, v22;
	v22 =	vld [tilespmem:$0x1FFE0];
	_ =	sdelay $0x2  }
0x1ae: {  	v14 =	vsub.f32 @p0 v45, v14  }
0x1af: {  	v24 =	vld.idx.msk @p0 [tilespmem:v11+s9+$0x0], $0xffff  }
0x1b0: {  	(xrf2) =	vadd.scan.msk.f32 @p0 $0xffff, v0;
	v14 =	vpsel p0, v14, v22  }
0x1b1: {  	v31 =	vld.idx.msk @p0 [tilespmem:v18+s9+$0x0], $0xffff;
	(xrf2) =	vadd.scan.msk.f32 @p0 $0xffff, v14;
	_ =	sdelay $0x2  }
0x1b2: {  	v51 =	vld.idx.msk [tilespmem:v19+s9+$0x0], $0xffff;
	v29 =	vsub.f32 @p0 v29, v24  }
0x1b3: {  	v37, _, _ =	vpop @p1 (xrf2);
	v52 =	vld.idx.msk [tilespmem:v20+s9+$0x0], $0xffff  }
0x1b4: {  	v37 =	vbroadcast @p1 v37, $0x7;
	v28 =	vsub.f32 @p0 v28, v31;
	v53, v22, _ =	vpop (xrf1);
	(xrf2) =	vadd.scan.msk.f32 @p0 $0xffff, v29;
	_ =	sdelay $0x1  }
0x1b5: {  	v54, v24, _ =	vpop (xrf1);
	(xrf2) =	vadd.scan.msk.f32 @p0 $0xffff, v28  }
0x1b6: {  	v25 =	vsub.f32 v25, v51  }
0x1b7: {  	(erf) = vrcp.f32 @p1 v37;
	v16 =	vsub.f32 v16, v52;
	v55 =	vld.idx.msk [tilespmem:v22+s9+$0x0], $0xffff;
	v37, _, _ =	vpop @p0 (xrf2)  }
0x1b8: {  	v44 =	vadd.s32 @p1 s8, v60;
	(xrf2) =	vadd.scan.msk.f32 $0xffff, v25;
	v45, _, _ =	vpop @p0 (xrf2)  }
0x1b9: {  	(xrf2) =	vadd.scan.msk.f32 $0xffff, v16;
	v56 =	vld.idx.msk [tilespmem:v24+s9+$0x0], $0xffff;
	v37 =	vbroadcast @p0 v37, $0x7;
	v45 =	vbroadcast @p0 v45, $0x7  }
0x1ba: {  	v35 =	vmul.f32 @p2 v42, v35  }
0x1bb: {  	v17 =	vmul.f32 @p1 v17, v38;
	[tilespmem:v39+s17+$0x0] =	vst.idx.msk @p2 $0xff, v21;
	(erf) = vrcp.f32 @p0 v45  }
0x1bc: {  	v21 =	vadd.s32 @p1 s13, v60;
	[tilespmem:v41+s16+$0x0] =	vst.idx.msk @p2 $0xff, v35;
	v43 =	vsub.f32 v53, v55  }
0x1bd: {  	s8 =	sand.u32 @p1 $0x7D, s19;
	[tilespmem:v44+s16+$0x0] =	vst.idx.msk @p1 $0xff, v17;
	(erf) = vrcp.f32 @p0 v37;
	v37, _, _ =	vpop @p0 (xrf2)  }
0x1be: {  	s3 =	sor.u32 @p1 s3, s8;
	v17 =	vadd.s32 @p1 s7, v60;
	(xrf2) =	vadd.scan.msk.f32 $0xffff, v43;
	v31 =	vsub.f32 v54, v56;
	v35 =	vbroadcast @p0 v37, $0x7  }
0x1bf: {  	[tilespmem:v41+s17+$0x0] =	vst.idx.msk @p2 $0xff, v26;
	v26 =	vmul.f32 @p1 v27, v34;
	v27 =	vadd.s32 @p1 s3, v60;
	v17 =	vpsel p1, v17, v0;
	v39, _, _ =	vpop @p0 (xrf2)  }
0x1c0: {  	v38 =	vpop @p1 (erf);
	(xrf2) =	vadd.scan.msk.f32 $0xffff, v31;
	v34 =	vbroadcast @p0 v39, $0x7;
	v39 =	vpsel p1, v27, v0;
	(erf) = vrcp.f32 @p0 v35  }
0x1c1: {  	s3 =	smov.u32 @p0 s11;
	[tilespmem:v21+s16+$0x0] =	vst.idx.msk @p1 $0xff, v26;
	v26 =	vpsel p1, v30, v0;
	v30 =	vpsel p1, v38, v0  }
0x1c2: {  	v12 =	vmul.f32 @p1 v23, v12;
	s4 =	smov.u32 @p0 s3;
	[tilespmem:v21+s17+$0x0] =	vst.idx.msk @p1 $0xff, v33;
	v21 =	vmul.f32 @p1 v30, v26;
	v59, _, _ =	vpop (xrf2)  }
0x1c3: {  	[tilespmem:v44+s17+$0x0] =	vst.idx.msk @p1 $0xff, v32;
	v32 =	vmov @p1 v36;
	v26 =	vadd.s32 @p0 s4, v60;
	v23, _, _ =	vpop (xrf2);
	(erf) = vrcp.f32 @p0 v34  }
0x1c4: {  	s18 =	smov.u32 @p0 s1;
	s3 =	smov.u32 @p0 s31;
	[tilespmem:v27+s16+$0x0] =	vst.idx.msk @p1 $0xff, v12;
	v12 =	vpsel p1, v32, v0;
	v23 =	vbroadcast v23, $0x7;
	v27 =	vpop @p0 (erf)  }
0x1c5: {  	s20 =	smov.u32 @p0 s3;
	s4 =	smov.u32 @p0 s5;
	[tilespmem:v39+s17+$0x0] =	vst.idx.msk @p1 $0xff, v12;
	v12 =	vmul.f32 @p0 v27, v14;
	v14 =	vadd.s32 @p0 s18, v60  }
0x1c6: {  	s1 =	smov.u32 @p0 s2;
	v13 =	vpsel p0, v13, v57;
	v15 =	vpsel p1, v15, v0;
	s2 =	sand.u32 @p0 $0x7D, s20;
	s0 =	smov.u32 @p0 s4;
	[tilespmem:v17+s16+$0x0] =	vst.idx.msk @p1 $0xff, v21;
	v61 =	vbroadcast v59, $0x7;
	v21 =	vpop @p0 (erf)  }
0x1c7: {  	s10 =	smov.u32 @p0 s1;
	s0 =	sor.u32 @p0 s0, s2;
	[tilespmem:v17+s17+$0x0] =	vst.idx.msk @p1 $0xff, v15;
	(erf) = vrcp.f32 v23;
	v0 =	vmul.f32 @p0 v21, v0  }
0x1c8: {  	v15 =	vadd.s32 @p0 s0, v60;
	v17 =	vadd.s32 @p0 s10, v60;
	v23, _, _ =	vpop (xrf2);
	[tilespmem:v26+s16+$0x0] =	vst.idx.msk @p0 $0xff, v12  }
0x1c9: {  	(erf) = vrcp.f32 v61;
	v23 =	vbroadcast v23, $0x7;
	v12 =	vpsel p0, v15, v0;
	[tilespmem:v26+s17+$0x0] =	vst.idx.msk @p0 $0xff, v13;
	v13 =	vpop @p0 (erf)  }
0x1ca: {  	v21, _, _ =	vpop (xrf2);
	v17 =	vpsel p0, v17, v0;
	[tilespmem:v14+s16+$0x0] =	vst.idx.msk @p0 $0xff, v0;
	v0 =	vmul.f32 @p0 v13, v29  }
0x1cb: {  	v10 =	vpsel p0, v10, v9;
	(erf) = vrcp.f32 v23;
	v21 =	vbroadcast v21, $0x7  }
0x1cc: {  	v13 =	vpop @p0 (erf);
	[tilespmem:v14+s17+$0x0] =	vst.idx.msk @p0 $0xff, v10;
	v10 =	vpsel p0, v28, v0  }
0x1cd: {  	(erf) = vrcp.f32 v21;
	v13 =	vpsel p0, v13, v0;
	[tilespmem:v15+s16+$0x0] =	vst.idx.msk @p0 $0xff, v0;
	v0 =	vpsel p0, v11, v0  }
0x1ce: {  	v14 =	vadd.s32 s14, v60;
	v10 =	vmul.f32 @p0 v13, v10;
	_ =	sdelay $0x1  }
0x1cf: {  	s22 =	sand.u32 $0x7D, s30;
	v11 =	vadd.s32 s12, v60;
	[tilespmem:v12+s17+$0x0] =	vst.idx.msk @p0 $0xff, v0;
	v0 =	vpop (erf)  }
0x1d0: {  	s0 =	sor.u32 s21, s22;
	[tilespmem:v17+s16+$0x0] =	vst.idx.msk @p0 $0xff, v10;
	v12 =	vpsel p0, v18, v0;
	v0 =	vmul.f32 v0, v16  }
0x1d1: {  	[tilespmem:v17+s17+$0x0] =	vst.idx.msk @p0 $0xff, v12;
	v10 =	vpop (erf);
	v12 =	vadd.s32 s0, v60  }
0x1d2: {  	[tilespmem:v14+s16+$0x0] =	vst.idx.msk $0xff, v0;
	v0 =	vmul.f32 v10, v25  }
0x1d3: {  	v13 =	vadd.s32 s6, v60;
	v10 =	vpop (erf);
	[tilespmem:v14+s17+$0x0] =	vst.idx.msk $0xff, v20  }
0x1d4: {  	[tilespmem:v11+s16+$0x0] =	vst.idx.msk $0xff, v0;
	v0 =	vmul.f32 v10, v43  }
0x1d5: {  	v10 =	vpop (erf);
	[tilespmem:v11+s17+$0x0] =	vst.idx.msk $0xff, v19  }
0x1d6: {  	[tilespmem:v12+s16+$0x0] =	vst.idx.msk $0xff, v0;
	v0 =	vmul.f32 v10, v31  }
0x1d7: {  	s23 =	simm.s32 $0x0;
	[tilespmem:v12+s17+$0x0] =	vst.idx.msk $0xff, v22  }
0x1d8: {  	s24 =	sand.u32 $0x2, s23;
	s1 =	sand.u32 $0x7000, s23;
	[tilespmem:v13+s16+$0x0] =	vst.idx.msk $0xff, v0  }
0x1d9: {  	s30 =	simm.s32 $0x2;
	s1 =	sor.u32 $0x8000, s1;
	s31 =	sor.u32 $0x1, s24;
	[tilespmem:v13+s17+$0x0] =	vst.idx.msk $0xff, v24  }
0x1da: {  	s4 =	simm.s32 $0x0;
	s6 =	sshll.u32 s31, $0xA;
	_ =	swait.ge [sflag:s30], $0x8000  }
0x1db: {  	s3 =	sand.u32 $0x380, s4;
	s4 =	sor.u32 s6, s1;
	[sflag:s30] =	ssyncset.done $0x0  }
0x1dc: {  	s4 =	sor.u32 s3, s4;
	[sflag:s30] =	ssyncadd.s32 $0xFFFF8000  }
0x1dd: {  	v0 =	vld [tilespmem:s4+$0x70]  }
0x1de: {  	v10 =	vld [tilespmem:s4+$0x0]  }
0x1df: {  	v11 =	vld [tilespmem:s4+$0x10]  }
0x1e0: {  	v12 =	vld [tilespmem:s4+$0x20]  }
0x1e1: {  	v13 =	vld [tilespmem:s4+$0x30]  }
0x1e2: {  	s7 =	sshll.u32 s24, $0xA;
	v14 =	vld [tilespmem:s4+$0x40];
	v0 =	vmul.f32 $1.442695020e+00, v0  }
0x1e3: {  	s1 =	sor.u32 s7, s1;
	v15 =	vld [tilespmem:s4+$0x50];
	v10 =	vmul.f32 $1.442695020e+00, v10  }
0x1e4: {  	s5 =	sor.u32 s3, s1;
	v16 =	vld [tilespmem:s4+$0x60];
	v11 =	vmul.f32 $1.442695020e+00, v11;
	(erf) = vpow2.f32 v0  }
0x1e5: {  	v12 =	vmul.f32 $1.442695020e+00, v12;
	v0 =	vld [tilespmem:s5+$0x0];
	(erf) = vpow2.f32 v10  }
0x1e6: {  	v13 =	vmul.f32 $1.442695020e+00, v13;
	v10 =	vld [tilespmem:s5+$0x10];
	(erf) = vpow2.f32 v11  }
0x1e7: {  	s8 =	simm.s32 $0x2;
	v14 =	vmul.f32 $1.442695020e+00, v14;
	(erf) = vpow2.f32 v12;
	v12 =	vld [tilespmem:s5+$0x30]  }
0x1e8: {  	s10 =	sand.u32 $0x2, s8;
	s1 =	simm.s32 $0x100;
	v11 =	vld [tilespmem:s5+$0x20];
	(erf) = vpow2.f32 v13  }
0x1e9: {  	s2 =	sor.u32 $0x1, s10;
	s12 =	smul.u32 $0x2080, s31;
	s25 =	sand.u32 $0x7000, s1;
	v15 =	vmul.f32 $1.442695020e+00, v15;
	(erf) = vpow2.f32 v14;
	v14 =	vld [tilespmem:s5+$0x50]  }
0x1ea: {  	s26 =	simm.s32 $0x40;
	s28 =	sshll.u32 s2, $0xA;
	s6 =	sor.u32 $0x8000, s25;
	v16 =	vmul.f32 $1.442695020e+00, v16;
	v13 =	vld [tilespmem:s5+$0x40];
	v0 =	vmul.f32 $1.442695020e+00, v0  }
0x1eb: {  	s29 =	sadd.s32 $0x0, s12;
	s7 =	sand.u32 $0x380, s26;
	s8 =	sor.u32 s28, s6;
	(erf) = vpow2.f32 v15;
	v10 =	vmul.f32 $1.442695020e+00, v10;
	v15 =	vld [tilespmem:s5+$0x60]  }
0x1ec: {  	s31 =	sor.u32 s7, s8;
	s30 =	sadd.s32 $0x1C70, s29;
	(erf) = vpow2.f32 v16;
	v16 =	vld [tilespmem:s5+$0x70];
	v12 =	vmul.f32 $1.442695020e+00, v12  }
0x1ed: {  	v17 =	vld [tilespmem:s31+$0x70];
	v11 =	vmul.f32 $1.442695020e+00, v11;
	(erf) = vpow2.f32 v0;
	v0 =	vadd.s32 s30, v1  }
0x1ee: {  	s19 =	sadd.s32 $0x820, s29;
	v19 =	vld [tilespmem:s31+$0x0];
	(erf) = vpow2.f32 v10;
	v18 =	vpop (erf);
	v14 =	vmul.f32 $1.442695020e+00, v14  }
0x1ef: {  	s13 =	sadd.s32 $0x410, s29;
	v21 =	vadd.s32 s19, v1;
	v23 =	vld [tilespmem:s31+$0x20];
	v13 =	vmul.f32 $1.442695020e+00, v13;
	(erf) = vpow2.f32 v11;
	v10 =	vpop (erf)  }
0x1f0: {  	s14 =	smul.u32 $0x2080, s24;
	s20 =	sadd.s32 $0xC30, s29;
	v20 =	vadd.s32 s13, v1;
	v11 =	vld [tilespmem:s31+$0x10];
	(erf) = vpow2.f32 v12;
	v15 =	vmul.f32 $1.442695020e+00, v15;
	v12 =	vpop (erf)  }
0x1f1: {  	s11 =	simm.s32 $0x4;
	s21 =	simm.s32 $0x0;
	s23 =	sadd.s32 $0x1040, s29;
	v24 =	vadd.s32 s20, v1;
	(erf) = vpow2.f32 v13;
	v13 =	vmul.f32 $1.442695020e+00, v16;
	v22 =	vpop (erf)  }
0x1f2: {  	s24 =	sshll.u32 s10, $0xA;
	s22 =	sadd.s32 $0x0, s14;
	v26 =	vadd.s32 s23, v1;
	s25 =	sadd.s32 $0x1450, s29;
	v25 =	vld [tilespmem:s31+$0x30];
	(erf) = vpow2.f32 v14;
	[tilespmem:v0+s15+$0x0] =	vst.idx.msk $0xffff, v18;
	v18 =	vmul.f32 $1.442695020e+00, v17;
	v14 =	vpop (erf)  }
0x1f3: {  	s2 =	smul.u32 $0x2080, s2;
	s18 =	sadd.s32 $0x1450, s22;
	s6 =	sor.u32 s24, s6;
	v27 =	vadd.s32 s25, v1;
	v0 =	vld [tilespmem:s31+$0x40];
	(erf) = vpow2.f32 v15;
	v15 =	vmul.f32 $1.442695020e+00, v19;
	v62 =	vpop (erf)  }
0x1f4: {  	s26 =	sadd.s32 $0x1860, s29;
	s0 =	smul.u32 $0x2080, s10;
	s3 =	sor.u32 s7, s6;
	v16 =	vld [tilespmem:s31+$0x50];
	[tilespmem:v21+s15+$0x0] =	vst.idx.msk $0xffff, v22;
	v21 =	vmul.f32 $1.442695020e+00, v23;
	(erf) = vpow2.f32 v13;
	v63 =	vpop (erf)  }
0x1f5: {  	s10 =	sadd.s32 $0x1860, s22;
	s28 =	sadd.s32 $0x410, s22;
	s29 =	sadd.s32 $0x820, s22;
	[tilespmem:v20+s15+$0x0] =	vst.idx.msk $0xffff, v12;
	v17 =	vadd.s32 s26, v1;
	v12 =	vld [tilespmem:s3+$0x0];
	v20 =	vmul.f32 $1.442695020e+00, v11;
	(erf) = vpow2.f32 v18;
	v22 =	vpop (erf)  }
0x1f6: {  	s8 =	sor.u32 s21, s12;
	s7 =	sor.u32 s21, s14;
	s30 =	sadd.s32 $0xC30, s22;
	v19 =	vadd.s32 s29, v1;
	v13 =	vld [tilespmem:s31+$0x60];
	[tilespmem:v24+s15+$0x0] =	vst.idx.msk $0xffff, v14;
	v18 =	vadd.s32 s28, v1;
	(erf) = vpow2.f32 v15;
	v11 =	vpop (erf)  }
0x1f7: {  	s14 =	sadd.s32 $0x1C70, s22;
	s6 =	sadd.s32 $0x0, s0;
	v23 =	vmul.f32 $1.442695020e+00, v25;
	s31 =	sadd.s32 $0x1040, s22;
	v14 =	vld [tilespmem:s3+$0x20];
	[tilespmem:v26+s15+$0x0] =	vst.idx.msk $0xffff, v62;
	(erf) = vpow2.f32 v20;
	v20 =	vadd.s32 s30, v1;
	v25 =	vpop (erf)  }
0x1f8: {  	s13 =	sadd.s32 $0x0, s2;
	s4 =	simm.s32 $0x0;
	s5 =	simm.s32 $0x10;
	v15 =	vld [tilespmem:s3+$0x10];
	[tilespmem:v27+s15+$0x0] =	vst.idx.msk $0xffff, v63;
	v24 =	vmul.f32 $1.442695020e+00, v0;
	(erf) = vpow2.f32 v21;
	v21 =	vadd.s32 s31, v1;
	v26 =	vpop (erf)  }
.LBB2_14:
0x1f9: {  	v16 =	vmul.f32 $1.442695020e+00, v16  }
0x1fa: {  	s19 =	sand.u32 $0x2, s11;
	v0 =	vld [tilespmem:s3+$0x30];
	s20 =	sadd.s32 $0x1C70, s13;
	s1 =	sadd.s32 $0x100, s1;
	(erf) = vpow2.f32 v23;
	v23 =	vadd.s32 s18, v1;
	[tilespmem:v17+s15+$0x0] =	vst.idx.msk $0xffff, v22;
	v17 =	vpop (erf);
	v22 =	vmov v10  }
0x1fb: {  	s5 =	sadd.s32 $0x10, s5;
	s18 =	sand.u32 $0x7000, s1;
	s12 =	sor.u32 $0x1, s19;
	v10 =	vld [tilespmem:s3+$0x40];
	v13 =	vmul.f32 $1.442695020e+00, v13;
	v27 =	vadd.s32 s20, v1;
	(erf) = vpow2.f32 v24;
	[tilespmem:v18+s15+$0x0] =	vst.idx.msk $0xffff, v25;
	v18 =	vpop (erf)  }
0x1fc: {  	s20 =	sshll.u32 s5, $0x2;
	s18 =	sor.u32 $0x8000, s18;
	s21 =	sshll.u32 s12, $0xA;
	v12 =	vmul.f32 $1.442695020e+00, v12;
	v24 =	vld [tilespmem:s3+$0x50];
	(erf) = vpow2.f32 v16;
	[tilespmem:v19+s15+$0x0] =	vst.idx.msk $0xffff, v26;
	v16 =	vadd.s32 s10, v1;
	v19 =	vpop (erf)  }
0x1fd: {  	s10 =	sand.u32 $0x380, s20;
	s20 =	sshll.u32 s19, $0xA;
	s21 =	sor.u32 s21, s18;
	v9 =	vmul.f32 $1.442695020e+00, v15;
	v25 =	vld [tilespmem:s3+$0x60];
	(erf) = vpow2.f32 v13;
	[tilespmem:v20+s15+$0x0] =	vst.idx.msk $0xffff, v17;
	v13 =	vadd.s32 s14, v1;
	v17 =	vpop (erf)  }
0x1fe: {  	s14 =	sor.u32 s20, s18;
	s20 =	smul.u32 $0x2080, s19;
	s19 =	sor.u32 s10, s21;
	v14 =	vmul.f32 $1.442695020e+00, v14;
	v20 =	vld [tilespmem:s3+$0x70];
	(erf) = vpow2.f32 v12;
	[tilespmem:v21+s15+$0x0] =	vst.idx.msk $0xffff, v18;
	v12 =	vadd.s32 s8, v1;
	v18 =	vpop (erf)  }
0x1ff: {  	v26 =	vadd.s32 s7, v1;
	s3 =	sor.u32 s10, s14;
	s8 =	sadd.s32 $0x410, s13;
	s14 =	sadd.s32 $0x820, s13;
	v21 =	vld [tilespmem:s19+$0x70];
	v29 =	vmul.f32 $1.442695020e+00, v0;
	(erf) = vpow2.f32 v9;
	v15 =	vpop (erf);
	[tilespmem:v23+s15+$0x0] =	vst.idx.msk $0xffff, v19  }
0x200: {  	s22 =	sadd.s32 $0x1450, s13;
	s7 =	sadd.s32 $0xC30, s13;
	s21 =	sadd.s32 $0x1040, s13;
	v28 =	vadd.s32 s8, v1;
	v19 =	vld [tilespmem:s19+$0x0];
	v9 =	vmul.f32 $1.442695020e+00, v10;
	[tilespmem:v27+s15+$0x0] =	vst.idx.msk $0xffff, v15;
	(erf) = vpow2.f32 v14;
	v10 =	vpop (erf)  }
0x201: {  	s23 =	sadd.s32 $0x410, s6;
	s10 =	sadd.s32 $0x1860, s6;
	s13 =	sadd.s32 $0x1860, s13;
	v14 =	vld [tilespmem:s19+$0x10];
	v31 =	vmul.f32 $1.442695020e+00, v24;
	v24 =	vadd.s32 s14, v1;
	(erf) = vpow2.f32 v29;
	v0 =	vpop (erf);
	[tilespmem:v16+s15+$0x0] =	vst.idx.msk $0xffff, v17  }
0x202: {  	s24 =	sadd.s32 $0x820, s6;
	s25 =	sadd.s32 $0xC30, s6;
	s8 =	sor.u32 s4, s2;
	v27 =	vld [tilespmem:s19+$0x20];
	v16 =	vmul.f32 $1.442695020e+00, v25;
	v25 =	vadd.s32 s7, v1;
	(erf) = vpow2.f32 v9;
	v23 =	vpop (erf);
	[tilespmem:v13+s15+$0x0] =	vst.idx.msk $0xffff, v18  }
0x203: {  	s26 =	sadd.s32 $0x1040, s6;
	s18 =	sadd.s32 $0x1450, s6;
	v30 =	vadd.s32 s21, v1;
	s7 =	sor.u32 s4, s0;
	v29 =	vld [tilespmem:s19+$0x30];
	v13 =	vmul.f32 $1.442695020e+00, v20;
	(erf) = vpow2.f32 v31;
	v15 =	vpop (erf);
	[tilespmem:v12+s15+$0x0] =	vst.idx.msk $0xffff, v22  }
0x204: {  	p0 =	slt.u32 s5, $0x7F0;
	v32 =	vadd.s32 s22, v1;
	s14 =	sadd.s32 $0x1C70, s6;
	s0 =	smov.u32 s20;
	v31 =	vld [tilespmem:s19+$0x40];
	v12 =	vmul.f32 $1.442695020e+00, v21;
	(erf) = vpow2.f32 v16;
	v21 =	vpop (erf);
	[tilespmem:v26+s15+$0x0] =	vst.idx.msk $0xffff, v11  }
.Ltmp6:
0x205: {  	v17 =	vadd.s32 s13, v1;
	v9 =	vmul.f32 $1.442695020e+00, v19;
	v16 =	vld [tilespmem:s19+$0x50];
	[tilespmem:v28+s15+$0x0] =	vst.idx.msk $0xffff, v0;
	(erf) = vpow2.f32 v13;
	v0 =	vpop (erf);
	(pc) =	sbr.rel @p0 .LBB2_14-.Ltmp6, $4  }
0x206: {  	v18 =	vadd.s32 s23, v1;
	v14 =	vmul.f32 $1.442695020e+00, v14;
	v13 =	vld [tilespmem:s19+$0x60];
	(erf) = vpow2.f32 v12;
	[tilespmem:v24+s15+$0x0] =	vst.idx.msk $0xffff, v23;
	v22 =	vpop (erf)  }
0x207: {  	s2 =	smul.u32 $0x2080, s12;
	v19 =	vadd.s32 s24, v1;
	v12 =	vld [tilespmem:s3+$0x0];
	v27 =	vmul.f32 $1.442695020e+00, v27;
	(erf) = vpow2.f32 v9;
	[tilespmem:v25+s15+$0x0] =	vst.idx.msk $0xffff, v15;
	v11 =	vpop (erf)  }
0x208: {  	s12 =	simm.s32 $0x10082;
	s4 =	sshrl.u32 s5, $0x5;
	v20 =	vadd.s32 s25, v1;
	v15 =	vld [tilespmem:s3+$0x10];
	v23 =	vmul.f32 $1.442695020e+00, v29;
	(erf) = vpow2.f32 v14;
	[tilespmem:v30+s15+$0x0] =	vst.idx.msk $0xffff, v21;
	v25 =	vpop (erf)  }
0x209: {  	s11 =	sadd.s32 $0x2, s11;
	s6 =	sadd.s32 s4, s0;
	s13 =	sadd.s32 s4, s2;
	v21 =	vadd.s32 s26, v1;
	v14 =	vld [tilespmem:s3+$0x20];
	v24 =	vmul.f32 $1.442695020e+00, v31;
	(erf) = vpow2.f32 v27;
	[tilespmem:v32+s15+$0x0] =	vst.idx.msk $0xffff, v0;
	v26 =	vpop (erf)  }
0x20a: {  	_ =	sdelay $0x3  }
0x20b: {  	s1 =	sadd.s32 $0x1C70, s13;
	v0 =	vadd.s32 s18, v1;
	[tilespmem:v17+s15+$0x0] =	vst.idx.msk $0xffff, v22;
	v17 =	vpop (erf)  }
0x20c: {  	[tilespmem:v18+s15+$0x0] =	vst.idx.msk $0xffff, v25;
	v25 =	vld [tilespmem:s3+$0x30];
	v22 =	vadd.s32 s1, v1;
	v18 =	vpop (erf);
	v13 =	vmul.f32 $1.442695020e+00, v13  }
0x20d: {  	v16 =	vmul.f32 $1.442695020e+00, v16;
	(erf) = vpow2.f32 v23;
	[tilespmem:v19+s15+$0x0] =	vst.idx.msk $0xffff, v26;
	v19 =	vadd.s32 s10, v1;
	v26 =	vld [tilespmem:s3+$0x40];
	v23 =	vpop (erf)  }
0x20e: {  	(erf) = vpow2.f32 v24;
	[tilespmem:v20+s15+$0x0] =	vst.idx.msk $0xffff, v17;
	v17 =	vadd.s32 s14, v1;
	v24 =	vld [tilespmem:s3+$0x50];
	v20 =	vpop (erf)  }
0x20f: {  	v12 =	vmul.f32 $1.442695020e+00, v12;
	(erf) = vpow2.f32 v16;
	[tilespmem:v21+s15+$0x0] =	vst.idx.msk $0xffff, v18;
	v16 =	vadd.s32 s8, v1;
	v21 =	vld [tilespmem:s3+$0x60];
	v18 =	vpop (erf)  }
0x210: {  	v27 =	vadd.s32 s7, v1;
	(erf) = vpow2.f32 v13;
	v13 =	vpop (erf);
	[tilespmem:v0+s15+$0x0] =	vst.idx.msk $0xffff, v23;
	v0 =	vmul.f32 $1.442695020e+00, v14;
	v14 =	vld [tilespmem:s3+$0x70]  }
0x211: {  	s10 =	sadd.s32 $0x410, s13;
	v15 =	vmul.f32 $1.442695020e+00, v15;
	[tilespmem:v22+s15+$0x0] =	vst.idx.msk $0xffff, v13;
	v13 =	vmul.f32 $1.442695020e+00, v25  }
0x212: {  	s11 =	sadd.s32 $0x820, s13;
	(erf) = vpow2.f32 v12;
	v12 =	vadd.s32 s10, v1;
	[tilespmem:v19+s15+$0x0] =	vst.idx.msk $0xffff, v20;
	v19 =	vmul.f32 $1.442695020e+00, v26  }
0x213: {  	s14 =	sadd.s32 $0xC30, s13;
	(erf) = vpow2.f32 v15;
	v15 =	vadd.s32 s11, v1;
	[tilespmem:v17+s15+$0x0] =	vst.idx.msk $0xffff, v18;
	v17 =	vmul.f32 $1.442695020e+00, v24  }
0x214: {  	s18 =	sadd.s32 $0x1040, s13;
	v20 =	vadd.s32 s14, v1;
	(erf) = vpow2.f32 v0;
	[tilespmem:v16+s15+$0x0] =	vst.idx.msk $0xffff, v10;
	v10 =	vmul.f32 $1.442695020e+00, v21;
	v0 =	vpop (erf)  }
0x215: {  	s19 =	sadd.s32 $0x1450, s13;
	[tilespmem:v27+s15+$0x0] =	vst.idx.msk $0xffff, v11;
	v18 =	vadd.s32 s18, v1;
	(erf) = vpow2.f32 v13;
	v13 =	vpop (erf);
	v11 =	vmul.f32 $1.442695020e+00, v14  }
0x216: {  	s20 =	sadd.s32 $0x1860, s13;
	(erf) = vpow2.f32 v19;
	v19 =	vadd.s32 s19, v1;
	v16 =	vpop (erf)  }
0x217: {  	s21 =	sadd.s32 $0x410, s6;
	(erf) = vpow2.f32 v17;
	[tilespmem:v12+s15+$0x0] =	vst.idx.msk $0xffff, v13;
	v12 =	vadd.s32 s20, v1;
	v14 =	vpop (erf)  }
0x218: {  	s22 =	sadd.s32 $0x820, s6;
	v13 =	vadd.s32 s21, v1;
	(erf) = vpow2.f32 v10;
	[tilespmem:v15+s15+$0x0] =	vst.idx.msk $0xffff, v16;
	v10 =	vpop (erf)  }
0x219: {  	s23 =	sadd.s32 $0xC30, s6;
	v15 =	vadd.s32 s22, v1;
	(erf) = vpow2.f32 v11;
	[tilespmem:v20+s15+$0x0] =	vst.idx.msk $0xffff, v14;
	v11 =	vpop (erf)  }
0x21a: {  	s24 =	sadd.s32 $0x1040, s6;
	v16 =	vadd.s32 s23, v1;
	[tilespmem:v18+s15+$0x0] =	vst.idx.msk $0xffff, v10;
	v14 =	vpop (erf)  }
0x21b: {  	s25 =	sadd.s32 $0x1450, s6;
	v17 =	vadd.s32 s24, v1;
	[tilespmem:v19+s15+$0x0] =	vst.idx.msk $0xffff, v11;
	v10 =	vpop (erf)  }
0x21c: {  	s26 =	sadd.s32 $0x1860, s6;
	v18 =	vadd.s32 s25, v1;
	[tilespmem:v12+s15+$0x0] =	vst.idx.msk $0xffff, v14;
	v11 =	vpop (erf)  }
0x21d: {  	s31 =	sadd.s32 $0x1C70, s6;
	v12 =	vpop (erf);
	[tilespmem:v13+s15+$0x0] =	vst.idx.msk $0xffff, v11;
	v11 =	vadd.s32 s26, v1  }
0x21e: {  	s2 =	sor.u32 s4, s2;
	v13 =	vpop (erf);
	[tilespmem:v15+s15+$0x0] =	vst.idx.msk $0xffff, v12;
	v12 =	vadd.s32 s31, v1  }
0x21f: {  	s0 =	sor.u32 s4, s0;
	v14 =	vpop (erf);
	[tilespmem:v16+s15+$0x0] =	vst.idx.msk $0xffff, v13;
	v13 =	vadd.s32 s2, v1  }
0x220: {  	v15 =	vpop (erf);
	[tilespmem:v17+s15+$0x0] =	vst.idx.msk $0xffff, v14;
	v14 =	vadd.s32 s0, v1  }
0x221: {  	v16 =	vpop (erf);
	[tilespmem:v18+s15+$0x0] =	vst.idx.msk $0xffff, v15  }
0x222: {  	v15 =	vpop (erf);
	[tilespmem:v11+s15+$0x0] =	vst.idx.msk $0xffff, v16  }
0x223: {  	[tilespmem:v12+s15+$0x0] =	vst.idx.msk $0xffff, v15  }
0x224: {  	[tilespmem:v13+s15+$0x0] =	vst.idx.msk $0xffff, v0  }
0x225: {  	[tilespmem:v14+s15+$0x0] =	vst.idx.msk $0xffff, v10  }
0x226: {  	v0 =	vld [tilespmem:s12+$0x71]  }
0x227: {  	v10 =	vld [tilespmem:s12+$0x61]  }
0x228: {  	v11 =	vld [tilespmem:s12+$0x51]  }
0x229: {  	v13 =	vld [tilespmem:s12+$0x41];
	_ =	sdelay $0x4  }
0x22a: {  	v12 =	vadd.f32 v0, v10;
	v14 =	vadd.f32 v11, v13;
	_ =	sdelay $0x1  }
0x22b: {  	v15 =	vld [tilespmem:s12+$0xFFFFFF8E];
	v12 =	vadd.f32 v12, v14  }
0x22c: {  	v16 =	vld [tilespmem:s12+$0xFFFFFFAE]  }
0x22d: {  	v17 =	vld [tilespmem:s12+$0xFFFFFF7E];
	(xrf2) =	vadd.scan.msk.f32 $0xffff, v12  }
0x22e: {  	v14 =	vld [tilespmem:s12+$0xFFFFFF9E]  }
0x22f: {  	v18 =	vld [tilespmem:s12+$0xFFFFFFEF]  }
0x230: {  	v19 =	vld [tilespmem:s12+$0xFFFFFFDF]  }
0x231: {  	v20 =	vld [tilespmem:s12+$0xFFFFFFCF]  }
0x232: {  	v21 =	vld [tilespmem:s12+$0xFFFFFFBF]  }
0x233: {  	v22 =	vadd.f32 v15, v17;
	v12 =	vadd.f32 v16, v14;
	_ =	sdelay $0x1  }
0x234: {  	v12 =	vadd.f32 v12, v22;
	_ =	sdelay $0x1  }
0x235: {  	v23 =	vadd.f32 v18, v19;
	v24 =	vadd.f32 v20, v21;
	(xrf2) =	vadd.scan.msk.f32 $0xffff, v12;
	v22, _, _ =	vpop (xrf2)  }
0x236: {  	v22 =	vbroadcast v22, $0xF  }
0x237: {  	v12 =	vadd.f32 v23, v24  }
0x238: {  	v25 =	vld [tilespmem:s12+$0x20];
	(erf) = vrcp.f32 v22  }
0x239: {  	v23 =	vld [tilespmem:s12+$0x10];
	(xrf2) =	vadd.scan.msk.f32 $0xffff, v12  }
0x23a: {  	v22 =	vld [tilespmem:s12+$0x30]  }
0x23b: {  	v24 =	vld [tilespmem:s12+$0x0];
	_ =	sdelay $0x3  }
0x23c: {  	v12, _, _ =	vpop (xrf2);
	v27 =	vadd.f32 v22, v25  }
0x23d: {  	v26 =	vadd.f32 v23, v24;
	v12 =	vbroadcast v12, $0xF  }
0x23e: {  	v28 =	vpop (erf)  }
0x23f: {  	s2 =	simm.s32 $0x10186;
	v26 =	vadd.f32 v27, v26;
	(erf) = vrcp.f32 v12;
	v10 =	vmul.f32 v28, v10  }
0x240: {  	v29 =	vld [tilespmem:s2+$0x61];
	v27, _, _ =	vpop (xrf2);
	v11 =	vmul.f32 v28, v11  }
0x241: {  	v12 =	vld [tilespmem:s2+$0x71];
	(xrf2) =	vadd.scan.msk.f32 $0xffff, v26;
	v0 =	vmul.f32 v28, v0;
	v26 =	vbroadcast v27, $0xF;
	v10 =	vadd.f32 v10, v5  }
0x242: {  	v27 =	vld [tilespmem:s2+$0x51];
	v11 =	vadd.f32 v11, v7  }
0x243: {  	v13 =	vmul.f32 v28, v13;
	v28 =	vld [tilespmem:s2+$0x41];
	v0 =	vadd.f32 v0, v6;
	(erf) = vrcp.f32 v26;
	(xrf1) =	vsort.dscd.msk.f32 $0xffff, v10, v3  }
0x244: {  	(xrf1) =	vsort.ascd.msk.f32 $0xffff, v11, v2  }
0x245: {  	(xrf1) =	vsort.ascd.msk.f32 $0xffff, v0, v4  }
0x246: {  	v10 =	vadd.f32 v13, v8;
	_ =	sdelay $0x1  }
0x247: {  	v0 =	vadd.f32 v12, v29;
	v11 =	vpop (erf);
	(xrf1) =	vsort.dscd.msk.f32 $0xffff, v10, v58;
	v10 =	vadd.f32 v27, v28  }
0x248: {  	v13 =	vmul.f32 v11, v17  }
0x249: {  	v16 =	vmul.f32 v11, v16;
	v0 =	vadd.f32 v0, v10  }
0x24a: {  	v10 =	vmul.f32 v11, v15;
	v15, _, _ =	vpop (xrf2);
	v13 =	vadd.f32 v13, v8  }
0x24b: {  	v17 =	vadd.f32 v16, v6;
	(xrf2) =	vadd.scan.msk.f32 $0xffff, v0;
	v0 =	vmul.f32 v11, v14;
	v14 =	vpop (erf)  }
0x24c: {  	v15 =	vbroadcast v15, $0xF;
	(xrf1) =	vsort.dscd.msk.f32 $0xffff, v13, v58;
	v13 =	vmul.f32 v14, v18  }
0x24d: {  	v30 =	vld [tilespmem:s2+$0xFFFFFF8E];
	v10 =	vadd.f32 v10, v7;
	v0 =	vadd.f32 v0, v5  }
0x24e: {  	v31 =	vld [tilespmem:s2+$0xFFFFFFAE];
	v13 =	vadd.f32 v13, v6  }
0x24f: {  	v32 =	vld [tilespmem:s2+$0xFFFFFF7E];
	v18 =	vmul.f32 v14, v21;
	(xrf1) =	vsort.ascd.msk.f32 $0xffff, v10, v2  }
0x250: {  	v16 =	vld [tilespmem:s2+$0xFFFFFFEF];
	(erf) = vrcp.f32 v15;
	(xrf1) =	vsort.ascd.msk.f32 $0xffff, v17, v4;
	v15, v17, _ =	vpop (xrf1)  }
0x251: {  	v11 =	vld [tilespmem:s2+$0xFFFFFF9E];
	v19 =	vmul.f32 v14, v19;
	v18 =	vadd.f32 v18, v8;
	(xrf1) =	vsort.dscd.msk.f32 $0xffff, v0, v3;
	v0, v21, _ =	vpop (xrf1)  }
0x252: {  	v10 =	vld [tilespmem:s2+$0xFFFFFFDF];
	(xrf1) =	vsort.ascd.msk.f32 $0xffff, v13, v4;
	v13, v26, _ =	vpop (xrf1)  }
0x253: {  	(xrf1) =	vsort.dscd.msk.f32 $0xffff, v18, v58;
	v18 =	vadd.f32 v19, v5;
	v19 =	vld [tilespmem:s2+$0xFFFFFFBF];
	v15 =	vsel vm0, v15, v13  }
0x254: {  	v13 =	vld [tilespmem:s2+$0xFFFFFFCF]  }
0x255: {  	v14 =	vmul.f32 v14, v20;
	v17 =	vsel vm0, v17, v26;
	v26, v33, _ =	vpop (xrf1)  }
0x256: {  	(xrf1) =	vsort.ascd.msk.f32 $0xffff, v15, v17;
	v0 =	vsel vm0, v26, v0;
	v15, _, _ =	vpop (xrf2)  }
0x257: {  	v14 =	vadd.f32 v14, v7;
	v17 =	vsel vm0, v33, v21;
	(xrf1) =	vsort.dscd.msk.f32 $0xffff, v18, v3;
	v15 =	vbroadcast v15, $0xF  }
0x258: {  	v18 =	vadd.f32 v31, v11;
	(xrf1) =	vsort.dscd.msk.f32 $0xffff, v0, v17;
	v17 =	vadd.f32 v30, v32  }
0x259: {  	v0 =	vpop (erf);
	v21 =	vadd.f32 v13, v19;
	(erf) = vrcp.f32 v15;
	v15 =	vadd.f32 v16, v10  }
0x25a: {  	v20 =	vmul.f32 v0, v24  }
0x25b: {  	v17 =	vadd.f32 v18, v17;
	v15 =	vadd.f32 v15, v21;
	v21 =	vmul.f32 v0, v22  }
0x25c: {  	(xrf1) =	vsort.ascd.msk.f32 $0xffff, v14, v2;
	v20 =	vadd.f32 v20, v8;
	v22 =	vmul.f32 v0, v23  }
0x25d: {  	v14, v18, _ =	vpop (xrf1);
	(xrf2) =	vadd.scan.msk.f32 $0xffff, v17  }
0x25e: {  	v23, v24, _ =	vpop (xrf1);
	v0 =	vmul.f32 v0, v25;
	(xrf1) =	vsort.dscd.msk.f32 $0xffff, v20, v58  }
0x25f: {  	v14 =	vsel vm0, v14, v23;
	v17 =	vsel vm0, v18, v24;
	v23, v24, _ =	vpop (xrf1);
	v18 =	vadd.f32 v21, v6;
	(xrf2) =	vadd.scan.msk.f32 $0xffff, v15  }
0x260: {  	v0 =	vadd.f32 v0, v5;
	v20, v21, _ =	vpop (xrf1);
	(xrf1) =	vsort.dscd.msk.f32 $0xffff, v14, v17;
	v14 =	vadd.f32 v22, v7  }
0x261: {  	v15, v22, _ =	vpop (xrf1);
	(xrf1) =	vsort.ascd.msk.f32 $0xffff, v18, v4;
	v23 =	vsel vm0, v20, v23  }
0x262: {  	v26, v45, _ =	vpop (xrf1);
	(xrf1) =	vsort.ascd.msk.f32 $0xffff, v14, v2;
	v14 =	vsel vm0, v21, v24  }
0x263: {  	v34 =	vpop (erf)  }
0x264: {  	v25 =	vld [tilespmem:s2+$0x0];
	(xrf1) =	vsort.dscd.msk.f32 $0xffff, v0, v3;
	v0, v21, _ =	vpop (xrf1)  }
0x265: {  	v17 =	vld [tilespmem:s2+$0x30];
	v24 =	vmul.f32 v34, v29;
	(xrf1) =	vsort.ascd.msk.f32 $0xffff, v23, v14;
	v14, v23, _ =	vpop (xrf1)  }
0x266: {  	v18 =	vld [tilespmem:s2+$0x10];
	v14 =	vsel vm0, v14, v15;
	v15 =	vsel vm0, v23, v22  }
0x267: {  	v20 =	vld [tilespmem:s2+$0x20];
	v22 =	vadd.f32 v24, v5;
	_ =	sdelay $0x2  }
0x268: {  	(xrf1) =	vsort.ascd.msk.f32 $0xffff, v14, v15;
	v14, v15, _ =	vpop (xrf1)  }
0x269: {  	(xrf1) =	vsort.dscd.msk.f32 $0xffff, v22, v3;
	v0 =	vsel vm0, v14, v0;
	v14 =	vsel vm0, v15, v21  }
0x26a: {  	v21, v22, _ =	vpop (xrf1);
	(xrf1) =	vsort.dscd.msk.f32 $0xffff, v0, v14;
	v0 =	vadd.f32 v18, v25;
	v14 =	vadd.f32 v17, v20  }
0x26b: {  	v23, _, _ =	vpop (xrf2);
	v21 =	vsel vm0, v26, v21  }
0x26c: {  	v15 =	vbroadcast v23, $0xF;
	v22 =	vsel vm0, v45, v22;
	v0 =	vadd.f32 v14, v0  }
0x26d: {  	v12 =	vmul.f32 v34, v12  }
0x26e: {  	(erf) = vrcp.f32 v15;
	(xrf1) =	vsort.dscd.msk.f32 $0xffff, v21, v22;
	v15 =	vmul.f32 v34, v27;
	v21, _, _ =	vpop (xrf2)  }
0x26f: {  	v12 =	vadd.f32 v12, v6;
	v22, v23, _ =	vpop (xrf1)  }
0x270: {  	v24 =	vmul.f32 v34, v28;
	v15 =	vadd.f32 v15, v7;
	(xrf2) =	vadd.scan.msk.f32 $0xffff, v0;
	v0, v27, _ =	vpop (xrf1)  }
0x271: {  	s3 =	simm.s32 $0x1028A;
	v29, v46, _ =	vpop (xrf1)  }
0x272: {  	v24 =	vadd.f32 v24, v8;
	v26 =	vld [tilespmem:s3+$0x61];
	v28 =	vbroadcast v21, $0xF;
	(xrf1) =	vsort.ascd.msk.f32 $0xffff, v15, v2;
	v47, v35, _ =	vpop (xrf1)  }
0x273: {  	v14 =	vld [tilespmem:s3+$0x71];
	(xrf1) =	vsort.ascd.msk.f32 $0xffff, v12, v4;
	v12, v36, _ =	vpop (xrf1)  }
0x274: {  	v21 =	vld [tilespmem:s3+$0x51];
	(xrf1) =	vsort.dscd.msk.f32 $0xffff, v24, v58;
	v24 =	vsel vm0, v36, v46  }
0x275: {  	v15 =	vld [tilespmem:s3+$0x41]  }
0x276: {  	(erf) = vrcp.f32 v28;
	v12 =	vsel vm0, v12, v29;
	v28, v29, _ =	vpop (xrf1)  }
0x277: {  	v23 =	vsel vm0, v23, v35;
	(xrf1) =	vsort.ascd.msk.f32 $0xffff, v12, v24;
	v24 =	vpop (erf)  }
0x278: {  	v22 =	vsel vm0, v22, v47;
	v0 =	vsel vm0, v0, v28;
	v12 =	vmul.f32 v24, v32  }
0x279: {  	v28 =	vadd.f32 v14, v26;
	v27 =	vsel vm0, v27, v29;
	(xrf1) =	vsort.dscd.msk.f32 $0xffff, v22, v23  }
0x27a: {  	v50 =	vadd.f32 v21, v15;
	v29 =	vmul.f32 v24, v30;
	v30 =	vadd.f32 v12, v8  }
0x27b: {  	v22, v23, _ =	vpop (xrf1);
	(xrf1) =	vsort.dscd.msk.f32 $0xffff, v0, v27  }
0x27c: {  	v49, v48, _ =	vpop (xrf1);
	v31 =	vmul.f32 v24, v31;
	v0 =	vadd.f32 v28, v50;
	v28 =	vadd.f32 v29, v7  }
0x27d: {  	v51, v12, _ =	vpop (xrf1)  }
0x27e: {  	v27, _, _ =	vpop (xrf2);
	v29 =	vadd.f32 v31, v6;
	(xrf2) =	vadd.scan.msk.f32 $0xffff, v0  }
0x27f: {  	v24 =	vmul.f32 v24, v11;
	v27 =	vbroadcast v27, $0xF;
	(xrf1) =	vsort.dscd.msk.f32 $0xffff, v30, v58;
	v11, v30, _ =	vpop (xrf1)  }
0x280: {  	(xrf1) =	vsort.ascd.msk.f32 $0xffff, v28, v2;
	v28 =	vpop (erf);
	v0 =	vsel vm0, v11, v22;
	v22 =	vsel vm0, v30, v23  }
0x281: {  	v23 =	vld.idx.msk [tilespmem:v12+s9+$0x0], $0xffff;
	(xrf1) =	vsort.dscd.msk.f32 $0xffff, v0, v22;
	v0 =	vmul.f32 v28, v16  }
0x282: {  	v24 =	vadd.f32 v24, v5;
	(erf) = vrcp.f32 v27;
	v19 =	vmul.f32 v28, v19  }
0x283: {  	v11 =	vld [tilespmem:s3+$0xFFFFFF9E];
	(xrf1) =	vsort.ascd.msk.f32 $0xffff, v29, v4;
	v27, v29, _ =	vpop (xrf1);
	v0 =	vadd.f32 v0, v6  }
0x284: {  	v16 =	vld [tilespmem:s3+$0xFFFFFF8E];
	v30 =	vadd.f32 v19, v8;
	(xrf1) =	vsort.dscd.msk.f32 $0xffff, v24, v3;
	v53, v52, _ =	vpop (xrf1)  }
0x285: {  	v10 =	vmul.f32 v28, v10;
	v19 =	vld [tilespmem:s3+$0xFFFFFFAE];
	v32 =	vsel vm0, v49, v53;
	(xrf1) =	vsort.ascd.msk.f32 $0xffff, v0, v4  }
0x286: {  	v24 =	vld [tilespmem:s3+$0xFFFFFF7E];
	v23 =	vsub.f32 v51, v23;
	(xrf1) =	vsort.dscd.msk.f32 $0xffff, v30, v58;
	v30 =	vsel vm0, v48, v52  }
0x287: {  	v10 =	vadd.f32 v10, v5;
	v0, v54, _ =	vpop (xrf1);
	(xrf1) =	vsort.ascd.msk.f32 $0xffff, v32, v30  }
0x288: {  	v56, v55, _ =	vpop (xrf1);
	(xrf2) =	vadd.scan.msk.f32 $0xffff, v23  }
0x289: {  	v13 =	vmul.f32 v28, v13;
	(xrf1) =	vsort.dscd.msk.f32 $0xffff, v10, v3;
	v10 =	vsel vm0, v54, v29;
	v28, v37, _ =	vpop (xrf1)  }
0x28a: {  	v31 =	vld [tilespmem:s3+$0xFFFFFFEF];
	v57, _, _ =	vpop (xrf2);
	v29 =	vadd.f32 v19, v11;
	v28 =	vsel vm0, v28, v56;
	v30 =	vsel vm0, v37, v55  }
0x28b: {  	v22 =	vld [tilespmem:s3+$0xFFFFFFDF];
	v0 =	vsel vm0, v0, v27;
	v27 =	vpop (erf);
	(xrf1) =	vsort.dscd.msk.f32 $0xffff, v28, v30;
	v28 =	vadd.f32 v16, v24  }
0x28c: {  	v39 =	vld [tilespmem:s3+$0xFFFFFFCF];
	v59 =	vbroadcast v57, $0xF;
	v25 =	vmul.f32 v27, v25;
	v30 =	vadd.f32 v13, v7  }
0x28d: {  	v33 =	vld [tilespmem:s3+$0xFFFFFFBF]  }
0x28e: {  	(erf) = vrcp.f32 v59;
	v18 =	vmul.f32 v27, v18;
	v38, v35, _ =	vpop (xrf1);
	(xrf1) =	vsort.dscd.msk.f32 $0xffff, v0, v10;
	v10 =	vadd.f32 v29, v28  }
0x28f: {  	v34 =	vld [tilespmem:s3+$0x0];
	v41 =	vadd.f32 v25, v8;
	(xrf1) =	vsort.ascd.msk.f32 $0xffff, v30, v2;
	v28, v29, _ =	vpop (xrf1)  }
0x290: {  	v61 =	vadd.f32 v31, v22;
	v17 =	vmul.f32 v27, v17;
	v20 =	vmul.f32 v27, v20;
	v13 =	vld [tilespmem:s3+$0x10];
	(xrf2) =	vadd.scan.msk.f32 $0xffff, v10;
	v30, v40, _ =	vpop (xrf1)  }
0x291: {  	v36 =	vld [tilespmem:s3+$0x20];
	(xrf1) =	vsort.dscd.msk.f32 $0xffff, v41, v58;
	v42, v25, _ =	vpop (xrf1);
	v10 =	vsel vm0, v28, v30;
	v28 =	vsel vm0, v29, v40  }
0x292: {  	v32 =	vld [tilespmem:s3+$0x30];
	v0 =	vadd.f32 v39, v33;
	(xrf1) =	vsort.dscd.msk.f32 $0xffff, v10, v28;
	v10 =	vadd.f32 v18, v7;
	v18, _, _ =	vpop (xrf2)  }
0x293: {  	v17 =	vadd.f32 v17, v6;
	v29 =	vld.idx.msk [tilespmem:v35+s9+$0x0], $0xffff;
	v18 =	vbroadcast v18, $0x7  }
0x294: {  	v0 =	vadd.f32 v61, v0;
	v30, v62, _ =	vpop (xrf1)  }
0x295: {  	v27, v63, _ =	vpop (xrf1);
	(xrf1) =	vsort.ascd.msk.f32 $0xffff, v17, v4;
	v17 =	vadd.f32 v13, v34  }
0x296: {  	(xrf2) =	vadd.scan.msk.f32 $0xffff, v0;
	v0 =	vadd.f32 v20, v5;
	v20, v28, _ =	vpop (xrf1)  }
0x297: {  	v43 =	vadd.f32 v32, v36;
	(xrf1) =	vsort.ascd.msk.f32 $0xffff, v10, v2;
	(erf) = vrcp.f32 v18;
	v10 =	vsel vm0, v27, v30;
	v18 =	vpop (erf)  }
0x298: {  	v44, v45, _ =	vpop (xrf1);
	v37 =	vsub.f32 v38, v29;
	v26 =	vmul.f32 v18, v26  }
0x299: {  	(xrf1) =	vsort.dscd.msk.f32 $0xffff, v0, v3;
	v0 =	vadd.f32 v43, v17;
	v17, v29, _ =	vpop (xrf1)  }
0x29a: {  	v27 =	vsel vm0, v63, v62;
	(xrf2) =	vadd.scan.msk.f32 $0xffff, v37;
	v30, v48, _ =	vpop (xrf1);
	v26 =	vadd.f32 v26, v5  }
0x29b: {  	(xrf1) =	vsort.ascd.msk.f32 $0xffff, v10, v27;
	v20 =	vsel vm0, v30, v20;
	v30, v10, _ =	vpop (xrf1)  }
0x29c: {  	v27 =	vsel vm0, v48, v28;
	v28, _, _ =	vpop (xrf2);
	(xrf2) =	vadd.scan.msk.f32 $0xffff, v0  }
0x29d: {  	(xrf1) =	vsort.ascd.msk.f32 $0xffff, v20, v27;
	v20 =	vmul.f32 v18, v21;
	v0, v21, _ =	vpop (xrf1);
	v27 =	vbroadcast v28, $0xF  }
0x29e: {  	v0 =	vsel vm0, v0, v17;
	v17 =	vsel vm0, v21, v29  }
0x29f: {  	(xrf1) =	vsort.dscd.msk.f32 $0xffff, v26, v3;
	(erf) = vrcp.f32 v27;
	v20 =	vadd.f32 v20, v7;
	v21, v26, _ =	vpop (xrf1)  }
0x2a0: {  	(xrf1) =	vsort.dscd.msk.f32 $0xffff, v0, v17;
	v0 =	vld.idx.msk [tilespmem:v25+s9+$0x0], $0xffff;
	v21 =	vsel vm0, v44, v21;
	v26 =	vsel vm0, v45, v26  }
0x2a1: {  	v14 =	vmul.f32 v18, v14;
	v15 =	vmul.f32 v18, v15;
	v49 =	vld.idx.msk [tilespmem:v10+s9+$0x0], $0xffff;
	v17, _, _ =	vpop (xrf2);
	(xrf1) =	vsort.dscd.msk.f32 $0xffff, v21, v26  }
0x2a2: {  	v29 =	vpop (erf)  }
0x2a3: {  	v15 =	vadd.f32 v15, v8;
	v18, v50, _ =	vpop (xrf1);
	v26 =	vadd.f32 v14, v6  }
0x2a4: {  	s1 =	simm.s32 $0x1038E;
	(xrf1) =	vsort.ascd.msk.f32 $0xffff, v20, v2;
	v20, v51, _ =	vpop (xrf1)  }
0x2a5: {  	v28 =	vld [tilespmem:s1+$0x51];
	v38 =	vsub.f32 v42, v0;
	(xrf1) =	vsort.ascd.msk.f32 $0xffff, v26, v4;
	v27, v52, _ =	vpop (xrf1)  }
0x2a6: {  	s4 =	simm.s32 $0x0;
	v14 =	vld [tilespmem:s1+$0xFFFFFF9E];
	v0 =	vbroadcast v17, $0xF;
	v40 =	vsub.f32 v30, v49;
	v17, v53, _ =	vpop (xrf1);
	(xrf1) =	vsort.dscd.msk.f32 $0xffff, v15, v58  }
0x2a7: {  	s5 =	simm.s32 $0x3;
	s0 =	sor.u32 $0x1000, s4;
	v21 =	vld [tilespmem:s1+$0x71];
	(xrf2) =	vadd.scan.msk.f32 $0xffff, v38;
	v15, v54, _ =	vpop (xrf1)  }
0x2a8: {  	s0 =	sand.u32 $0xFFFFFC00, s0;
	s2 =	sand.u32 $0x7F, s5;
	v46, _, _ =	vpop (xrf2);
	v26 =	vld [tilespmem:s1+$0x61];
	(erf) = vrcp.f32 v0;
	(xrf2) =	vadd.scan.msk.f32 $0xffff, v40;
	v15 =	vsel vm0, v15, v27;
	v44 =	vsel vm0, v54, v52  }
0x2a9: {  	s2 =	sor.u32 s2, s0;
	v0 =	vsel vm0, v18, v17;
	v17 =	vsel vm0, v50, v53;
	v18 =	vld [tilespmem:s1+$0xFFFFFFEF];
	v55 =	vpop (erf);
	(xrf1) =	vsort.ascd.msk.f32 $0xffff, v15, v44  }
0x2aa: {  	v42 =	vadd.s32 s2, v60;
	v27 =	vld [tilespmem:s1+$0x41];
	v30, v56, _ =	vpop (xrf1);
	(xrf1) =	vsort.dscd.msk.f32 $0xffff, v0, v17;
	v0 =	vmul.f32 v55, v24  }
0x2ab: {  	v23 =	vmul.f32 v29, v23;
	v15 =	vld [tilespmem:s1+$0x30];
	v29 =	vsel vm0, v20, v30;
	v20 =	vmul.f32 v55, v16;
	v24, _, _ =	vpop (xrf2)  }
0x2ac: {  	v30 =	vsel vm0, v51, v56;
	v16 =	vld [tilespmem:s1+$0x0];
	v24 =	vbroadcast v24, $0xF;
	v43, v44, _ =	vpop (xrf1);
	v0 =	vadd.f32 v0, v8  }
0x2ad: {  	v46 =	vbroadcast v46, $0x7;
	v47 =	vmul.f32 v55, v11;
	v17 =	vld [tilespmem:s1+$0x10];
	(xrf1) =	vsort.dscd.msk.f32 $0xffff, v29, v30;
	v49, v50, _ =	vpop (xrf1)  }
0x2ae: {  	v41 =	vmul.f32 v55, v19;
	v48 =	vadd.f32 v20, v7;
	v20 =	vld [tilespmem:s1+$0x20];
	(erf) = vrcp.f32 v24;
	v51, v11, _ =	vpop (xrf1);
	(xrf1) =	vsort.dscd.msk.f32 $0xffff, v0, v58  }
0x2af: {  	v19 =	vld [tilespmem:s1+$0xFFFFFFDF];
	[tilespmem:v42+s16+$0x0] =	vst.idx.msk $0xff, v23;
	v57 =	vadd.f32 v21, v26;
	v0 =	vadd.f32 v28, v27;
	v23, v52, _ =	vpop (xrf1)  }
0x2b0: {  	v30 =	vld [tilespmem:s1+$0xFFFFFFCF];
	(xrf1) =	vsort.ascd.msk.f32 $0xffff, v48, v2;
	v23 =	vsel vm0, v23, v43;
	v59 =	vsel vm0, v52, v44  }
0x2b1: {  	v41 =	vadd.f32 v41, v6;
	v45 =	vpop (erf);
	(erf) = vrcp.f32 v46;
	v0 =	vadd.f32 v57, v0;
	(xrf1) =	vsort.dscd.msk.f32 $0xffff, v23, v59;
	v23 =	vld [tilespmem:s1+$0xFFFFFFAE]  }
0x2b2: {  	v24 =	vld [tilespmem:s1+$0xFFFFFF8E];
	v63, _, _ =	vpop (xrf2);
	v44 =	vadd.f32 v47, v5;
	v47 =	vadd.f32 v17, v16  }
0x2b3: {  	v61 =	vadd.f32 v15, v20;
	v56 =	vmul.f32 v45, v33;
	v43, v46, _ =	vpop (xrf1);
	(xrf2) =	vadd.scan.msk.f32 $0xffff, v0;
	v55 =	vld.idx.msk [tilespmem:v11+s9+$0x0], $0xffff  }
0x2b4: {  	v54 =	vadd.f32 v18, v19;
	v52 =	vmul.f32 v45, v39;
	v0 =	vmul.f32 v45, v31;
	v31 =	vld [tilespmem:s1+$0xFFFFFF7E];
	v39, _, _ =	vpop (xrf2)  }
0x2b5: {  	v29 =	vld [tilespmem:s1+$0xFFFFFFBF];
	v22 =	vmul.f32 v45, v22;
	v62, v53, _ =	vpop (xrf1);
	(xrf1) =	vsort.ascd.msk.f32 $0xffff, v41, v4;
	v33 =	vadd.f32 v61, v47  }
0x2b6: {  	s6 =	simm.s32 $0x0;
	s7 =	simm.s32 $0x1;
	s13 =	simm.s32 $0x20;
	[tilespmem:v42+s17+$0x0] =	vst.idx.msk $0xff, v12;
	v41 =	vbroadcast v63, $0x7;
	v0 =	vadd.f32 v0, v6;
	v47, v48, _ =	vpop (xrf1);
	v12 =	vadd.f32 v23, v14  }
0x2b7: {  	s8 =	simm.s32 $0x2;
	s14 =	simm.s32 $0x5;
	s11 =	simm.s32 $0x4;
	v39 =	vbroadcast v39, $0x7;
	v50 =	vsel vm0, v50, v53;
	v61 =	vadd.f32 v56, v8;
	(xrf1) =	vsort.dscd.msk.f32 $0xffff, v44, v3;
	v42 =	vpop (erf)  }
0x2b8: {  	s18 =	simm.s32 $0x7;
	s19 =	simm.s32 $0x8;
	s24 =	simm.s32 $0x40;
	v53 =	vadd.f32 v22, v5;
	v44 =	vsel vm0, v49, v62;
	(erf) = vrcp.f32 v41;
	v63, v62, _ =	vpop (xrf1);
	(xrf1) =	vsort.ascd.msk.f32 $0xffff, v0, v4  }
0x2b9: {  	s22 =	simm.s32 $0xA;
	s25 =	simm.s32 $0x9;
	s31 =	simm.s32 $0xB;
	v0 =	vsel vm0, v48, v46;
	v22 =	vsub.f32 v51, v55;
	v57 =	vadd.f32 v24, v31;
	v46, v48, _ =	vpop (xrf1)  }
0x2ba: {  	s4 =	sand.u32 $0x7E, s8;
	s8 =	sand.u32 $0x7F, s18;
	s12 =	simm.s32 $0x6;
	v45 =	vadd.f32 v30, v29;
	(erf) = vrcp.f32 v39;
	v59 =	vpop (erf);
	(xrf1) =	vsort.dscd.msk.f32 $0xffff, v61, v58  }
0x2bb: {  	s10 =	sor.u32 s4, s0;
	s4 =	sand.u32 $0x7E, s12;
	s3 =	sand.u32 $0x7D, s7;
	v43 =	vsel vm0, v47, v43;
	(xrf2) =	vadd.scan.msk.f32 $0xffff, v22;
	v47 =	vsel vm0, v48, v62;
	v48 =	vadd.f32 v12, v57;
	v49, v12, _ =	vpop (xrf1)  }
0x2bc: {  	s7 =	sand.u32 $0x7D, s14;
	s14 =	simm.s32 $0xF;
	s2 =	sand.u32 $0x7C, s6;
	v45 =	vadd.f32 v54, v45;
	v61, v54, _ =	vpop (xrf1);
	(xrf1) =	vsort.ascd.msk.f32 $0xffff, v44, v50  }
0x2bd: {  	s3 =	sor.u32 s3, s0;
	s6 =	sor.u32 $0x1000, s13;
	s5 =	sor.u32 s2, s0;
	v36 =	vmul.f32 v42, v36;
	v41 =	vsel vm0, v46, v63;
	v62, _, _ =	vpop (xrf2);
	(xrf1) =	vsort.dscd.msk.f32 $0xffff, v53, v3  }
0x2be: {  	s0 =	sand.u32 $0x7C, s11;
	s6 =	sand.u32 $0xFFFFFC00, s6;
	s11 =	simm.s32 $0xD;
	v51 =	vadd.s32 s5, v60;
	v32 =	vmul.f32 v42, v32;
	v37 =	vmul.f32 v59, v37;
	v57, v59, _ =	vpop (xrf1);
	(xrf1) =	vsort.dscd.msk.f32 $0xffff, v41, v47  }
0x2bf: {  	s23 =	sor.u32 s0, s6;
	s21 =	sor.u32 s7, s6;
	s26 =	sor.u32 s8, s6;
	v56 =	vadd.f32 v52, v7;
	v63 =	vmul.f32 v42, v34;
	(xrf1) =	vsort.dscd.msk.f32 $0xffff, v43, v0;
	v0 =	vbroadcast v62, $0xF  }
0x2c0: {  	s20 =	sor.u32 s4, s6;
	s4 =	sand.u32 $0x7E, s22;
	s6 =	sor.u32 $0x1000, s24;
	v39 =	vadd.f32 v36, v5;
	v42 =	vmul.f32 v42, v13;
	v41 =	vadd.s32 s3, v60;
	v34, v13, _ =	vpop (xrf1)  }
0x2c1: {  	s0 =	sand.u32 $0x7C, s19;
	s7 =	sand.u32 $0x7F, s31;
	s8 =	simm.s32 $0xE;
	v36 =	vsel vm0, v61, v57;
	v61 =	vadd.f32 v63, v8;
	v62 =	vpop (erf);
	(erf) = vrcp.f32 v0  }
0x2c2: {  	s31 =	sand.u32 $0x7D, s11;
	s6 =	sand.u32 $0xFFFFFC00, s6;
	s12 =	sand.u32 $0x7E, s8;
	v50 =	vadd.f32 v32, v6;
	v32 =	vadd.s32 s10, v60;
	v44 =	vld.idx.msk [tilespmem:v12+s9+$0x0], $0xffff;
	(xrf1) =	vsort.ascd.msk.f32 $0xffff, v56, v2  }
0x2c3: {  	s22 =	sor.u32 s4, s6;
	s5 =	sand.u32 $0x7D, s25;
	[tilespmem:v51+s16+$0x0] =	vst.idx.msk $0xff, v37;
	(xrf2) =	vadd.scan.msk.f32 $0xffff, v48;
	s10 =	simm.s32 $0x60;
	v63 =	vsel vm0, v54, v59;
	v56 =	vmul.f32 v62, v38;
	v59, v57, _ =	vpop (xrf1)  }
0x2c4: {  	s24 =	sor.u32 s5, s6;
	s5 =	simm.s32 $0xC;
	[tilespmem:v51+s17+$0x0] =	vst.idx.msk $0xff, v35;
	s13 =	sor.u32 $0x1000, s10;
	v38 =	vadd.f32 v42, v7;
	(xrf1) =	vsort.dscd.msk.f32 $0xffff, v61, v58;
	v0 =	vpop (erf)  }
0x2c5: {  	s25 =	sor.u32 s0, s6;
	s18 =	sand.u32 $0x7C, s5;
	s19 =	sand.u32 $0xFFFFFC00, s13;
	v61, v62, _ =	vpop (xrf1);
	(xrf1) =	vsort.dscd.msk.f32 $0xffff, v36, v63;
	v35 =	vld.idx.msk [tilespmem:v13+s9+$0x0], $0xffff;
	[tilespmem:v41+s16+$0x0] =	vst.idx.msk $0xff, v56;
	v0 =	vmul.f32 v0, v40  }
0x2c6: {  	s0 =	sor.u32 s7, s6;
	s3 =	sand.u32 $0x7F, s14;
	s29 =	sor.u32 s18, s19;
	v63, _, _ =	vpop (xrf2);
	(xrf2) =	vadd.scan.msk.f32 $0xffff, v45;
	v36 =	vsel vm0, v61, v59;
	v37 =	vsel vm0, v62, v57;
	[tilespmem:v41+s17+$0x0] =	vst.idx.msk $0xff, v25  }
0x2c7: {  	s30 =	sor.u32 s31, s19;
	s2 =	sor.u32 s3, s19;
	s28 =	sor.u32 s12, s19;
	v42 =	vbroadcast v63, $0x7;
	v25 =	vsub.f32 v49, v44;
	v41, v40, _ =	vpop (xrf1);
	(xrf1) =	vsort.ascd.msk.f32 $0xffff, v50, v4;
	[tilespmem:v32+s16+$0x0] =	vst.idx.msk $0xff, v0  }
.LBB2_16:
0x2c8: {  	s3 =	sadd.s32 $0x5, s5  }
0x2c9: {  	s4 =	sadd.s32 $0x6, s5;
	v0, v43, _ =	vpop (xrf1);
	(xrf1) =	vsort.ascd.msk.f32 $0xffff, v38, v2;
	(erf) = vrcp.f32 v42;
	s6 =	smov.u32 s5;
	s5 =	sadd.s32 $0x4, s5  }
0x2ca: {  	v35 =	vsub.f32 v34, v35;
	s7 =	sshll.u32 s5, $0x3;
	s8 =	sand.u32 $0x7E, s4;
	p0 =	slt.u32 s5, $0x1FC;
	v38 =	vpop (erf);
	(xrf1) =	vsort.dscd.msk.f32 $0xffff, v39, v3  }
0x2cb: {  	s3 =	sand.u32 $0x7D, s3;
	s6 =	sadd.s32 $0x7, s6;
	s4 =	sor.u32 $0x1000, s7;
	v27 =	vmul.f32 v38, v27;
	v28 =	vmul.f32 v38, v28;
	v34, v39, _ =	vpop (xrf1);
	(xrf2) =	vadd.scan.msk.f32 $0xffff, v25;
	[tilespmem:v32+s17+$0x0] =	vst.idx.msk $0xff, v10  }
0x2cc: {  	s7 =	sand.u32 $0x7C, s5;
	s11 =	sand.u32 $0x7F, s6;
	v26 =	vmul.f32 v38, v26;
	v21 =	vmul.f32 v38, v21;
	s10 =	sand.u32 $0xFFFFFC00, s4;
	(xrf1) =	vsort.ascd.msk.f32 $0xffff, v36, v37;
	v9, v32, _ =	vpop (xrf1)  }
0x2cd: {  	s6 =	sor.u32 s7, s10;
	s4 =	sor.u32 s3, s10;
	s7 =	sor.u32 s11, s10;
	v27 =	vadd.f32 v27, v8;
	v36 =	vsel vm0, v9, v41;
	v9 =	vsel vm0, v32, v40;
	v37, v10, _ =	vpop (xrf1)  }
0x2ce: {  	s3 =	sor.u32 s8, s10;
	v28 =	vadd.f32 v28, v7;
	v26 =	vadd.f32 v26, v5;
	v38, _, _ =	vpop (xrf2);
	(xrf1) =	vsort.ascd.msk.f32 $0xffff, v36, v9  }
0x2cf: {  	v36 =	vadd.s32 s26, v60;
	s26 =	smov.u32 s0;
	s0 =	smov.u32 s2;
	s2 =	smov.u32 s7;
	(xrf2) =	vadd.scan.msk.f32 $0xffff, v33;
	v32, v33, _ =	vpop (xrf1)  }
0x2d0: {  	v41 =	vbroadcast v38, $0xF;
	(xrf1) =	vsort.dscd.msk.f32 $0xffff, v26, v3;
	v9 =	vsel vm0, v32, v34;
	v40 =	vsel vm0, v33, v39;
	v33, v34, _ =	vpop (xrf1)  }
0x2d1: {  	v39, _, _ =	vpop (xrf2);
	v0 =	vsel vm0, v0, v33;
	v33 =	vsel vm0, v43, v34;
	(xrf1) =	vsort.dscd.msk.f32 $0xffff, v9, v40  }
0x2d2: {  	(erf) = vrcp.f32 v41;
	(xrf1) =	vsort.dscd.msk.f32 $0xffff, v0, v33;
	v0 =	vld.idx.msk [tilespmem:v10+s9+$0x0], $0xffff;
	v26 =	vpop (erf)  }
0x2d3: {  	(xrf1) =	vsort.ascd.msk.f32 $0xffff, v28, v2;
	v28, v32, _ =	vpop (xrf1);
	v9 =	vmul.f32 v26, v22  }
0x2d4: {  	s1 =	sadd.s32 $0x104, s1;
	v33 =	vbroadcast v39, $0xF;
	v26 =	vadd.f32 v21, v6;
	v34, v38, _ =	vpop (xrf1)  }
0x2d5: {  	v39 =	vld [tilespmem:s1+$0xFFFFFF9E];
	[tilespmem:v36+s16+$0x0] =	vst.idx.msk $0xff, v9;
	v22, _, _ =	vpop (xrf2)  }
0x2d6: {  	v21 =	vld [tilespmem:s1+$0x71];
	(xrf1) =	vsort.ascd.msk.f32 $0xffff, v26, v4;
	v40, v41, _ =	vpop (xrf1);
	[tilespmem:v36+s17+$0x0] =	vst.idx.msk $0xff, v11  }
0x2d7: {  	(xrf1) =	vsort.dscd.msk.f32 $0xffff, v27, v58;
	v11, v27, _ =	vpop (xrf1)  }
0x2d8: {  	v26 =	vld [tilespmem:s1+$0x61];
	v11 =	vsel vm0, v28, v11;
	v32 =	vsel vm0, v32, v27;
	v27, v36, _ =	vpop (xrf1);
	(xrf2) =	vadd.scan.msk.f32 $0xffff, v35  }
0x2d9: {  	v28 =	vld [tilespmem:s1+$0x51];
	v42, _, _ =	vpop (xrf2);
	v40 =	vsel vm0, v27, v40;
	v41 =	vsel vm0, v36, v41;
	v36 =	vsub.f32 v37, v0  }
0x2da: {  	v27 =	vld [tilespmem:s1+$0x41];
	(erf) = vrcp.f32 v33;
	v0, v33, _ =	vpop (xrf1);
	(xrf1) =	vsort.ascd.msk.f32 $0xffff, v40, v41  }
0x2db: {  	v40 =	vld [tilespmem:s1+$0xFFFFFFEF];
	v37 =	vpop (erf);
	v0 =	vsel vm0, v34, v0;
	v33 =	vsel vm0, v38, v33;
	(xrf1) =	vsort.dscd.msk.f32 $0xffff, v11, v32  }
0x2dc: {  	v34 =	vld [tilespmem:s1+$0x30];
	v9 =	vmul.f32 v37, v31;
	v24 =	vmul.f32 v37, v24;
	v31, v38, _ =	vpop (xrf1);
	(xrf2) =	vadd.scan.msk.f32 $0xffff, v36  }
0x2dd: {  	v42 =	vbroadcast v42, $0xF;
	v43 =	vmul.f32 v37, v14;
	v14 =	vmovc v39;
	v32 =	vld [tilespmem:s1+$0x10];
	v41 =	vadd.f32 v21, v26  }
0x2de: {  	v44 =	vld [tilespmem:s1+$0x0];
	v39 =	vadd.f32 v9, v8;
	v24 =	vadd.f32 v24, v7;
	v9 =	vmul.f32 v37, v23;
	v45, v46, _ =	vpop (xrf1)  }
0x2df: {  	v43 =	vadd.f32 v43, v5;
	v37 =	vld [tilespmem:s1+$0x20];
	(xrf1) =	vsort.dscd.msk.f32 $0xffff, v0, v33;
	v0, v11, _ =	vpop (xrf1)  }
0x2e0: {  	v47 =	vld [tilespmem:s1+$0xFFFFFFDF];
	v48 =	vadd.f32 v9, v6;
	(xrf1) =	vsort.dscd.msk.f32 $0xffff, v39, v58;
	v23, v33, _ =	vpop (xrf1)  }
0x2e1: {  	v22 =	vbroadcast v22, $0x7;
	v39 =	vadd.f32 v28, v27;
	v49 =	vld [tilespmem:s1+$0xFFFFFFCF];
	(erf) = vrcp.f32 v42;
	v42, v50, _ =	vpop (xrf1)  }
0x2e2: {  	v23 =	vsel vm0, v23, v31;
	v31 =	vsel vm0, v33, v38;
	v51 =	vld [tilespmem:s1+$0xFFFFFFBF];
	(xrf1) =	vsort.ascd.msk.f32 $0xffff, v24, v2;
	v38, _, _ =	vpop (xrf2)  }
0x2e3: {  	v9 =	vadd.f32 v41, v39;
	v24 =	vld [tilespmem:s1+$0xFFFFFF8E];
	v33 =	vadd.f32 v32, v44;
	v41 =	vpop (erf);
	(xrf1) =	vsort.dscd.msk.f32 $0xffff, v23, v31;
	(erf) = vrcp.f32 v22  }
0x2e4: {  	v23 =	vld [tilespmem:s1+$0xFFFFFFAE];
	v22 =	vadd.f32 v34, v37;
	v30 =	vmul.f32 v41, v30;
	v18 =	vmul.f32 v41, v18;
	v52, v53, _ =	vpop (xrf1)  }
0x2e5: {  	v29 =	vmul.f32 v41, v29;
	v31 =	vld [tilespmem:s1+$0xFFFFFF7E];
	v54 =	vadd.f32 v40, v47;
	(xrf2) =	vadd.scan.msk.f32 $0xffff, v9;
	v46 =	vsel vm0, v46, v53;
	v39, v53, _ =	vpop (xrf1)  }
0x2e6: {  	v9 =	vmul.f32 v41, v19;
	v41 =	vsel vm0, v45, v52;
	v33 =	vadd.f32 v22, v33;
	v22 =	vld.idx.msk [tilespmem:v11+s9+$0x0], $0xffff;
	v45, _, _ =	vpop (xrf2)  }
0x2e7: {  	v38 =	vbroadcast v38, $0x7;
	v50 =	vsel vm0, v53, v50;
	v52 =	vadd.f32 v49, v51;
	(xrf1) =	vsort.ascd.msk.f32 $0xffff, v48, v4  }
0x2e8: {  	v29 =	vadd.f32 v29, v8;
	v48 =	vadd.f32 v9, v5;
	v45 =	vbroadcast v45, $0x7;
	v19, v53, _ =	vpop (xrf1)  }
0x2e9: {  	v52 =	vadd.f32 v54, v52;
	v54 =	vadd.f32 v18, v6;
	(xrf1) =	vsort.dscd.msk.f32 $0xffff, v43, v3;
	v43, v55, _ =	vpop (xrf1);
	v18 =	vmov v40  }
0x2ea: {  	v42 =	vsel vm0, v39, v42;
	v40 =	vadd.f32 v23, v14;
	v56 =	vpop (erf);
	(erf) = vrcp.f32 v38  }
0x2eb: {  	v38 =	vadd.f32 v24, v31;
	v43 =	vsel vm0, v43, v19;
	v53 =	vsel vm0, v55, v53;
	v19 =	vmovc v47  }
0x2ec: {  	v9 =	vmul.f32 v56, v20;
	v22 =	vsub.f32 v0, v22;
	v0 =	vadd.s32 s23, v60;
	s23 =	smov.u32 s25;
	s25 =	smov.u32 s29;
	s29 =	smov.u32 s6;
	(xrf1) =	vsort.ascd.msk.f32 $0xffff, v54, v4;
	v47 =	vpop (erf)  }
0x2ed: {  	v57 =	vmul.f32 v56, v15;
	v40 =	vadd.f32 v40, v38;
	(xrf1) =	vsort.dscd.msk.f32 $0xffff, v29, v58;
	v54, v55, _ =	vpop (xrf1);
	(erf) = vrcp.f32 v45  }
0x2ee: {  	v15 =	vmov v34;
	v39 =	vadd.f32 v9, v5;
	v25 =	vmul.f32 v47, v25;
	v20, v29, _ =	vpop (xrf1);
	(xrf2) =	vadd.scan.msk.f32 $0xffff, v22  }
0x2ef: {  	v45 =	vmul.f32 v56, v16;
	v47 =	vadd.f32 v57, v6;
	v16 =	vmov v44;
	v34, _, _ =	vpop (xrf2);
	(xrf1) =	vsort.ascd.msk.f32 $0xffff, v41, v46  }
0x2f0: {  	v30 =	vadd.f32 v30, v7;
	v9 =	vmul.f32 v56, v17;
	v41 =	vbroadcast v34, $0xF;
	v34, v38, _ =	vpop (xrf1);
	(xrf1) =	vsort.dscd.msk.f32 $0xffff, v48, v3  }
0x2f1: {  	v44 =	vsel vm0, v20, v34;
	v46 =	vsel vm0, v29, v38;
	v34, v48, _ =	vpop (xrf1);
	(xrf1) =	vsort.dscd.msk.f32 $0xffff, v43, v53;
	v43 =	vadd.s32 s21, v60;
	s21 =	smov.u32 s24;
	s24 =	smov.u32 s30;
	s30 =	smov.u32 s4  }
0x2f2: {  	v45 =	vadd.f32 v45, v8;
	v38 =	vadd.f32 v9, v7;
	v53 =	vld.idx.msk [tilespmem:v55+s9+$0x0], $0xffff;
	[tilespmem:v0+s16+$0x0] =	vst.idx.msk $0xff, v25  }
0x2f3: {  	v17 =	vmov v32;
	(erf) = vrcp.f32 v41;
	(xrf1) =	vsort.dscd.msk.f32 $0xffff, v42, v50;
	[tilespmem:v0+s17+$0x0] =	vst.idx.msk $0xff, v12;
	v0 =	vpop (erf)  }
0x2f4: {  	v20 =	vmovc v37;
	v29 =	vmov v51;
	(xrf1) =	vsort.ascd.msk.f32 $0xffff, v30, v2;
	v0 =	vmul.f32 v0, v35;
	v30 =	vmov v49  }
0x2f5: {  	v32 =	vadd.s32 s20, v60;
	s20 =	smov.u32 s22;
	s22 =	smov.u32 s28;
	s28 =	smov.u32 s3;
	v12 =	vmov v55;
	v25, v37, _ =	vpop (xrf1)  }
.Ltmp7:
0x2f6: {  	(xrf2) =	vadd.scan.msk.f32 $0xffff, v40;
	v35 =	vld.idx.msk [tilespmem:v48+s9+$0x0], $0xffff;
	v40 =	vpop (erf);
	(pc) =	sbr.rel @p0 .LBB2_16-.Ltmp7, $4  }
0x2f7: {  	v41, v42, _ =	vpop (xrf1);
	(xrf1) =	vsort.dscd.msk.f32 $0xffff, v45, v58;
	[tilespmem:v43+s16+$0x0] =	vst.idx.msk $0xff, v0;
	v0 =	vmul.f32 v40, v36  }
0x2f8: {  	v36 =	vsel vm0, v41, v25;
	v37 =	vsel vm0, v42, v37;
	(xrf1) =	vsort.dscd.msk.f32 $0xffff, v44, v46;
	v40, _, _ =	vpop (xrf2)  }
0x2f9: {  	v25 =	vsub.f32 v54, v53;
	(xrf2) =	vadd.scan.msk.f32 $0xffff, v52;
	v42 =	vbroadcast v40, $0x7;
	[tilespmem:v43+s17+$0x0] =	vst.idx.msk $0xff, v13;
	v13 =	vmovc v48  }
0x2fa: {  	v41, v40, _ =	vpop (xrf1);
	(xrf1) =	vsort.ascd.msk.f32 $0xffff, v47, v4;
	[tilespmem:v32+s16+$0x0] =	vst.idx.msk $0xff, v0  }
0x2fb: {  	(xrf1) =	vsort.ascd.msk.f32 $0xffff, v38, v2;
	v0, v61, _ =	vpop (xrf1)  }
0x2fc: {  	(xrf1) =	vsort.dscd.msk.f32 $0xffff, v39, v3;
	v62 =	vpop (erf)  }
0x2fd: {  	v43, v44, _ =	vpop (xrf1)  }
0x2fe: {  	v45, v46, _ =	vpop (xrf1)  }
0x2ff: {  	(xrf1) =	vsort.ascd.msk.f32 $0xffff, v36, v37;
	v63 =	vmul.f32 v62, v26;
	v36, v26, _ =	vpop (xrf1)  }
0x300: {  	v9, _, _ =	vpop (xrf2)  }
0x301: {  	(xrf2) =	vadd.scan.msk.f32 $0xffff, v25;
	(erf) = vrcp.f32 v42;
	v47 =	vbroadcast v9, $0xF;
	v49, v48, _ =	vpop (xrf1)  }
0x302: {  	(xrf2) =	vadd.scan.msk.f32 $0xffff, v33;
	v45 =	vsel vm0, v45, v41;
	v40 =	vsel vm0, v46, v40;
	v37 =	vadd.f32 v63, v5;
	v52, v51, _ =	vpop (xrf1)  }
0x303: {  	v28 =	vmul.f32 v62, v28;
	(xrf1) =	vsort.ascd.msk.f32 $0xffff, v45, v40;
	(erf) = vrcp.f32 v47;
	v0 =	vsel vm0, v0, v52  }
0x304: {  	(xrf1) =	vsort.dscd.msk.f32 $0xffff, v37, v3;
	v33 =	vsel vm0, v49, v43;
	v50 =	vsel vm0, v48, v44  }
0x305: {  	v27 =	vmul.f32 v62, v27;
	v53, _, _ =	vpop (xrf2);
	v38 =	vsel vm0, v61, v51;
	(xrf1) =	vsort.dscd.msk.f32 $0xffff, v33, v50  }
0x306: {  	v21 =	vmul.f32 v62, v21;
	(xrf1) =	vsort.dscd.msk.f32 $0xffff, v0, v38;
	v0, v54, _ =	vpop (xrf1)  }
0x307: {  	v28 =	vadd.f32 v28, v7;
	v27 =	vadd.f32 v27, v8;
	v55, v56, _ =	vpop (xrf1)  }
0x308: {  	v21 =	vadd.f32 v21, v6;
	v59, v57, _ =	vpop (xrf1)  }
0x309: {  	v42 =	vbroadcast v53, $0xF;
	(xrf1) =	vsort.ascd.msk.f32 $0xffff, v28, v2;
	v62, v61, _ =	vpop (xrf1)  }
0x30a: {  	(xrf1) =	vsort.ascd.msk.f32 $0xffff, v21, v4;
	v9, v63, _ =	vpop (xrf1)  }
0x30b: {  	(erf) = vrcp.f32 v42;
	(xrf1) =	vsort.dscd.msk.f32 $0xffff, v27, v58;
	v27 =	vpop (erf);
	v21 =	vsel vm0, v9, v59;
	v44 =	vsel vm0, v63, v57  }
0x30c: {  	v0 =	vsel vm0, v0, v62;
	v45 =	vsel vm0, v54, v61;
	(xrf1) =	vsort.ascd.msk.f32 $0xffff, v21, v44;
	v46 =	vpop (erf)  }
0x30d: {  	(xrf1) =	vsort.dscd.msk.f32 $0xffff, v0, v45;
	v0 =	vmul.f32 v46, v31  }
0x30e: {  	v47, v48, _ =	vpop (xrf1)  }
0x30f: {  	v49 =	vmul.f32 v46, v24;
	v24, _, _ =	vpop (xrf2);
	v0 =	vadd.f32 v0, v8  }
0x310: {  	v21 =	vsel vm0, v55, v47;
	v28 =	vsel vm0, v56, v48;
	v50, _, _ =	vpop (xrf2)  }
0x311: {  	(xrf1) =	vsort.dscd.msk.f32 $0xffff, v21, v28;
	v31 =	vadd.f32 v49, v7;
	v37 =	vbroadcast v50, $0xF  }
0x312: {  	v51, v38, _ =	vpop (xrf1);
	(xrf1) =	vsort.dscd.msk.f32 $0xffff, v0, v58  }
0x313: {  	(erf) = vrcp.f32 v37;
	v0, v52, _ =	vpop (xrf1);
	(xrf1) =	vsort.ascd.msk.f32 $0xffff, v31, v2  }
0x314: {  	v23 =	vmul.f32 v46, v23;
	v14 =	vmul.f32 v46, v14;
	v55 =	vpop (erf)  }
0x315: {  	v31, v21, _ =	vpop (xrf1)  }
0x316: {  	v23 =	vadd.f32 v23, v6;
	v14 =	vadd.f32 v14, v5;
	v54, v53, _ =	vpop (xrf1)  }
0x317: {  	v18 =	vmul.f32 v55, v18;
	v28 =	vsel vm0, v54, v51;
	v56 =	vsel vm0, v53, v38  }
0x318: {  	v57 =	vmul.f32 v55, v29;
	v59 =	vmul.f32 v55, v30;
	v38, v40, _ =	vpop (xrf1);
	(xrf1) =	vsort.dscd.msk.f32 $0xffff, v28, v56  }
0x319: {  	v19 =	vmul.f32 v55, v19;
	v18 =	vadd.f32 v18, v6;
	v62, v61, _ =	vpop (xrf1);
	(xrf1) =	vsort.ascd.msk.f32 $0xffff, v23, v4  }
0x31a: {  	v28 =	vadd.f32 v57, v8;
	v9, v63, _ =	vpop (xrf1);
	(xrf1) =	vsort.dscd.msk.f32 $0xffff, v14, v3  }
0x31b: {  	v19 =	vadd.f32 v19, v5;
	v29 =	vadd.f32 v59, v7;
	v45, v44, _ =	vpop (xrf1);
	(xrf1) =	vsort.ascd.msk.f32 $0xffff, v18, v4  }
0x31c: {  	v43 =	vsel vm0, v52, v61;
	v0 =	vsel vm0, v0, v62;
	v47 =	vpop (erf);
	(xrf1) =	vsort.dscd.msk.f32 $0xffff, v28, v58  }
0x31d: {  	v46 =	vsel vm0, v63, v40;
	v37, v39, _ =	vpop (xrf1);
	v16 =	vmul.f32 v47, v16;
	(xrf1) =	vsort.ascd.msk.f32 $0xffff, v0, v43  }
0x31e: {  	v30 =	vsel vm0, v37, v45;
	v0 =	vsel vm0, v39, v44;
	(xrf1) =	vsort.dscd.msk.f32 $0xffff, v19, v3  }
0x31f: {  	v23 =	vsel vm0, v9, v38;
	v15 =	vmul.f32 v47, v15;
	v19, v14, _ =	vpop (xrf1);
	(xrf1) =	vsort.dscd.msk.f32 $0xffff, v30, v0  }
0x320: {  	v51 =	vmul.f32 v47, v17;
	v50 =	vadd.f32 v16, v8;
	v49, v48, _ =	vpop (xrf1);
	(xrf1) =	vsort.dscd.msk.f32 $0xffff, v23, v46  }
0x321: {  	v9 =	vadd.f32 v15, v6;
	v0 =	vmul.f32 v47, v20;
	(xrf1) =	vsort.ascd.msk.f32 $0xffff, v29, v2;
	v52, v53, _ =	vpop (xrf1)  }
0x322: {  	(xrf1) =	vsort.dscd.msk.f32 $0xffff, v50, v58;
	v16 =	vsel vm0, v49, v52;
	v17 =	vsel vm0, v48, v53  }
0x323: {  	v7 =	vadd.f32 v51, v7;
	v0 =	vadd.f32 v0, v5;
	(xrf1) =	vsort.dscd.msk.f32 $0xffff, v16, v17  }
0x324: {  	(xrf1) =	vsort.ascd.msk.f32 $0xffff, v9, v4  }
0x325: {  	(xrf1) =	vsort.ascd.msk.f32 $0xffff, v7, v2  }
0x326: {  	v8, v6, _ =	vpop (xrf1);
	(xrf1) =	vsort.dscd.msk.f32 $0xffff, v0, v3  }
0x327: {  	v0, v54, _ =	vpop (xrf1)  }
0x328: {  	v55, v56, _ =	vpop (xrf1)  }
0x329: {  	v59, v57, _ =	vpop (xrf1)  }
0x32a: {  	v61, v23, _ =	vpop (xrf1)  }
0x32b: {  	v62, v63, _ =	vpop (xrf1)  }
0x32c: {  	v46, v45, _ =	vpop (xrf1)  }
0x32d: {  	v37, v7, _ =	vpop (xrf1)  }
0x32e: {  	v0 =	vsel vm0, v55, v0;
	v9 =	vsel vm0, v56, v54;
	v47, v48, _ =	vpop (xrf1)  }
0x32f: {  	v40, v41, _ =	vpop (xrf1);
	(xrf1) =	vsort.ascd.msk.f32 $0xffff, v0, v9  }
0x330: {  	v53 =	vsel vm0, v45, v57;
	v0 =	vsel vm0, v46, v59;
	v50, v49, _ =	vpop (xrf1)  }
0x331: {  	(xrf1) =	vsort.ascd.msk.f32 $0xffff, v0, v53;
	v0 =	vsel vm0, v47, v62;
	v51, v52, _ =	vpop (xrf1)  }
0x332: {  	v56 =	vsel vm0, v48, v63;
	v54, v55, _ =	vpop (xrf1)  }
0x333: {  	v20 =	vsel vm0, v61, v40;
	v23 =	vsel vm0, v23, v41;
	(xrf1) =	vsort.dscd.msk.f32 $0xffff, v0, v56;
	v57, v59, _ =	vpop (xrf1)  }
0x334: {  	v0, v9, _ =	vpop (xrf1);
	(xrf1) =	vsort.dscd.msk.f32 $0xffff, v20, v23;
	_ =	sdelay $0x2  }
0x335: {  	v0 =	vsel vm0, v0, v54;
	v9 =	vsel vm0, v9, v55  }
0x336: {  	v61 =	vsel vm0, v50, v57;
	v62 =	vsel vm0, v49, v59;
	(xrf1) =	vsort.ascd.msk.f32 $0xffff, v0, v9  }
0x337: {  	(xrf1) =	vsort.dscd.msk.f32 $0xffff, v61, v62;
	_ =	sdelay $0x3  }
0x338: {  	v0, v9, _ =	vpop (xrf1)  }
0x339: {  	v9 =	vsel vm0, v52, v9  }
0x33a: {  	v0 =	vsel vm0, v51, v0  }
0x33b: {  	v17, v18, _ =	vpop (xrf1)  }
0x33c: {  	v63, v16, _ =	vpop (xrf1)  }
0x33d: {  	(xrf1) =	vsort.dscd.msk.f32 $0xffff, v0, v9;
	v0, v9, _ =	vpop (xrf1)  }
0x33e: {  	v9 =	vsel vm0, v9, v18  }
0x33f: {  	v0 =	vsel vm0, v0, v17;
	_ =	sdelay $0x1  }
0x340: {  	v33, v38, _ =	vpop (xrf1);
	(xrf1) =	vsort.dscd.msk.f32 $0xffff, v0, v9  }
0x341: {  	v0, v9, _ =	vpop (xrf1)  }
0x342: {  	v0 =	vsel vm0, v0, v33;
	v9 =	vsel vm0, v9, v38  }
0x343: {  	(xrf1) =	vsort.dscd.msk.f32 $0xffff, v0, v9;
	v0 =	vld.idx.msk [tilespmem:v26+s9+$0x0], $0xffff;
	_ =	sdelay $0x2  }
0x344: {  	v17 =	vsub.f32 v34, v35  }
0x345: {  	v39 =	vld.idx.msk [tilespmem:v21+s9+$0x0], $0xffff  }
0x346: {  	v40 =	vld.idx.msk [tilespmem:v14+s9+$0x0], $0xffff;
	(xrf2) =	vadd.scan.msk.f32 $0xffff, v17;
	v0 =	vsub.f32 v36, v0;
	_ =	sdelay $0x1  }
0x347: {  	(xrf2) =	vadd.scan.msk.f32 $0xffff, v0  }
0x348: {  	v41 =	vld.idx.msk [tilespmem:v6+s9+$0x0], $0xffff  }
0x349: {  	v42 =	vld.idx.msk [tilespmem:v7+s9+$0x0], $0xffff;
	v9 =	vsub.f32 v31, v39  }
0x34a: {  	v18 =	vsub.f32 v19, v40;
	v43, v28, _ =	vpop (xrf1)  }
0x34b: {  	v44 =	vld.idx.msk [tilespmem:v16+s9+$0x0], $0xffff;
	(xrf2) =	vadd.scan.msk.f32 $0xffff, v9;
	v45, v31, _ =	vpop (xrf1)  }
0x34c: {  	(xrf2) =	vadd.scan.msk.f32 $0xffff, v18  }
0x34d: {  	v24 =	vbroadcast v24, $0x7;
	v8 =	vsub.f32 v8, v41  }
0x34e: {  	v19 =	vsub.f32 v37, v42;
	v46 =	vld.idx.msk [tilespmem:v28+s9+$0x0], $0xffff;
	v47, v34, _ =	vpop (xrf1)  }
0x34f: {  	(erf) = vrcp.f32 v24;
	v48, _, _ =	vpop (xrf2);
	(xrf2) =	vadd.scan.msk.f32 $0xffff, v8;
	v49 =	vld.idx.msk [tilespmem:v31+s9+$0x0], $0xffff  }
0x350: {  	v15 =	vsub.f32 v63, v44;
	v50 =	vbroadcast v48, $0x7;
	(xrf2) =	vadd.scan.msk.f32 $0xffff, v19  }
0x351: {  	v51, _, _ =	vpop (xrf2)  }
0x352: {  	(erf) = vrcp.f32 v50;
	(xrf2) =	vadd.scan.msk.f32 $0xffff, v15;
	v52 =	vld.idx.msk [tilespmem:v34+s9+$0x0], $0xffff;
	v29 =	vbroadcast v51, $0x7  }
0x353: {  	v20 =	vsub.f32 v43, v46  }
0x354: {  	v24 =	vsub.f32 v45, v49;
	(erf) = vrcp.f32 v29  }
0x355: {  	v53, _, _ =	vpop (xrf2);
	(xrf2) =	vadd.scan.msk.f32 $0xffff, v20  }
0x356: {  	v23 =	vbroadcast v53, $0x7;
	v55, _, _ =	vpop (xrf2);
	(xrf2) =	vadd.scan.msk.f32 $0xffff, v24  }
0x357: {  	v54 =	vadd.s32 s26, v60;
	v56 =	vbroadcast v55, $0x7;
	v30 =	vsub.f32 v47, v52  }
0x358: {  	v61 =	vpop (erf);
	(erf) = vrcp.f32 v23  }
0x359: {  	v57 =	vadd.s32 s23, v60;
	v59, _, _ =	vpop (xrf2);
	(erf) = vrcp.f32 v56;
	(xrf2) =	vadd.scan.msk.f32 $0xffff, v30  }
0x35a: {  	v22 =	vmul.f32 v27, v22;
	v62 =	vbroadcast v59, $0x7;
	v63, _, _ =	vpop (xrf2)  }
0x35b: {  	[tilespmem:v32+s17+$0x0] =	vst.idx.msk $0xff, v10;
	v37 =	vadd.s32 s21, v60;
	v38 =	vpop (erf);
	v39 =	vbroadcast v63, $0x7  }
0x35c: {  	[tilespmem:v54+s16+$0x0] =	vst.idx.msk $0xff, v22;
	v36 =	vmul.f32 v61, v25;
	(erf) = vrcp.f32 v62;
	v40, _, _ =	vpop (xrf2)  }
0x35d: {  	[tilespmem:v54+s17+$0x0] =	vst.idx.msk $0xff, v11;
	v42 =	vadd.s32 s20, v60;
	v41 =	vmul.f32 v38, v17;
	(erf) = vrcp.f32 v39;
	v43 =	vpop (erf)  }
0x35e: {  	[tilespmem:v57+s16+$0x0] =	vst.idx.msk $0xff, v36;
	v44 =	vbroadcast v40, $0x7;
	v0 =	vmul.f32 v43, v0  }
0x35f: {  	[tilespmem:v57+s17+$0x0] =	vst.idx.msk $0xff, v12;
	v45 =	vadd.s32 s0, v60;
	v46, _, _ =	vpop (xrf2)  }
0x360: {  	[tilespmem:v37+s16+$0x0] =	vst.idx.msk $0xff, v41;
	v12 =	vbroadcast v46, $0x7;
	(erf) = vrcp.f32 v44;
	v49, _, _ =	vpop (xrf2)  }
0x361: {  	v48 =	vadd.s32 s25, v60;
	[tilespmem:v37+s17+$0x0] =	vst.idx.msk $0xff, v13;
	v47 =	vpop (erf);
	v50 =	vbroadcast v49, $0x7  }
0x362: {  	v9 =	vmul.f32 v47, v9;
	(erf) = vrcp.f32 v12;
	[tilespmem:v42+s16+$0x0] =	vst.idx.msk $0xff, v0;
	v0 =	vpop (erf)  }
0x363: {  	v51 =	vadd.s32 s24, v60;
	[tilespmem:v42+s17+$0x0] =	vst.idx.msk $0xff, v26;
	(erf) = vrcp.f32 v50;
	v52, _, _ =	vpop (xrf2)  }
0x364: {  	[tilespmem:v45+s16+$0x0] =	vst.idx.msk $0xff, v9;
	v0 =	vmul.f32 v0, v18;
	v53 =	vbroadcast v52, $0x7  }
0x365: {  	v55 =	vadd.s32 s22, v60;
	[tilespmem:v45+s17+$0x0] =	vst.idx.msk $0xff, v21;
	v54 =	vpop (erf)  }
0x366: {  	[tilespmem:v48+s16+$0x0] =	vst.idx.msk $0xff, v0;
	v0 =	vmul.f32 v54, v8;
	(erf) = vrcp.f32 v53  }
0x367: {  	v57 =	vadd.s32 s2, v60;
	v56 =	vpop (erf);
	[tilespmem:v48+s17+$0x0] =	vst.idx.msk $0xff, v14  }
0x368: {  	[tilespmem:v51+s16+$0x0] =	vst.idx.msk $0xff, v0;
	v0 =	vmul.f32 v56, v19  }
0x369: {  	v59 =	vpop (erf);
	[tilespmem:v51+s17+$0x0] =	vst.idx.msk $0xff, v6;
	v6 =	vadd.s32 s29, v60  }
0x36a: {  	[tilespmem:v55+s16+$0x0] =	vst.idx.msk $0xff, v0;
	v0 =	vmul.f32 v59, v15  }
0x36b: {  	v61 =	vpop (erf);
	[tilespmem:v55+s17+$0x0] =	vst.idx.msk $0xff, v7;
	v7 =	vadd.s32 s30, v60  }
0x36c: {  	[tilespmem:v57+s16+$0x0] =	vst.idx.msk $0xff, v0;
	v0 =	vmul.f32 v61, v20  }
0x36d: {  	v63 =	vadd.s32 s28, v60;
	v62 =	vpop (erf);
	[tilespmem:v57+s17+$0x0] =	vst.idx.msk $0xff, v16  }
0x36e: {  	[tilespmem:v6+s16+$0x0] =	vst.idx.msk $0xff, v0;
	v0 =	vmul.f32 v62, v24  }
0x36f: {  	[tilespmem:v6+s17+$0x0] =	vst.idx.msk $0xff, v28;
	v6 =	vpop (erf)  }
0x370: {  	[tilespmem:v7+s16+$0x0] =	vst.idx.msk $0xff, v0;
	v0 =	vmul.f32 v6, v30  }
0x371: {  	[tilespmem:v7+s17+$0x0] =	vst.idx.msk $0xff, v31  }
0x372: {  	[tilespmem:v63+s16+$0x0] =	vst.idx.msk $0xff, v0  }
0x373: {  	[tilespmem:v63+s17+$0x0] =	vst.idx.msk $0xff, v34  }
0x374: {  	s7 =	simm.s32 $0x0;
	s1 =	simm.s32 $0x3;
	s28 =	rddreg [dreg:$0x7]  }
0x375: {  	[hbm4b:s28+s7] =	stream.linear.scatter [tilespmem:s16], [sflag:$0x3], $0x2000, $0x38;
	[tilespmem:$0x1C300] =	vst v63  }
0x376: {  	_ =	swait.ge [sflag:s1], $0x2000  }
0x377: {  	[sflag:s1] =	ssyncset.done $0x0  }
0x378: {  	s29 =	rddreg [dreg:$0x8];
	[sflag:s1] =	ssyncadd.s32 $0xFFFFE000  }
0x379: {  	[hbm4b:s29+s7] =	stream.linear.scatter [tilespmem:s17], [sflag:$0x3], $0x2000, $0x38;
	[tilespmem:$0x1C300] =	vst v63  }
0x37a: {  	_ =	swait.ge [sflag:s1], $0x2000  }
0x37b: {  	s30 =	rddreg [dreg:$0xa]  }
0x37c: {  	s31 =	rddreg [dreg:$0x9];
	s25 =	sadd.s32 $0x1, s30  }
0x37d: {  	p0 =	sne.s32 s25, s31  }
.Ltmp8:
0x37e: {  	_ = 	snop;
	(pc) =	sbr.rel @p0 .LBB2_1-.Ltmp8, $4  }
.Ltmp9:
0x37f: {  	_ = 	snop;
	(pc) =	sbr.rel @!p0 .LBB2_18-.Ltmp9, $4  }
0x380: {  	_ = 	snop  }
0x381: {  	[sflag:s1] =	ssyncset.done $0x0  }
0x382: {  	[sflag:s1] =	ssyncadd.s32 $0xFFFFE000  }
0x383: {  	_ = 	snop  }
.LBB2_4:
.Ltmp10:
0x384: {  	(pc) =	sbr.rel .LBB2_13-.Ltmp10, $3  }
0x385: {  	_ =	sdelay $0x1  }
0x386: {  	s14 =	smov.u32 s4;
	s12 =	smov.u32 s18;
	v19 =	vmovc v14;
	v20 =	vmov v46;
	v22 =	vmov v21;
	v28 =	vmov v25  }
0x387: {  	s21 =	smov.u32 s0;
	s6 =	smov.u32 s10;
	v31 =	vmovc v36;
	v27 =	vmovc v24;
	v23 =	vmov v16;
	v29 =	vmov v33;
	v30 =	vmov v32;
	s30 =	simm.s32 $0x1  }
.LBB2_6:
.Ltmp11:
0x388: {  	(pc) =	sbr.rel .LBB2_13-.Ltmp11, $3  }
0x389: {  	_ =	sdelay $0x1  }
0x38a: {  	s11 =	smov.u32 s4;
	s1 =	smov.u32 s18  }
0x38b: {  	s5 =	smov.u32 s0;
	s2 =	smov.u32 s10;
	s31 =	simm.s32 $0x1  }
.LBB2_8:
0x38c: {  	s11 =	smov.u32 s14  }
.Ltmp12:
0x38d: {  	s1 =	smov.u32 s12;
	s5 =	smov.u32 s21;
	(pc) =	sbr.rel .LBB2_13-.Ltmp12, $4  }
0x38e: {  	s2 =	smov.u32 s6;
	s8 =	smov.u32 s4;
	s14 =	smov.u32 s25  }
0x38f: {  	v46 =	vmovc v20;
	v34 =	vmov v14;
	v19 =	vmov v38;
	v20 =	vmov v36;
	s13 =	smov.u32 s18;
	s12 =	smov.u32 s28;
	s19 =	simm.s32 $0x1  }
0x390: {  	v22 =	vmovc v45;
	v28 =	vmovc v47;
	v38 =	vmov v16;
	v31 =	vmov v55;
	v27 =	vmov v52;
	s31 =	simm.s32 $0x5;
	s30 =	simm.s32 $0x9;
	s3 =	smov.u32 s0  }
0x391: {  	v23 =	vmovc v50;
	v29 =	vmovc v33;
	v30 =	vmov v32;
	v32 =	vmov v57;
	s21 =	smov.u32 s26;
	v33 =	vmov v9;
	s7 =	smov.u32 s10;
	s6 =	smov.u32 s29  }
.LBB2_10:
0x392: {  	s8 =	smov.u32 s14  }
.Ltmp13:
0x393: {  	s13 =	smov.u32 s12;
	s3 =	smov.u32 s21;
	(pc) =	sbr.rel .LBB2_13-.Ltmp13, $4  }
0x394: {  	s7 =	smov.u32 s6;
	s11 =	smov.u32 s25;
	s14 =	smov.u32 s24  }
0x395: {  	s1 =	smov.u32 s28;
	s12 =	smov.u32 s23;
	s19 =	simm.s32 $0x5  }
0x396: {  	v59 =	vmov v9;
	s30 =	simm.s32 $0xD;
	s5 =	smov.u32 s26;
	s21 =	smov.u32 s2;
	v9 =	vld [tilespmem:$0x1FFC0]  }
0x397: {  	v46 =	vmov v36;
	s2 =	smov.u32 s29;
	s6 =	smov.u32 s22;
	s20 =	simm.s32 $0x1;
	v57 =	vld [tilespmem:$0x1FFB0];
	v21 =	vmov v10  }
.LBB2_18:
0x398: {  	_ =	sfence.sel $0x180000  }
0x399: {  	[bflag:$0x0] =	sbarrier.arrive $0xFFFF  }
0x39a: {  	_ =	strace $0x90000047  }
0x39b: {  	s0 =	stileid.u32;
	[bflag:$0x2] =	sbarrier.arrive $0xFFFF  }
0x39c: {  	p0 =	sne.s32 s0, $0x0;
	s0 =	rddreg [dreg:$0x4]  }
0x39d: {  	s0 =	sadd.s32 @!p0 $0x100000, s0  }
0x39e: {  	[sflag:s0] =	ssyncadd.tile.s32 @!p0 $0x1;
	_ =	shalt  }
.Lfunc_end2:
_tile_overlayer_lowered:
.L_overlay_start_2:
0x39f: {  	(tag) =	ssettag $0x2  }
0x3a0: {  	s0 =	rddreg [dreg:$0x0];
	s2 =	stileid.u32  }
0x3a1: {  	s1 =	rddreg [dreg:$0x1];
	p0 =	sne.s32 s2, $0x0  }
0x3a2: {  	s3 =	rddreg [dreg:$0x2];
	[bflag:$0x3] =	sbarrier.arrive $0xFFFF;
	s2 =	simm.s32 @!p0 $0x1C03  }
0x3a3: {  	[timem:s3], [sflag:s2] =	dma.local @!p0 [hbm:s0], s1  }
0x3a4: {  	s0 =	simm.s32 @!p0 $0x3  }
0x3a5: {  	_ =	swait.ge @!p0 [sflag:s0], s1  }
0x3a6: {  	s1 =	ssub.s32 @!p0 $0x0, s1;
	[sflag:s0] =	ssyncset.done @!p0 $0x0  }
0x3a7: {  	[sflag:s0] =	ssyncadd.s32 @!p0 s1  }
0x3a8: {  	[bflag:$0x3] =	sbarrier.arrive $0xFFFF  }
0x3a9: {  	_ =	shalt  }

</sc_bundles>
